<compile_context>
chip_gen: v7x
topology: tpu7x:2x2x1
jax: 0.10.2.dev20260603
libtpu: 0.0.44.dev20260713+nightly
codegen_flags: <defaults>
</compile_context>

<pallas_src>
import jax
import jax.numpy as jnp
from jax import lax
from jax.experimental import pallas as pl
from jax.experimental.pallas import tpu as pltpu
from jax.experimental.pallas import tpu_sc as plsc

N = 10000
E = 320000
NC = 2
NS = 16
NW = NC * NS
EPT = E // NW
RPT = 624
TAIL = N - NS * RPT

_MESH = plsc.VectorSubcoreMesh(core_axis_name="c", subcore_axis_name="s")
_SC_PARAMS = pltpu.CompilerParams(use_tc_tiling_on_sc=False)


def _make_spmm(D, K):
    NB = EPT // K

    def body(h_hbm, src_hbm, dst_hbm, zrow_hbm, out_hbm,
             accum, htab, sidx, didx, rows, gsem):
        c = lax.axis_index("c")
        s = lax.axis_index("s")
        tid = s * NC + c
        r0 = pl.multiple_of(s * RPT, 8)
        pltpu.sync_copy(zrow_hbm, accum.at[pl.ds(r0, RPT)])
        pltpu.sync_copy(h_hbm.at[pl.ds(r0, RPT)], htab.at[pl.ds(r0, RPT)])

        @pl.when(s == NS - 1)
        def _():
            pltpu.sync_copy(zrow_hbm.at[pl.ds(0, TAIL)],
                            accum.at[pl.ds(NS * RPT, TAIL)])
            pltpu.sync_copy(h_hbm.at[pl.ds(NS * RPT, TAIL)],
                            htab.at[pl.ds(NS * RPT, TAIL)])

        pltpu.sync_copy(src_hbm.at[tid], sidx)
        pltpu.sync_copy(dst_hbm.at[tid], didx)
        plsc.subcore_barrier()

        def step(i, carry):
            b = lax.rem(i, 3)
            pltpu.make_async_copy(htab.at[sidx.at[i]], rows.at[b], gsem).wait()

            @pl.when(i + 2 < NB)
            def _():
                pltpu.async_copy(htab.at[sidx.at[i + 2]],
                                 rows.at[lax.rem(i + 2, 3)], gsem)

            pltpu.sync_copy(rows.at[b], accum.at[didx.at[i]], add=True)
            return carry

        pltpu.async_copy(htab.at[sidx.at[0]], rows.at[0], gsem)
        pltpu.async_copy(htab.at[sidx.at[1]], rows.at[1], gsem)
        lax.fori_loop(0, NB, step, 0)
        plsc.subcore_barrier()
        pltpu.sync_copy(accum.at[pl.ds(r0, RPT)],
                        out_hbm.at[c, pl.ds(r0, RPT)])

        @pl.when(s == NS - 1)
        def _():
            pltpu.sync_copy(accum.at[pl.ds(NS * RPT, TAIL)],
                            out_hbm.at[c, pl.ds(NS * RPT, TAIL)])

    return pl.kernel(
        body,
        out_type=jax.ShapeDtypeStruct((NC, N, D), jnp.float32),
        mesh=_MESH,
        compiler_params=_SC_PARAMS,
        scratch_types=[
            pltpu.VMEM_SHARED((N, D), jnp.float32),
            pltpu.VMEM_SHARED((N, D), jnp.float32),
            pltpu.VMEM((NB, K), jnp.int32),
            pltpu.VMEM((NB, K), jnp.int32),
            pltpu.VMEM((3, K, D), jnp.float32),
            pltpu.SemaphoreType.DMA,
        ],
    )


def _make_spmm2(D, K):
    NB = EPT // K

    def body(ha_hbm, hb_hbm, src_hbm, dst_hbm, zrow_hbm, outa_hbm, outb_hbm,
             accum, htab, sidx, didx, rows, gsem):
        c = lax.axis_index("c")
        s = lax.axis_index("s")
        tid = s * NC + c
        r0 = pl.multiple_of(s * RPT, 8)
        pltpu.sync_copy(src_hbm.at[tid], sidx)
        pltpu.sync_copy(dst_hbm.at[tid], didx)

        def run_pass(h_hbm, out_hbm):
            pltpu.sync_copy(zrow_hbm, accum.at[pl.ds(r0, RPT)])
            pltpu.sync_copy(h_hbm.at[pl.ds(r0, RPT)], htab.at[pl.ds(r0, RPT)])

            @pl.when(s == NS - 1)
            def _():
                pltpu.sync_copy(zrow_hbm.at[pl.ds(0, TAIL)],
                                accum.at[pl.ds(NS * RPT, TAIL)])
                pltpu.sync_copy(h_hbm.at[pl.ds(NS * RPT, TAIL)],
                                htab.at[pl.ds(NS * RPT, TAIL)])

            plsc.subcore_barrier()

            def step(i, carry):
                b = lax.rem(i, 3)
                pltpu.make_async_copy(htab.at[sidx.at[i]], rows.at[b],
                                      gsem).wait()

                @pl.when(i + 2 < NB)
                def _():
                    pltpu.async_copy(htab.at[sidx.at[i + 2]],
                                     rows.at[lax.rem(i + 2, 3)], gsem)

                pltpu.sync_copy(rows.at[b], accum.at[didx.at[i]], add=True)
                return carry

            pltpu.async_copy(htab.at[sidx.at[0]], rows.at[0], gsem)
            pltpu.async_copy(htab.at[sidx.at[1]], rows.at[1], gsem)
            lax.fori_loop(0, NB, step, 0)
            plsc.subcore_barrier()
            pltpu.sync_copy(accum.at[pl.ds(r0, RPT)],
                            out_hbm.at[c, pl.ds(r0, RPT)])

            @pl.when(s == NS - 1)
            def _():
                pltpu.sync_copy(accum.at[pl.ds(NS * RPT, TAIL)],
                                out_hbm.at[c, pl.ds(NS * RPT, TAIL)])

        run_pass(ha_hbm, outa_hbm)
        run_pass(hb_hbm, outb_hbm)

    return pl.kernel(
        body,
        out_type=[jax.ShapeDtypeStruct((NC, N, D), jnp.float32),
                  jax.ShapeDtypeStruct((NC, N, D), jnp.float32)],
        mesh=_MESH,
        compiler_params=_SC_PARAMS,
        scratch_types=[
            pltpu.VMEM_SHARED((N, D), jnp.float32),
            pltpu.VMEM_SHARED((N, D), jnp.float32),
            pltpu.VMEM((NB, K), jnp.int32),
            pltpu.VMEM((NB, K), jnp.int32),
            pltpu.VMEM((3, K, D), jnp.float32),
            pltpu.SemaphoreType.DMA,
        ],
    )


KD = 80
NBD = EPT // KD


def _deg_body(src_hbm, dst_hbm, ones_hbm, zrow_hbm,
              out_hbm, src_out, dst_out, accum, sidx, didx, ones_v):
    c = lax.axis_index("c")
    s = lax.axis_index("s")
    tid = s * NC + c
    r0 = pl.multiple_of(s * RPT, 8)
    pltpu.sync_copy(zrow_hbm, accum.at[pl.ds(r0, RPT)])

    @pl.when(s == NS - 1)
    def _():
        pltpu.sync_copy(zrow_hbm.at[pl.ds(0, TAIL)],
                        accum.at[pl.ds(NS * RPT, TAIL)])

    pltpu.sync_copy(src_hbm.at[tid], sidx)
    pltpu.sync_copy(dst_hbm.at[tid], didx)
    pltpu.sync_copy(sidx, src_out.at[tid])
    pltpu.sync_copy(didx, dst_out.at[tid])
    pltpu.sync_copy(ones_hbm, ones_v)
    plsc.subcore_barrier()

    def step(i, carry):
        pltpu.sync_copy(ones_v, accum.at[didx.at[i]], add=True)
        return carry

    lax.fori_loop(0, NBD, step, 0)
    plsc.subcore_barrier()
    pltpu.sync_copy(accum.at[pl.ds(r0, RPT)],
                    out_hbm.at[c, pl.ds(r0, RPT)])

    @pl.when(s == NS - 1)
    def _():
        pltpu.sync_copy(accum.at[pl.ds(NS * RPT, TAIL)],
                        out_hbm.at[c, pl.ds(NS * RPT, TAIL)])


_deg_call = pl.kernel(
    _deg_body,
    out_type=[jax.ShapeDtypeStruct((NC, N, 16), jnp.float32),
              jax.ShapeDtypeStruct((NW, NBD, KD), jnp.int32),
              jax.ShapeDtypeStruct((NW, NBD, KD), jnp.int32)],
    mesh=_MESH,
    compiler_params=_SC_PARAMS,
    scratch_types=[
        pltpu.VMEM_SHARED((N, 16), jnp.float32),
        pltpu.VMEM((NBD, KD), jnp.int32),
        pltpu.VMEM((NBD, KD), jnp.int32),
        pltpu.VMEM((KD, 16), jnp.float32),
    ],
)

_spmm64 = _make_spmm(64, 80)
_spmm16 = _make_spmm(16, 80)
_spmm64x2 = _make_spmm2(64, 80)


_B = 2000
_G = N // _B


def _mm1_body(d0_ref, d1_ref, x_ref, w_ref, dis_ref, oa_ref, ob_ref):
    dis = lax.rsqrt(d0_ref[0, :, 0:1] + d1_ref[0, :, 0:1] + 1.0)
    dis_ref[...] = dis
    hp = jnp.dot(x_ref[...], w_ref[...],
                 preferred_element_type=jnp.float32) * dis
    oa_ref[...] = hp[:, 0:64]
    ob_ref[...] = hp[:, 64:128]


def _mid1_body(sa0_ref, sa1_ref, sb0_ref, sb1_ref, ha_ref, hb_ref,
               dis_ref, b_ref, w_ref, o_ref):
    dis = dis_ref[...]
    ta = dis * (sa0_ref[0] + sa1_ref[0] + ha_ref[...]) + b_ref[:, 0:64]
    tb = dis * (sb0_ref[0] + sb1_ref[0] + hb_ref[...]) + b_ref[:, 64:128]
    t = jnp.concatenate([ta, tb], axis=1)
    t = jnp.where(t > 0, t, jnp.exp(t) - 1.0)
    o_ref[...] = jnp.dot(t, w_ref[...],
                         preferred_element_type=jnp.float32) * dis


def _mid_body(s0_ref, s1_ref, hp_ref, dis_ref, b_ref, w_ref, o_ref):
    dis = dis_ref[...]
    t = dis * (s0_ref[0] + s1_ref[0] + hp_ref[...]) + b_ref[...]
    t = jnp.where(t > 0, t, jnp.exp(t) - 1.0)
    o_ref[...] = jnp.dot(t, w_ref[...],
                         preferred_element_type=jnp.float32) * dis


def _final_body(s0_ref, s1_ref, hp_ref, dis_ref, b_ref, o_ref):
    acc = s0_ref[0, :, 0:1] + s1_ref[0, :, 0:1] + hp_ref[:, 0:1]
    o_ref[...] = dis_ref[...] * acc + b_ref[...]


def _row_spec(d):
    return pl.BlockSpec((_B, d), lambda i: (i, 0))


def _part_spec(d, core):
    return pl.BlockSpec((1, _B, d), lambda i, c=core: (c, i, 0))


def _full_spec(r, c):
    return pl.BlockSpec((r, c), lambda i: (0, 0))


def _mm1(dp, x, w):
    return pl.pallas_call(
        _mm1_body,
        grid=(_G,),
        in_specs=[_part_spec(16, 0), _part_spec(16, 1), _row_spec(128),
                  _full_spec(128, 128)],
        out_specs=[_row_spec(1), _row_spec(64), _row_spec(64)],
        out_shape=[jax.ShapeDtypeStruct((N, 1), jnp.float32),
                   jax.ShapeDtypeStruct((N, 64), jnp.float32),
                   jax.ShapeDtypeStruct((N, 64), jnp.float32)],
    )(dp, dp, x, w)


def _mid1(sa, sb, ha, hb, dis, b, w):
    return pl.pallas_call(
        _mid1_body,
        grid=(_G,),
        in_specs=[_part_spec(64, 0), _part_spec(64, 1),
                  _part_spec(64, 0), _part_spec(64, 1),
                  _row_spec(64), _row_spec(64), _row_spec(1),
                  _full_spec(1, 128), _full_spec(128, 64)],
        out_specs=_row_spec(64),
        out_shape=jax.ShapeDtypeStruct((N, 64), jnp.float32),
    )(sa, sa, sb, sb, ha, hb, dis, b, w)


def _mid(sp, hp, dis, b, w):
    din, dout = w.shape
    return pl.pallas_call(
        _mid_body,
        grid=(_G,),
        in_specs=[_part_spec(din, 0), _part_spec(din, 1), _row_spec(din),
                  _row_spec(1), _full_spec(1, din), _full_spec(din, dout)],
        out_specs=_row_spec(dout),
        out_shape=jax.ShapeDtypeStruct((N, dout), jnp.float32),
    )(sp, sp, hp, dis, b, w)


def _final(sp, hp, dis, b):
    return pl.pallas_call(
        _final_body,
        grid=(_G,),
        in_specs=[_part_spec(16, 0), _part_spec(16, 1), _row_spec(16),
                  _row_spec(1), _full_spec(1, 1)],
        out_specs=_row_spec(1),
        out_shape=jax.ShapeDtypeStruct((N, 1), jnp.float32),
    )(sp, sp, hp, dis, b)


def kernel(x, edge_index, W1, b1, W2, b2, W3, b3):
    ei = edge_index.astype(jnp.int32)
    src80 = ei[0].reshape(NW, EPT // 80, 80)
    dst80 = ei[1].reshape(NW, EPT // 80, 80)
    z64 = jnp.zeros((RPT, 64), jnp.float32)
    z16 = jnp.zeros((RPT, 16), jnp.float32)
    ones16 = jnp.ones((KD, 16), jnp.float32)

    degp, src_sc, dst_sc = _deg_call(src80, dst80, ones16, z16)
    dis, h1a, h1b = _mm1(degp, x, W1)
    s1a, s1b = _spmm64x2(h1a, h1b, src_sc, dst_sc, z64)
    h2p = _mid1(s1a, s1b, h1a, h1b, dis, b1.reshape(1, 128), W2)
    s2 = _spmm64(h2p, src_sc, dst_sc, z64)
    W3p = jnp.pad(W3, ((0, 0), (0, 15)))
    h3p = _mid(s2, h2p, dis, b2.reshape(1, 64), W3p)
    s3 = _spmm16(h3p, src_sc, dst_sc, z16)
    return _final(s3, h3p, dis, b3.reshape(1, 1))

# --- scband reference (transcript-rebuilt; emitter-appended) ---
"""Pipeline reference for scband-gcn-36464272343074 (READ-ONLY COPY).

The authoritative reference and input builder live on the scoring server;
editing this copy changes nothing except your own understanding.
"""

import jax, jax.numpy as jnp
import numpy as np

N_NODES = 10000


def gcn_conv(x, edge_index, W, b):
    n = x.shape[0]
    src = edge_index[0]
    dst = edge_index[1]
    # add self loops (PyG GCNConv default add_self_loops=True)
    loop = jnp.arange(n, dtype=edge_index.dtype)
    src = jnp.concatenate([src, loop])
    dst = jnp.concatenate([dst, loop])
    # symmetric normalization: deg computed on dst with unit edge weights
    deg = jnp.zeros((n,), dtype=x.dtype).at[dst].add(1.0)
    deg_inv_sqrt = jnp.where(deg > 0, deg ** -0.5, 0.0)
    norm = deg_inv_sqrt[src] * deg_inv_sqrt[dst]
    h = x @ W
    msg = h[src] * norm[:, None]
    out = jnp.zeros((n, W.shape[1]), dtype=x.dtype).at[dst].add(msg)
    return out + b


def setup_inputs(seed: int = 0) -> dict:
    key = jax.random.key(seed)
    k_x, k_e, k1, k2, k3 = jax.random.split(key, 5)
    d = 128
    x = jax.random.normal(k_x, (N_NODES, d), dtype=jnp.float32)
    edge_index = jax.random.randint(k_e, (2, 320000), 0, N_NODES, dtype=jnp.int64)
    # glorot-style init for GCNConv weights
    W1 = jax.random.normal(k1, (d, d), dtype=jnp.float32) * (2.0 / (d + d)) ** 0.5
    b1 = jnp.zeros((d,), dtype=jnp.float32)
    W2 = jax.random.normal(k2, (d, d // 2), dtype=jnp.float32) * (2.0 / (d + d // 2)) ** 0.5
    b2 = jnp.zeros((d // 2,), dtype=jnp.float32)
    W3 = jax.random.normal(k3, (d // 2, 1), dtype=jnp.float32) * (2.0 / (d // 2 + 1)) ** 0.5
    b3 = jnp.zeros((1,), dtype=jnp.float32)
    return {"x": x, "edge_index": edge_index, "W1": W1, "b1": b1, "W2": W2, "b2": b2, "W3": W3, "b3": b3}


def reference(x, edge_index, W1, b1, W2, b2, W3, b3):
    # conv1 -> ELU -> (dropout is identity in eval) -> conv2 -> ELU -> conv3
    h = gcn_conv(x, edge_index, W1, b1)
    h = jax.nn.elu(h)
    h = gcn_conv(h, edge_index, W2, b2)
    h = jax.nn.elu(h)
    h = gcn_conv(h, edge_index, W3, b3)
    return h

if __name__ == "__main__":
    import jax
    _d = setup_inputs()
    print(jax.jit(kernel)(*tuple(_d.values())))

</pallas_src>

<mosaic_0001>
#map = affine_map<(d0, d1) -> (0, 0)>
#map1 = affine_map<(d0, d1) -> (0, 0, 0)>
module attributes {stable_mosaic.version = 14 : i64} {
  func.func @body(%arg0: i32, %arg1: i32, %arg2: memref<10000x16xf32, #tpu.memory_space<hbm>>, %arg3: memref<32x125x80xi32, #tpu.memory_space<hbm>>, %arg4: memref<32x125x80xi32, #tpu.memory_space<hbm>>, %arg5: memref<624x16xf32, #tpu.memory_space<hbm>>, %arg6: memref<2x10000x16xf32, #tpu.memory_space<hbm>>, %arg7: memref<10000x16xf32, #tpu.memory_space<vmem_shared>>, %arg8: memref<10000x16xf32, #tpu.memory_space<vmem_shared>>, %arg9: memref<125x80xi32, #tpu.memory_space<vmem>>, %arg10: memref<125x80xi32, #tpu.memory_space<vmem>>, %arg11: memref<3x80x16xf32, #tpu.memory_space<vmem>>, %arg12: memref<!tpu.dma_semaphore, #tpu.memory_space<semaphore_mem>>) attributes {dimension_semantics = [#tpu.dimension_semantics<core_parallel>, #tpu.dimension_semantics<subcore_parallel>], iteration_bounds = array<i64: 2, 16>, scalar_prefetch = 0 : i64, scratch_operands = 6 : i64, tpu.core_type = #tpu.core_type<sc_vector_subcore>, window_params = [{transform_indices = #map}, {transform_indices = #map1}, {transform_indices = #map1}, {transform_indices = #map}, {transform_indices = #map1}]} {
    %mul3A = arith.constant 2 : i32
    %mul3A_0 = arith.muli %arg1, %mul3A : i32
    %add3A = arith.addi %mul3A_0, %arg0 : i32
    %mul3A_1 = arith.constant 624 : i32
    %mul3A_2 = arith.muli %arg1, %mul3A_1 : i32
    %multiple_of3A = tpu.assume_multiple %mul3A_2, 8 : i32
    "tpu.region"() ({
      %run_scoped3A = tpu.sem_alloc : memref<!tpu.dma_semaphore, #tpu.memory_space<semaphore_mem>>
      %dma_start3A_39 = arith.constant 0 : i32
      %dma_start3A_40 = tpu.memref_slice %arg7[%multiple_of3A, %dma_start3A_39] : memref<10000x16xf32, #tpu.memory_space<vmem_shared>> -> memref<624x16xf32, #tpu.memory_space<vmem_shared>>
      tpu.enqueue_dma source(%arg5 : memref<624x16xf32, #tpu.memory_space<hbm>>) target(%dma_start3A_40 : memref<624x16xf32, #tpu.memory_space<vmem_shared>>) target_semaphore(%run_scoped3A : memref<!tpu.dma_semaphore, #tpu.memory_space<semaphore_mem>>)
      %dma_wait3A = arith.constant 0 : i32
      %dma_wait3A_41 = tpu.memref_slice %arg7[%multiple_of3A, %dma_wait3A] : memref<10000x16xf32, #tpu.memory_space<vmem_shared>> -> memref<624x16xf32, #tpu.memory_space<vmem_shared>>
      tpu.wait_dma2 semaphore(%run_scoped3A : memref<!tpu.dma_semaphore, #tpu.memory_space<semaphore_mem>>) src(%arg5 : memref<624x16xf32, #tpu.memory_space<hbm>>) dst(%dma_wait3A_41 : memref<624x16xf32, #tpu.memory_space<vmem_shared>>)
      tpu.yield
    }) : () -> ()
    "tpu.region"() ({
      %run_scoped3A = tpu.sem_alloc : memref<!tpu.dma_semaphore, #tpu.memory_space<semaphore_mem>>
      %dma_start3A_39 = arith.constant 0 : i32
      %dma_start3A_40 = tpu.memref_slice %arg8[%multiple_of3A, %dma_start3A_39] : memref<10000x16xf32, #tpu.memory_space<vmem_shared>> -> memref<624x16xf32, #tpu.memory_space<vmem_shared>>
      %dma_start3A_41 = arith.constant 0 : i32
      %dma_start3A_42 = tpu.memref_slice %arg2[%multiple_of3A, %dma_start3A_41] : memref<10000x16xf32, #tpu.memory_space<hbm>> -> memref<624x16xf32, #tpu.memory_space<hbm>>
      tpu.enqueue_dma source(%dma_start3A_42 : memref<624x16xf32, #tpu.memory_space<hbm>>) target(%dma_start3A_40 : memref<624x16xf32, #tpu.memory_space<vmem_shared>>) target_semaphore(%run_scoped3A : memref<!tpu.dma_semaphore, #tpu.memory_space<semaphore_mem>>)
      %dma_wait3A = arith.constant 0 : i32
      %dma_wait3A_43 = tpu.memref_slice %arg8[%multiple_of3A, %dma_wait3A] : memref<10000x16xf32, #tpu.memory_space<vmem_shared>> -> memref<624x16xf32, #tpu.memory_space<vmem_shared>>
      %dma_wait3A_44 = arith.constant 0 : i32
      %dma_wait3A_45 = tpu.memref_slice %arg2[%multiple_of3A, %dma_wait3A_44] : memref<10000x16xf32, #tpu.memory_space<hbm>> -> memref<624x16xf32, #tpu.memory_space<hbm>>
      tpu.wait_dma2 semaphore(%run_scoped3A : memref<!tpu.dma_semaphore, #tpu.memory_space<semaphore_mem>>) src(%dma_wait3A_45 : memref<624x16xf32, #tpu.memory_space<hbm>>) dst(%dma_wait3A_43 : memref<624x16xf32, #tpu.memory_space<vmem_shared>>)
      tpu.yield
    }) : () -> ()
    %eq3A = arith.constant 15 : i32
    %eq3A_3 = arith.cmpi eq, %arg1, %eq3A : i32
    %convert_element_type3A = arith.extui %eq3A_3 : i1 to i32
    %cond3A = arith.constant 0 : i32
    %cond3A_4 = arith.cmpi ne, %convert_element_type3A, %cond3A : i32
    scf.if %cond3A_4 {
      "tpu.region"() ({
        %run_scoped3A = tpu.sem_alloc : memref<!tpu.dma_semaphore, #tpu.memory_space<semaphore_mem>>
        %dma_start3A_39 = arith.constant 9984 : i32
        %dma_start3A_40 = arith.constant 0 : i32
        %dma_start3A_41 = tpu.memref_slice %arg7[%dma_start3A_39, %dma_start3A_40] : memref<10000x16xf32, #tpu.memory_space<vmem_shared>> -> memref<16x16xf32, #tpu.memory_space<vmem_shared>>
        %dma_start3A_42 = arith.constant 0 : i32
        %dma_start3A_43 = arith.constant 0 : i32
        %dma_start3A_44 = tpu.memref_slice %arg5[%dma_start3A_42, %dma_start3A_43] : memref<624x16xf32, #tpu.memory_space<hbm>> -> memref<16x16xf32, #tpu.memory_space<hbm>>
        tpu.enqueue_dma source(%dma_start3A_44 : memref<16x16xf32, #tpu.memory_space<hbm>>) target(%dma_start3A_41 : memref<16x16xf32, #tpu.memory_space<vmem_shared>>) target_semaphore(%run_scoped3A : memref<!tpu.dma_semaphore, #tpu.memory_space<semaphore_mem>>)
        %dma_wait3A = arith.constant 9984 : i32
        %dma_wait3A_45 = arith.constant 0 : i32
        %dma_wait3A_46 = tpu.memref_slice %arg7[%dma_wait3A, %dma_wait3A_45] : memref<10000x16xf32, #tpu.memory_space<vmem_shared>> -> memref<16x16xf32, #tpu.memory_space<vmem_shared>>
        %dma_wait3A_47 = arith.constant 0 : i32
        %dma_wait3A_48 = arith.constant 0 : i32
        %dma_wait3A_49 = tpu.memref_slice %arg5[%dma_wait3A_47, %dma_wait3A_48] : memref<624x16xf32, #tpu.memory_space<hbm>> -> memref<16x16xf32, #tpu.memory_space<hbm>>
        tpu.wait_dma2 semaphore(%run_scoped3A : memref<!tpu.dma_semaphore, #tpu.memory_space<semaphore_mem>>) src(%dma_wait3A_49 : memref<16x16xf32, #tpu.memory_space<hbm>>) dst(%dma_wait3A_46 : memref<16x16xf32, #tpu.memory_space<vmem_shared>>)
        tpu.yield
      }) : () -> ()
      "tpu.region"() ({
        %run_scoped3A = tpu.sem_alloc : memref<!tpu.dma_semaphore, #tpu.memory_space<semaphore_mem>>
        %dma_start3A_39 = arith.constant 9984 : i32
        %dma_start3A_40 = arith.constant 0 : i32
        %dma_start3A_41 = tpu.memref_slice %arg8[%dma_start3A_39, %dma_start3A_40] : memref<10000x16xf32, #tpu.memory_space<vmem_shared>> -> memref<16x16xf32, #tpu.memory_space<vmem_shared>>
        %dma_start3A_42 = arith.constant 9984 : i32
        %dma_start3A_43 = arith.constant 0 : i32
        %dma_start3A_44 = tpu.memref_slice %arg2[%dma_start3A_42, %dma_start3A_43] : memref<10000x16xf32, #tpu.memory_space<hbm>> -> memref<16x16xf32, #tpu.memory_space<hbm>>
        tpu.enqueue_dma source(%dma_start3A_44 : memref<16x16xf32, #tpu.memory_space<hbm>>) target(%dma_start3A_41 : memref<16x16xf32, #tpu.memory_space<vmem_shared>>) target_semaphore(%run_scoped3A : memref<!tpu.dma_semaphore, #tpu.memory_space<semaphore_mem>>)
        %dma_wait3A = arith.constant 9984 : i32
        %dma_wait3A_45 = arith.constant 0 : i32
        %dma_wait3A_46 = tpu.memref_slice %arg8[%dma_wait3A, %dma_wait3A_45] : memref<10000x16xf32, #tpu.memory_space<vmem_shared>> -> memref<16x16xf32, #tpu.memory_space<vmem_shared>>
        %dma_wait3A_47 = arith.constant 9984 : i32
        %dma_wait3A_48 = arith.constant 0 : i32
        %dma_wait3A_49 = tpu.memref_slice %arg2[%dma_wait3A_47, %dma_wait3A_48] : memref<10000x16xf32, #tpu.memory_space<hbm>> -> memref<16x16xf32, #tpu.memory_space<hbm>>
        tpu.wait_dma2 semaphore(%run_scoped3A : memref<!tpu.dma_semaphore, #tpu.memory_space<semaphore_mem>>) src(%dma_wait3A_49 : memref<16x16xf32, #tpu.memory_space<hbm>>) dst(%dma_wait3A_46 : memref<16x16xf32, #tpu.memory_space<vmem_shared>>)
        tpu.yield
      }) : () -> ()
    } else {
    }
    "tpu.region"() ({
      %run_scoped3A = tpu.sem_alloc : memref<!tpu.dma_semaphore, #tpu.memory_space<semaphore_mem>>
      %dma_start3A_39 = arith.constant 0 : i32
      %dma_start3A_40 = arith.constant 0 : i32
      %dma_start3A_41 = tpu.memref_slice %arg3[%add3A, %dma_start3A_39, %dma_start3A_40] : memref<32x125x80xi32, #tpu.memory_space<hbm>> -> memref<1x125x80xi32, #tpu.memory_space<hbm>>
      %dma_start3A_42 = tpu.memref_squeeze %dma_start3A_41 : memref<1x125x80xi32, #tpu.memory_space<hbm>> -> memref<125x80xi32, #tpu.memory_space<hbm>>
      %dma_start3A_43 = arith.constant 0 : i32
      %dma_start3A_44 = arith.constant 0 : i32
      %dma_start3A_45 = tpu.memref_slice %arg3[%add3A, %dma_start3A_43, %dma_start3A_44] : memref<32x125x80xi32, #tpu.memory_space<hbm>> -> memref<1x125x80xi32, #tpu.memory_space<hbm>>
      %dma_start3A_46 = tpu.memref_squeeze %dma_start3A_45 : memref<1x125x80xi32, #tpu.memory_space<hbm>> -> memref<125x80xi32, #tpu.memory_space<hbm>>
      tpu.enqueue_dma source(%dma_start3A_46 : memref<125x80xi32, #tpu.memory_space<hbm>>) target(%arg9 : memref<125x80xi32, #tpu.memory_space<vmem>>) target_semaphore(%run_scoped3A : memref<!tpu.dma_semaphore, #tpu.memory_space<semaphore_mem>>)
      %dma_wait3A = arith.constant 0 : i32
      %dma_wait3A_47 = arith.constant 0 : i32
      %dma_wait3A_48 = tpu.memref_slice %arg3[%add3A, %dma_wait3A, %dma_wait3A_47] : memref<32x125x80xi32, #tpu.memory_space<hbm>> -> memref<1x125x80xi32, #tpu.memory_space<hbm>>
      %dma_wait3A_49 = tpu.memref_squeeze %dma_wait3A_48 : memref<1x125x80xi32, #tpu.memory_space<hbm>> -> memref<125x80xi32, #tpu.memory_space<hbm>>
      %dma_wait3A_50 = arith.constant 0 : i32
      %dma_wait3A_51 = arith.constant 0 : i32
      %dma_wait3A_52 = tpu.memref_slice %arg3[%add3A, %dma_wait3A_50, %dma_wait3A_51] : memref<32x125x80xi32, #tpu.memory_space<hbm>> -> memref<1x125x80xi32, #tpu.memory_space<hbm>>
      %dma_wait3A_53 = tpu.memref_squeeze %dma_wait3A_52 : memref<1x125x80xi32, #tpu.memory_space<hbm>> -> memref<125x80xi32, #tpu.memory_space<hbm>>
      tpu.wait_dma2 semaphore(%run_scoped3A : memref<!tpu.dma_semaphore, #tpu.memory_space<semaphore_mem>>) src(%dma_wait3A_53 : memref<125x80xi32, #tpu.memory_space<hbm>>) dst(%arg9 : memref<125x80xi32, #tpu.memory_space<vmem>>)
      tpu.yield
    }) : () -> ()
    "tpu.region"() ({
      %run_scoped3A = tpu.sem_alloc : memref<!tpu.dma_semaphore, #tpu.memory_space<semaphore_mem>>
      %dma_start3A_39 = arith.constant 0 : i32
      %dma_start3A_40 = arith.constant 0 : i32
      %dma_start3A_41 = tpu.memref_slice %arg4[%add3A, %dma_start3A_39, %dma_start3A_40] : memref<32x125x80xi32, #tpu.memory_space<hbm>> -> memref<1x125x80xi32, #tpu.memory_space<hbm>>
      %dma_start3A_42 = tpu.memref_squeeze %dma_start3A_41 : memref<1x125x80xi32, #tpu.memory_space<hbm>> -> memref<125x80xi32, #tpu.memory_space<hbm>>
      %dma_start3A_43 = arith.constant 0 : i32
      %dma_start3A_44 = arith.constant 0 : i32
      %dma_start3A_45 = tpu.memref_slice %arg4[%add3A, %dma_start3A_43, %dma_start3A_44] : memref<32x125x80xi32, #tpu.memory_space<hbm>> -> memref<1x125x80xi32, #tpu.memory_space<hbm>>
      %dma_start3A_46 = tpu.memref_squeeze %dma_start3A_45 : memref<1x125x80xi32, #tpu.memory_space<hbm>> -> memref<125x80xi32, #tpu.memory_space<hbm>>
      tpu.enqueue_dma source(%dma_start3A_46 : memref<125x80xi32, #tpu.memory_space<hbm>>) target(%arg10 : memref<125x80xi32, #tpu.memory_space<vmem>>) target_semaphore(%run_scoped3A : memref<!tpu.dma_semaphore, #tpu.memory_space<semaphore_mem>>)
      %dma_wait3A = arith.constant 0 : i32
      %dma_wait3A_47 = arith.constant 0 : i32
      %dma_wait3A_48 = tpu.memref_slice %arg4[%add3A, %dma_wait3A, %dma_wait3A_47] : memref<32x125x80xi32, #tpu.memory_space<hbm>> -> memref<1x125x80xi32, #tpu.memory_space<hbm>>
      %dma_wait3A_49 = tpu.memref_squeeze %dma_wait3A_48 : memref<1x125x80xi32, #tpu.memory_space<hbm>> -> memref<125x80xi32, #tpu.memory_space<hbm>>
      %dma_wait3A_50 = arith.constant 0 : i32
      %dma_wait3A_51 = arith.constant 0 : i32
      %dma_wait3A_52 = tpu.memref_slice %arg4[%add3A, %dma_wait3A_50, %dma_wait3A_51] : memref<32x125x80xi32, #tpu.memory_space<hbm>> -> memref<1x125x80xi32, #tpu.memory_space<hbm>>
      %dma_wait3A_53 = tpu.memref_squeeze %dma_wait3A_52 : memref<1x125x80xi32, #tpu.memory_space<hbm>> -> memref<125x80xi32, #tpu.memory_space<hbm>>
      tpu.wait_dma2 semaphore(%run_scoped3A : memref<!tpu.dma_semaphore, #tpu.memory_space<semaphore_mem>>) src(%dma_wait3A_53 : memref<125x80xi32, #tpu.memory_space<hbm>>) dst(%arg10 : memref<125x80xi32, #tpu.memory_space<vmem>>)
      tpu.yield
    }) : () -> ()
    %barrier3A = arith.constant 0 : index
    tpu.barrier barrier_id(%barrier3A)
    %dma_start3A = arith.constant 0 : i32
    %dma_start3A_5 = arith.constant 0 : i32
    %dma_start3A_6 = arith.constant 0 : i32
    %dma_start3A_7 = arith.constant 0 : i32
    %dma_start3A_8 = tpu.memref_slice %arg11[%dma_start3A_5, %dma_start3A_6, %dma_start3A_7] : memref<3x80x16xf32, #tpu.memory_space<vmem>> -> memref<1x80x16xf32, #tpu.memory_space<vmem>>
    %dma_start3A_9 = tpu.memref_squeeze %dma_start3A_8 : memref<1x80x16xf32, #tpu.memory_space<vmem>> -> memref<80x16xf32, #tpu.memory_space<vmem>>
    %dma_start3A_10 = arith.constant 0 : i32
    %dma_start3A_11 = tpu.memref_slice %arg9[%dma_start3A, %dma_start3A_10] : memref<125x80xi32, #tpu.memory_space<vmem>> -> memref<1x80xi32, #tpu.memory_space<vmem>>
    %dma_start3A_12 = tpu.memref_squeeze %dma_start3A_11 : memref<1x80xi32, #tpu.memory_space<vmem>> -> memref<80xi32, #tpu.memory_space<vmem>>
    %dma_start3A_13 = arith.constant 0 : i32
    %dma_start3A_14 = arith.constant 0 : i32
    %dma_start3A_15 = tpu.memref_slice %arg8[%dma_start3A_13, %dma_start3A_14] : memref<10000x16xf32, #tpu.memory_space<vmem_shared>> -> memref<10000x16xf32, #tpu.memory_space<vmem_shared>>
    tpu.enqueue_indirect_dma source(%dma_start3A_15 : memref<10000x16xf32, #tpu.memory_space<vmem_shared>>) target(%dma_start3A_9 : memref<80x16xf32, #tpu.memory_space<vmem>>) offsets(%dma_start3A_12 : memref<80xi32, #tpu.memory_space<vmem>>) semaphore(%arg12 : memref<!tpu.dma_semaphore, #tpu.memory_space<semaphore_mem>>)
    %dma_start3A_16 = arith.constant 1 : i32
    %dma_start3A_17 = arith.constant 1 : i32
    %dma_start3A_18 = arith.constant 0 : i32
    %dma_start3A_19 = arith.constant 0 : i32
    %dma_start3A_20 = tpu.memref_slice %arg11[%dma_start3A_17, %dma_start3A_18, %dma_start3A_19] : memref<3x80x16xf32, #tpu.memory_space<vmem>> -> memref<1x80x16xf32, #tpu.memory_space<vmem>>
    %dma_start3A_21 = tpu.memref_squeeze %dma_start3A_20 : memref<1x80x16xf32, #tpu.memory_space<vmem>> -> memref<80x16xf32, #tpu.memory_space<vmem>>
    %dma_start3A_22 = arith.constant 0 : i32
    %dma_start3A_23 = tpu.memref_slice %arg9[%dma_start3A_16, %dma_start3A_22] : memref<125x80xi32, #tpu.memory_space<vmem>> -> memref<1x80xi32, #tpu.memory_space<vmem>>
    %dma_start3A_24 = tpu.memref_squeeze %dma_start3A_23 : memref<1x80xi32, #tpu.memory_space<vmem>> -> memref<80xi32, #tpu.memory_space<vmem>>
    %dma_start3A_25 = arith.constant 0 : i32
    %dma_start3A_26 = arith.constant 0 : i32
    %dma_start3A_27 = tpu.memref_slice %arg8[%dma_start3A_25, %dma_start3A_26] : memref<10000x16xf32, #tpu.memory_space<vmem_shared>> -> memref<10000x16xf32, #tpu.memory_space<vmem_shared>>
    tpu.enqueue_indirect_dma source(%dma_start3A_27 : memref<10000x16xf32, #tpu.memory_space<vmem_shared>>) target(%dma_start3A_21 : memref<80x16xf32, #tpu.memory_space<vmem>>) offsets(%dma_start3A_24 : memref<80xi32, #tpu.memory_space<vmem>>) semaphore(%arg12 : memref<!tpu.dma_semaphore, #tpu.memory_space<semaphore_mem>>)
    %scan3A = arith.constant 0 : i32
    %scan3A_28 = arith.constant 0 : i32
    %scan3A_29 = arith.constant 125 : i32
    %scan3A_30 = arith.addi %scan3A_28, %scan3A_29 : i32
    %scan3A_31 = arith.constant 1 : i32
    scf.for %scan3A_39 = %scan3A_28 to %scan3A_30 step %scan3A_31  : i32 {
      %rem3A = arith.constant 3 : i32
      %rem3A_40 = arith.remsi %scan3A_39, %rem3A : i32
      %dma_wait3A = arith.constant 0 : i32
      %dma_wait3A_41 = arith.constant 0 : i32
      %dma_wait3A_42 = tpu.memref_slice %arg11[%rem3A_40, %dma_wait3A, %dma_wait3A_41] : memref<3x80x16xf32, #tpu.memory_space<vmem>> -> memref<1x80x16xf32, #tpu.memory_space<vmem>>
      %dma_wait3A_43 = tpu.memref_squeeze %dma_wait3A_42 : memref<1x80x16xf32, #tpu.memory_space<vmem>> -> memref<80x16xf32, #tpu.memory_space<vmem>>
      %dma_wait3A_44 = arith.constant 0 : i32
      %dma_wait3A_45 = tpu.memref_slice %arg9[%scan3A_39, %dma_wait3A_44] : memref<125x80xi32, #tpu.memory_space<vmem>> -> memref<1x80xi32, #tpu.memory_space<vmem>>
      %dma_wait3A_46 = tpu.memref_squeeze %dma_wait3A_45 : memref<1x80xi32, #tpu.memory_space<vmem>> -> memref<80xi32, #tpu.memory_space<vmem>>
      %dma_wait3A_47 = arith.constant 0 : i32
      %dma_wait3A_48 = arith.constant 0 : i32
      %dma_wait3A_49 = tpu.memref_slice %arg8[%dma_wait3A_47, %dma_wait3A_48] : memref<10000x16xf32, #tpu.memory_space<vmem_shared>> -> memref<10000x16xf32, #tpu.memory_space<vmem_shared>>
      tpu.wait_indirect_dma semaphore(%arg12 : memref<!tpu.dma_semaphore, #tpu.memory_space<semaphore_mem>>) src(%dma_wait3A_49 : memref<10000x16xf32, #tpu.memory_space<vmem_shared>>) dst(%dma_wait3A_43 : memref<80x16xf32, #tpu.memory_space<vmem>>)
      %add3A_50 = arith.constant 2 : i32
      %add3A_51 = arith.addi %scan3A_39, %add3A_50 : i32
      %lt3A = arith.constant 125 : i32
      %lt3A_52 = arith.cmpi slt, %add3A_51, %lt3A : i32
      %convert_element_type3A_53 = arith.extui %lt3A_52 : i1 to i32
      %cond3A_54 = arith.constant 0 : i32
      %cond3A_55 = arith.cmpi ne, %convert_element_type3A_53, %cond3A_54 : i32
      scf.if %cond3A_55 {
        %add3A_56 = arith.constant 2 : i32
        %add3A_57 = arith.addi %scan3A_39, %add3A_56 : i32
        %add3A_58 = arith.constant 2 : i32
        %add3A_59 = arith.addi %scan3A_39, %add3A_58 : i32
        %rem3A_60 = arith.constant 3 : i32
        %rem3A_61 = arith.remsi %add3A_59, %rem3A_60 : i32
        %dma_start3A_62 = arith.constant 0 : i32
        %dma_start3A_63 = arith.constant 0 : i32
        %dma_start3A_64 = tpu.memref_slice %arg11[%rem3A_61, %dma_start3A_62, %dma_start3A_63] : memref<3x80x16xf32, #tpu.memory_space<vmem>> -> memref<1x80x16xf32, #tpu.memory_space<vmem>>
        %dma_start3A_65 = tpu.memref_squeeze %dma_start3A_64 : memref<1x80x16xf32, #tpu.memory_space<vmem>> -> memref<80x16xf32, #tpu.memory_space<vmem>>
        %dma_start3A_66 = arith.constant 0 : i32
        %dma_start3A_67 = tpu.memref_slice %arg9[%add3A_57, %dma_start3A_66] : memref<125x80xi32, #tpu.memory_space<vmem>> -> memref<1x80xi32, #tpu.memory_space<vmem>>
        %dma_start3A_68 = tpu.memref_squeeze %dma_start3A_67 : memref<1x80xi32, #tpu.memory_space<vmem>> -> memref<80xi32, #tpu.memory_space<vmem>>
        %dma_start3A_69 = arith.constant 0 : i32
        %dma_start3A_70 = arith.constant 0 : i32
        %dma_start3A_71 = tpu.memref_slice %arg8[%dma_start3A_69, %dma_start3A_70] : memref<10000x16xf32, #tpu.memory_space<vmem_shared>> -> memref<10000x16xf32, #tpu.memory_space<vmem_shared>>
        tpu.enqueue_indirect_dma source(%dma_start3A_71 : memref<10000x16xf32, #tpu.memory_space<vmem_shared>>) target(%dma_start3A_65 : memref<80x16xf32, #tpu.memory_space<vmem>>) offsets(%dma_start3A_68 : memref<80xi32, #tpu.memory_space<vmem>>) semaphore(%arg12 : memref<!tpu.dma_semaphore, #tpu.memory_space<semaphore_mem>>)
      } else {
      }
      "tpu.region"() ({
        %run_scoped3A = tpu.sem_alloc : memref<!tpu.dma_semaphore, #tpu.memory_space<semaphore_mem>>
        %dma_start3A_56 = arith.constant 0 : i32
        %dma_start3A_57 = arith.constant 0 : i32
        %dma_start3A_58 = tpu.memref_slice %arg11[%rem3A_40, %dma_start3A_56, %dma_start3A_57] : memref<3x80x16xf32, #tpu.memory_space<vmem>> -> memref<1x80x16xf32, #tpu.memory_space<vmem>>
        %dma_start3A_59 = tpu.memref_squeeze %dma_start3A_58 : memref<1x80x16xf32, #tpu.memory_space<vmem>> -> memref<80x16xf32, #tpu.memory_space<vmem>>
        %dma_start3A_60 = arith.constant 0 : i32
        %dma_start3A_61 = tpu.memref_slice %arg10[%scan3A_39, %dma_start3A_60] : memref<125x80xi32, #tpu.memory_space<vmem>> -> memref<1x80xi32, #tpu.memory_space<vmem>>
        %dma_start3A_62 = tpu.memref_squeeze %dma_start3A_61 : memref<1x80xi32, #tpu.memory_space<vmem>> -> memref<80xi32, #tpu.memory_space<vmem>>
        %dma_start3A_63 = arith.constant 0 : i32
        %dma_start3A_64 = arith.constant 0 : i32
        %dma_start3A_65 = tpu.memref_slice %arg7[%dma_start3A_63, %dma_start3A_64] : memref<10000x16xf32, #tpu.memory_space<vmem_shared>> -> memref<10000x16xf32, #tpu.memory_space<vmem_shared>>
        tpu.enqueue_indirect_dma source(%dma_start3A_59 : memref<80x16xf32, #tpu.memory_space<vmem>>) target(%dma_start3A_65 : memref<10000x16xf32, #tpu.memory_space<vmem_shared>>) offsets(%dma_start3A_62 : memref<80xi32, #tpu.memory_space<vmem>>) semaphore(%run_scoped3A : memref<!tpu.dma_semaphore, #tpu.memory_space<semaphore_mem>>) {add = true}
        %dma_wait3A_66 = arith.constant 0 : i32
        %dma_wait3A_67 = arith.constant 0 : i32
        %dma_wait3A_68 = tpu.memref_slice %arg11[%rem3A_40, %dma_wait3A_66, %dma_wait3A_67] : memref<3x80x16xf32, #tpu.memory_space<vmem>> -> memref<1x80x16xf32, #tpu.memory_space<vmem>>
        %dma_wait3A_69 = tpu.memref_squeeze %dma_wait3A_68 : memref<1x80x16xf32, #tpu.memory_space<vmem>> -> memref<80x16xf32, #tpu.memory_space<vmem>>
        %dma_wait3A_70 = arith.constant 0 : i32
        %dma_wait3A_71 = tpu.memref_slice %arg10[%scan3A_39, %dma_wait3A_70] : memref<125x80xi32, #tpu.memory_space<vmem>> -> memref<1x80xi32, #tpu.memory_space<vmem>>
        %dma_wait3A_72 = tpu.memref_squeeze %dma_wait3A_71 : memref<1x80xi32, #tpu.memory_space<vmem>> -> memref<80xi32, #tpu.memory_space<vmem>>
        %dma_wait3A_73 = arith.constant 0 : i32
        %dma_wait3A_74 = arith.constant 0 : i32
        %dma_wait3A_75 = tpu.memref_slice %arg7[%dma_wait3A_73, %dma_wait3A_74] : memref<10000x16xf32, #tpu.memory_space<vmem_shared>> -> memref<10000x16xf32, #tpu.memory_space<vmem_shared>>
        tpu.wait_indirect_dma semaphore(%run_scoped3A : memref<!tpu.dma_semaphore, #tpu.memory_space<semaphore_mem>>) src(%dma_wait3A_69 : memref<80x16xf32, #tpu.memory_space<vmem>>) dst(%dma_wait3A_75 : memref<10000x16xf32, #tpu.memory_space<vmem_shared>>)
        tpu.yield
      }) : () -> ()
    }
    %scan3A_32 = arith.constant 125 : i32
    %barrier3A_33 = arith.constant 0 : index
    tpu.barrier barrier_id(%barrier3A_33)
    "tpu.region"() ({
      %run_scoped3A = tpu.sem_alloc : memref<!tpu.dma_semaphore, #tpu.memory_space<semaphore_mem>>
      %dma_start3A_39 = arith.constant 0 : i32
      %dma_start3A_40 = tpu.memref_slice %arg6[%arg0, %multiple_of3A, %dma_start3A_39] : memref<2x10000x16xf32, #tpu.memory_space<hbm>> -> memref<1x624x16xf32, #tpu.memory_space<hbm>>
      %dma_start3A_41 = tpu.memref_squeeze %dma_start3A_40 : memref<1x624x16xf32, #tpu.memory_space<hbm>> -> memref<624x16xf32, #tpu.memory_space<hbm>>
      %dma_start3A_42 = arith.constant 0 : i32
      %dma_start3A_43 = tpu.memref_slice %arg7[%multiple_of3A, %dma_start3A_42] : memref<10000x16xf32, #tpu.memory_space<vmem_shared>> -> memref<624x16xf32, #tpu.memory_space<vmem_shared>>
      tpu.enqueue_dma source(%dma_start3A_43 : memref<624x16xf32, #tpu.memory_space<vmem_shared>>) target(%dma_start3A_41 : memref<624x16xf32, #tpu.memory_space<hbm>>) target_semaphore(%run_scoped3A : memref<!tpu.dma_semaphore, #tpu.memory_space<semaphore_mem>>)
      %dma_wait3A = arith.constant 0 : i32
      %dma_wait3A_44 = tpu.memref_slice %arg6[%arg0, %multiple_of3A, %dma_wait3A] : memref<2x10000x16xf32, #tpu.memory_space<hbm>> -> memref<1x624x16xf32, #tpu.memory_space<hbm>>
      %dma_wait3A_45 = tpu.memref_squeeze %dma_wait3A_44 : memref<1x624x16xf32, #tpu.memory_space<hbm>> -> memref<624x16xf32, #tpu.memory_space<hbm>>
      %dma_wait3A_46 = arith.constant 0 : i32
      %dma_wait3A_47 = tpu.memref_slice %arg7[%multiple_of3A, %dma_wait3A_46] : memref<10000x16xf32, #tpu.memory_space<vmem_shared>> -> memref<624x16xf32, #tpu.memory_space<vmem_shared>>
      tpu.wait_dma2 semaphore(%run_scoped3A : memref<!tpu.dma_semaphore, #tpu.memory_space<semaphore_mem>>) src(%dma_wait3A_47 : memref<624x16xf32, #tpu.memory_space<vmem_shared>>) dst(%dma_wait3A_45 : memref<624x16xf32, #tpu.memory_space<hbm>>)
      tpu.yield
    }) : () -> ()
    %eq3A_34 = arith.constant 15 : i32
    %eq3A_35 = arith.cmpi eq, %arg1, %eq3A_34 : i32
    %convert_element_type3A_36 = arith.extui %eq3A_35 : i1 to i32
    %cond3A_37 = arith.constant 0 : i32
    %cond3A_38 = arith.cmpi ne, %convert_element_type3A_36, %cond3A_37 : i32
    scf.if %cond3A_38 {
      "tpu.region"() ({
        %run_scoped3A = tpu.sem_alloc : memref<!tpu.dma_semaphore, #tpu.memory_space<semaphore_mem>>
        %dma_start3A_39 = arith.constant 9984 : i32
        %dma_start3A_40 = arith.constant 0 : i32
        %dma_start3A_41 = tpu.memref_slice %arg6[%arg0, %dma_start3A_39, %dma_start3A_40] : memref<2x10000x16xf32, #tpu.memory_space<hbm>> -> memref<1x16x16xf32, #tpu.memory_space<hbm>>
        %dma_start3A_42 = tpu.memref_squeeze %dma_start3A_41 : memref<1x16x16xf32, #tpu.memory_space<hbm>> -> memref<16x16xf32, #tpu.memory_space<hbm>>
        %dma_start3A_43 = arith.constant 9984 : i32
        %dma_start3A_44 = arith.constant 0 : i32
        %dma_start3A_45 = tpu.memref_slice %arg7[%dma_start3A_43, %dma_start3A_44] : memref<10000x16xf32, #tpu.memory_space<vmem_shared>> -> memref<16x16xf32, #tpu.memory_space<vmem_shared>>
        tpu.enqueue_dma source(%dma_start3A_45 : memref<16x16xf32, #tpu.memory_space<vmem_shared>>) target(%dma_start3A_42 : memref<16x16xf32, #tpu.memory_space<hbm>>) target_semaphore(%run_scoped3A : memref<!tpu.dma_semaphore, #tpu.memory_space<semaphore_mem>>)
        %dma_wait3A = arith.constant 9984 : i32
        %dma_wait3A_46 = arith.constant 0 : i32
        %dma_wait3A_47 = tpu.memref_slice %arg6[%arg0, %dma_wait3A, %dma_wait3A_46] : memref<2x10000x16xf32, #tpu.memory_space<hbm>> -> memref<1x16x16xf32, #tpu.memory_space<hbm>>
        %dma_wait3A_48 = tpu.memref_squeeze %dma_wait3A_47 : memref<1x16x16xf32, #tpu.memory_space<hbm>> -> memref<16x16xf32, #tpu.memory_space<hbm>>
        %dma_wait3A_49 = arith.constant 9984 : i32
        %dma_wait3A_50 = arith.constant 0 : i32
        %dma_wait3A_51 = tpu.memref_slice %arg7[%dma_wait3A_49, %dma_wait3A_50] : memref<10000x16xf32, #tpu.memory_space<vmem_shared>> -> memref<16x16xf32, #tpu.memory_space<vmem_shared>>
        tpu.wait_dma2 semaphore(%run_scoped3A : memref<!tpu.dma_semaphore, #tpu.memory_space<semaphore_mem>>) src(%dma_wait3A_51 : memref<16x16xf32, #tpu.memory_space<vmem_shared>>) dst(%dma_wait3A_48 : memref<16x16xf32, #tpu.memory_space<hbm>>)
        tpu.yield
      }) : () -> ()
    } else {
    }
    return
  }
}

#map = affine_map<(d0, d1) -> (0, 0, 0)>
#map1 = affine_map<(d0, d1) -> (0, 0)>
module attributes {stable_mosaic.version = 14 : i64} {
  func.func @_deg_body(%arg0: i32, %arg1: i32, %arg2: memref<32x125x80xi32, #tpu.memory_space<hbm>>, %arg3: memref<32x125x80xi32, #tpu.memory_space<hbm>>, %arg4: memref<80x16xf32, #tpu.memory_space<hbm>>, %arg5: memref<624x16xf32, #tpu.memory_space<hbm>>, %arg6: memref<2x10000x16xf32, #tpu.memory_space<hbm>>, %arg7: memref<32x125x80xi32, #tpu.memory_space<hbm>>, %arg8: memref<32x125x80xi32, #tpu.memory_space<hbm>>, %arg9: memref<10000x16xf32, #tpu.memory_space<vmem_shared>>, %arg10: memref<125x80xi32, #tpu.memory_space<vmem>>, %arg11: memref<125x80xi32, #tpu.memory_space<vmem>>, %arg12: memref<80x16xf32, #tpu.memory_space<vmem>>) attributes {dimension_semantics = [#tpu.dimension_semantics<core_parallel>, #tpu.dimension_semantics<subcore_parallel>], iteration_bounds = array<i64: 2, 16>, scalar_prefetch = 0 : i64, scratch_operands = 4 : i64, tpu.core_type = #tpu.core_type<sc_vector_subcore>, window_params = [{transform_indices = #map}, {transform_indices = #map}, {transform_indices = #map1}, {transform_indices = #map1}, {transform_indices = #map}, {transform_indices = #map}, {transform_indices = #map}]} {
    %mul3A = arith.constant 2 : i32
    %mul3A_0 = arith.muli %arg1, %mul3A : i32
    %add3A = arith.addi %mul3A_0, %arg0 : i32
    %mul3A_1 = arith.constant 624 : i32
    %mul3A_2 = arith.muli %arg1, %mul3A_1 : i32
    %multiple_of3A = tpu.assume_multiple %mul3A_2, 8 : i32
    "tpu.region"() ({
      %run_scoped3A = tpu.sem_alloc : memref<!tpu.dma_semaphore, #tpu.memory_space<semaphore_mem>>
      %dma_start3A = arith.constant 0 : i32
      %dma_start3A_16 = tpu.memref_slice %arg9[%multiple_of3A, %dma_start3A] : memref<10000x16xf32, #tpu.memory_space<vmem_shared>> -> memref<624x16xf32, #tpu.memory_space<vmem_shared>>
      tpu.enqueue_dma source(%arg5 : memref<624x16xf32, #tpu.memory_space<hbm>>) target(%dma_start3A_16 : memref<624x16xf32, #tpu.memory_space<vmem_shared>>) target_semaphore(%run_scoped3A : memref<!tpu.dma_semaphore, #tpu.memory_space<semaphore_mem>>)
      %dma_wait3A = arith.constant 0 : i32
      %dma_wait3A_17 = tpu.memref_slice %arg9[%multiple_of3A, %dma_wait3A] : memref<10000x16xf32, #tpu.memory_space<vmem_shared>> -> memref<624x16xf32, #tpu.memory_space<vmem_shared>>
      tpu.wait_dma2 semaphore(%run_scoped3A : memref<!tpu.dma_semaphore, #tpu.memory_space<semaphore_mem>>) src(%arg5 : memref<624x16xf32, #tpu.memory_space<hbm>>) dst(%dma_wait3A_17 : memref<624x16xf32, #tpu.memory_space<vmem_shared>>)
      tpu.yield
    }) : () -> ()
    %eq3A = arith.constant 15 : i32
    %eq3A_3 = arith.cmpi eq, %arg1, %eq3A : i32
    %convert_element_type3A = arith.extui %eq3A_3 : i1 to i32
    %cond3A = arith.constant 0 : i32
    %cond3A_4 = arith.cmpi ne, %convert_element_type3A, %cond3A : i32
    scf.if %cond3A_4 {
      "tpu.region"() ({
        %run_scoped3A = tpu.sem_alloc : memref<!tpu.dma_semaphore, #tpu.memory_space<semaphore_mem>>
        %dma_start3A = arith.constant 9984 : i32
        %dma_start3A_16 = arith.constant 0 : i32
        %dma_start3A_17 = tpu.memref_slice %arg9[%dma_start3A, %dma_start3A_16] : memref<10000x16xf32, #tpu.memory_space<vmem_shared>> -> memref<16x16xf32, #tpu.memory_space<vmem_shared>>
        %dma_start3A_18 = arith.constant 0 : i32
        %dma_start3A_19 = arith.constant 0 : i32
        %dma_start3A_20 = tpu.memref_slice %arg5[%dma_start3A_18, %dma_start3A_19] : memref<624x16xf32, #tpu.memory_space<hbm>> -> memref<16x16xf32, #tpu.memory_space<hbm>>
        tpu.enqueue_dma source(%dma_start3A_20 : memref<16x16xf32, #tpu.memory_space<hbm>>) target(%dma_start3A_17 : memref<16x16xf32, #tpu.memory_space<vmem_shared>>) target_semaphore(%run_scoped3A : memref<!tpu.dma_semaphore, #tpu.memory_space<semaphore_mem>>)
        %dma_wait3A = arith.constant 9984 : i32
        %dma_wait3A_21 = arith.constant 0 : i32
        %dma_wait3A_22 = tpu.memref_slice %arg9[%dma_wait3A, %dma_wait3A_21] : memref<10000x16xf32, #tpu.memory_space<vmem_shared>> -> memref<16x16xf32, #tpu.memory_space<vmem_shared>>
        %dma_wait3A_23 = arith.constant 0 : i32
        %dma_wait3A_24 = arith.constant 0 : i32
        %dma_wait3A_25 = tpu.memref_slice %arg5[%dma_wait3A_23, %dma_wait3A_24] : memref<624x16xf32, #tpu.memory_space<hbm>> -> memref<16x16xf32, #tpu.memory_space<hbm>>
        tpu.wait_dma2 semaphore(%run_scoped3A : memref<!tpu.dma_semaphore, #tpu.memory_space<semaphore_mem>>) src(%dma_wait3A_25 : memref<16x16xf32, #tpu.memory_space<hbm>>) dst(%dma_wait3A_22 : memref<16x16xf32, #tpu.memory_space<vmem_shared>>)
        tpu.yield
      }) : () -> ()
    } else {
    }
    "tpu.region"() ({
      %run_scoped3A = tpu.sem_alloc : memref<!tpu.dma_semaphore, #tpu.memory_space<semaphore_mem>>
      %dma_start3A = arith.constant 0 : i32
      %dma_start3A_16 = arith.constant 0 : i32
      %dma_start3A_17 = tpu.memref_slice %arg2[%add3A, %dma_start3A, %dma_start3A_16] : memref<32x125x80xi32, #tpu.memory_space<hbm>> -> memref<1x125x80xi32, #tpu.memory_space<hbm>>
      %dma_start3A_18 = tpu.memref_squeeze %dma_start3A_17 : memref<1x125x80xi32, #tpu.memory_space<hbm>> -> memref<125x80xi32, #tpu.memory_space<hbm>>
      %dma_start3A_19 = arith.constant 0 : i32
      %dma_start3A_20 = arith.constant 0 : i32
      %dma_start3A_21 = tpu.memref_slice %arg2[%add3A, %dma_start3A_19, %dma_start3A_20] : memref<32x125x80xi32, #tpu.memory_space<hbm>> -> memref<1x125x80xi32, #tpu.memory_space<hbm>>
      %dma_start3A_22 = tpu.memref_squeeze %dma_start3A_21 : memref<1x125x80xi32, #tpu.memory_space<hbm>> -> memref<125x80xi32, #tpu.memory_space<hbm>>
      tpu.enqueue_dma source(%dma_start3A_22 : memref<125x80xi32, #tpu.memory_space<hbm>>) target(%arg10 : memref<125x80xi32, #tpu.memory_space<vmem>>) target_semaphore(%run_scoped3A : memref<!tpu.dma_semaphore, #tpu.memory_space<semaphore_mem>>)
      %dma_wait3A = arith.constant 0 : i32
      %dma_wait3A_23 = arith.constant 0 : i32
      %dma_wait3A_24 = tpu.memref_slice %arg2[%add3A, %dma_wait3A, %dma_wait3A_23] : memref<32x125x80xi32, #tpu.memory_space<hbm>> -> memref<1x125x80xi32, #tpu.memory_space<hbm>>
      %dma_wait3A_25 = tpu.memref_squeeze %dma_wait3A_24 : memref<1x125x80xi32, #tpu.memory_space<hbm>> -> memref<125x80xi32, #tpu.memory_space<hbm>>
      %dma_wait3A_26 = arith.constant 0 : i32
      %dma_wait3A_27 = arith.constant 0 : i32
      %dma_wait3A_28 = tpu.memref_slice %arg2[%add3A, %dma_wait3A_26, %dma_wait3A_27] : memref<32x125x80xi32, #tpu.memory_space<hbm>> -> memref<1x125x80xi32, #tpu.memory_space<hbm>>
      %dma_wait3A_29 = tpu.memref_squeeze %dma_wait3A_28 : memref<1x125x80xi32, #tpu.memory_space<hbm>> -> memref<125x80xi32, #tpu.memory_space<hbm>>
      tpu.wait_dma2 semaphore(%run_scoped3A : memref<!tpu.dma_semaphore, #tpu.memory_space<semaphore_mem>>) src(%dma_wait3A_29 : memref<125x80xi32, #tpu.memory_space<hbm>>) dst(%arg10 : memref<125x80xi32, #tpu.memory_space<vmem>>)
      tpu.yield
    }) : () -> ()
    "tpu.region"() ({
      %run_scoped3A = tpu.sem_alloc : memref<!tpu.dma_semaphore, #tpu.memory_space<semaphore_mem>>
      %dma_start3A = arith.constant 0 : i32
      %dma_start3A_16 = arith.constant 0 : i32
      %dma_start3A_17 = tpu.memref_slice %arg3[%add3A, %dma_start3A, %dma_start3A_16] : memref<32x125x80xi32, #tpu.memory_space<hbm>> -> memref<1x125x80xi32, #tpu.memory_space<hbm>>
      %dma_start3A_18 = tpu.memref_squeeze %dma_start3A_17 : memref<1x125x80xi32, #tpu.memory_space<hbm>> -> memref<125x80xi32, #tpu.memory_space<hbm>>
      %dma_start3A_19 = arith.constant 0 : i32
      %dma_start3A_20 = arith.constant 0 : i32
      %dma_start3A_21 = tpu.memref_slice %arg3[%add3A, %dma_start3A_19, %dma_start3A_20] : memref<32x125x80xi32, #tpu.memory_space<hbm>> -> memref<1x125x80xi32, #tpu.memory_space<hbm>>
      %dma_start3A_22 = tpu.memref_squeeze %dma_start3A_21 : memref<1x125x80xi32, #tpu.memory_space<hbm>> -> memref<125x80xi32, #tpu.memory_space<hbm>>
      tpu.enqueue_dma source(%dma_start3A_22 : memref<125x80xi32, #tpu.memory_space<hbm>>) target(%arg11 : memref<125x80xi32, #tpu.memory_space<vmem>>) target_semaphore(%run_scoped3A : memref<!tpu.dma_semaphore, #tpu.memory_space<semaphore_mem>>)
      %dma_wait3A = arith.constant 0 : i32
      %dma_wait3A_23 = arith.constant 0 : i32
      %dma_wait3A_24 = tpu.memref_slice %arg3[%add3A, %dma_wait3A, %dma_wait3A_23] : memref<32x125x80xi32, #tpu.memory_space<hbm>> -> memref<1x125x80xi32, #tpu.memory_space<hbm>>
      %dma_wait3A_25 = tpu.memref_squeeze %dma_wait3A_24 : memref<1x125x80xi32, #tpu.memory_space<hbm>> -> memref<125x80xi32, #tpu.memory_space<hbm>>
      %dma_wait3A_26 = arith.constant 0 : i32
      %dma_wait3A_27 = arith.constant 0 : i32
      %dma_wait3A_28 = tpu.memref_slice %arg3[%add3A, %dma_wait3A_26, %dma_wait3A_27] : memref<32x125x80xi32, #tpu.memory_space<hbm>> -> memref<1x125x80xi32, #tpu.memory_space<hbm>>
      %dma_wait3A_29 = tpu.memref_squeeze %dma_wait3A_28 : memref<1x125x80xi32, #tpu.memory_space<hbm>> -> memref<125x80xi32, #tpu.memory_space<hbm>>
      tpu.wait_dma2 semaphore(%run_scoped3A : memref<!tpu.dma_semaphore, #tpu.memory_space<semaphore_mem>>) src(%dma_wait3A_29 : memref<125x80xi32, #tpu.memory_space<hbm>>) dst(%arg11 : memref<125x80xi32, #tpu.memory_space<vmem>>)
      tpu.yield
    }) : () -> ()
    "tpu.region"() ({
      %run_scoped3A = tpu.sem_alloc : memref<!tpu.dma_semaphore, #tpu.memory_space<semaphore_mem>>
      %dma_start3A = arith.constant 0 : i32
      %dma_start3A_16 = arith.constant 0 : i32
      %dma_start3A_17 = tpu.memref_slice %arg7[%add3A, %dma_start3A, %dma_start3A_16] : memref<32x125x80xi32, #tpu.memory_space<hbm>> -> memref<1x125x80xi32, #tpu.memory_space<hbm>>
      %dma_start3A_18 = tpu.memref_squeeze %dma_start3A_17 : memref<1x125x80xi32, #tpu.memory_space<hbm>> -> memref<125x80xi32, #tpu.memory_space<hbm>>
      %dma_start3A_19 = arith.constant 0 : i32
      %dma_start3A_20 = arith.constant 0 : i32
      %dma_start3A_21 = tpu.memref_slice %arg7[%add3A, %dma_start3A_19, %dma_start3A_20] : memref<32x125x80xi32, #tpu.memory_space<hbm>> -> memref<1x125x80xi32, #tpu.memory_space<hbm>>
      %dma_start3A_22 = tpu.memref_squeeze %dma_start3A_21 : memref<1x125x80xi32, #tpu.memory_space<hbm>> -> memref<125x80xi32, #tpu.memory_space<hbm>>
      tpu.enqueue_dma source(%arg10 : memref<125x80xi32, #tpu.memory_space<vmem>>) target(%dma_start3A_22 : memref<125x80xi32, #tpu.memory_space<hbm>>) target_semaphore(%run_scoped3A : memref<!tpu.dma_semaphore, #tpu.memory_space<semaphore_mem>>)
      %dma_wait3A = arith.constant 0 : i32
      %dma_wait3A_23 = arith.constant 0 : i32
      %dma_wait3A_24 = tpu.memref_slice %arg7[%add3A, %dma_wait3A, %dma_wait3A_23] : memref<32x125x80xi32, #tpu.memory_space<hbm>> -> memref<1x125x80xi32, #tpu.memory_space<hbm>>
      %dma_wait3A_25 = tpu.memref_squeeze %dma_wait3A_24 : memref<1x125x80xi32, #tpu.memory_space<hbm>> -> memref<125x80xi32, #tpu.memory_space<hbm>>
      %dma_wait3A_26 = arith.constant 0 : i32
      %dma_wait3A_27 = arith.constant 0 : i32
      %dma_wait3A_28 = tpu.memref_slice %arg7[%add3A, %dma_wait3A_26, %dma_wait3A_27] : memref<32x125x80xi32, #tpu.memory_space<hbm>> -> memref<1x125x80xi32, #tpu.memory_space<hbm>>
      %dma_wait3A_29 = tpu.memref_squeeze %dma_wait3A_28 : memref<1x125x80xi32, #tpu.memory_space<hbm>> -> memref<125x80xi32, #tpu.memory_space<hbm>>
      tpu.wait_dma2 semaphore(%run_scoped3A : memref<!tpu.dma_semaphore, #tpu.memory_space<semaphore_mem>>) src(%arg10 : memref<125x80xi32, #tpu.memory_space<vmem>>) dst(%dma_wait3A_29 : memref<125x80xi32, #tpu.memory_space<hbm>>)
      tpu.yield
    }) : () -> ()
    "tpu.region"() ({
      %run_scoped3A = tpu.sem_alloc : memref<!tpu.dma_semaphore, #tpu.memory_space<semaphore_mem>>
      %dma_start3A = arith.constant 0 : i32
      %dma_start3A_16 = arith.constant 0 : i32
      %dma_start3A_17 = tpu.memref_slice %arg8[%add3A, %dma_start3A, %dma_start3A_16] : memref<32x125x80xi32, #tpu.memory_space<hbm>> -> memref<1x125x80xi32, #tpu.memory_space<hbm>>
      %dma_start3A_18 = tpu.memref_squeeze %dma_start3A_17 : memref<1x125x80xi32, #tpu.memory_space<hbm>> -> memref<125x80xi32, #tpu.memory_space<hbm>>
      %dma_start3A_19 = arith.constant 0 : i32
      %dma_start3A_20 = arith.constant 0 : i32
      %dma_start3A_21 = tpu.memref_slice %arg8[%add3A, %dma_start3A_19, %dma_start3A_20] : memref<32x125x80xi32, #tpu.memory_space<hbm>> -> memref<1x125x80xi32, #tpu.memory_space<hbm>>
      %dma_start3A_22 = tpu.memref_squeeze %dma_start3A_21 : memref<1x125x80xi32, #tpu.memory_space<hbm>> -> memref<125x80xi32, #tpu.memory_space<hbm>>
      tpu.enqueue_dma source(%arg11 : memref<125x80xi32, #tpu.memory_space<vmem>>) target(%dma_start3A_22 : memref<125x80xi32, #tpu.memory_space<hbm>>) target_semaphore(%run_scoped3A : memref<!tpu.dma_semaphore, #tpu.memory_space<semaphore_mem>>)
      %dma_wait3A = arith.constant 0 : i32
      %dma_wait3A_23 = arith.constant 0 : i32
      %dma_wait3A_24 = tpu.memref_slice %arg8[%add3A, %dma_wait3A, %dma_wait3A_23] : memref<32x125x80xi32, #tpu.memory_space<hbm>> -> memref<1x125x80xi32, #tpu.memory_space<hbm>>
      %dma_wait3A_25 = tpu.memref_squeeze %dma_wait3A_24 : memref<1x125x80xi32, #tpu.memory_space<hbm>> -> memref<125x80xi32, #tpu.memory_space<hbm>>
      %dma_wait3A_26 = arith.constant 0 : i32
      %dma_wait3A_27 = arith.constant 0 : i32
      %dma_wait3A_28 = tpu.memref_slice %arg8[%add3A, %dma_wait3A_26, %dma_wait3A_27] : memref<32x125x80xi32, #tpu.memory_space<hbm>> -> memref<1x125x80xi32, #tpu.memory_space<hbm>>
      %dma_wait3A_29 = tpu.memref_squeeze %dma_wait3A_28 : memref<1x125x80xi32, #tpu.memory_space<hbm>> -> memref<125x80xi32, #tpu.memory_space<hbm>>
      tpu.wait_dma2 semaphore(%run_scoped3A : memref<!tpu.dma_semaphore, #tpu.memory_space<semaphore_mem>>) src(%arg11 : memref<125x80xi32, #tpu.memory_space<vmem>>) dst(%dma_wait3A_29 : memref<125x80xi32, #tpu.memory_space<hbm>>)
      tpu.yield
    }) : () -> ()
    "tpu.region"() ({
      %run_scoped3A = tpu.sem_alloc : memref<!tpu.dma_semaphore, #tpu.memory_space<semaphore_mem>>
      tpu.enqueue_dma source(%arg4 : memref<80x16xf32, #tpu.memory_space<hbm>>) target(%arg12 : memref<80x16xf32, #tpu.memory_space<vmem>>) target_semaphore(%run_scoped3A : memref<!tpu.dma_semaphore, #tpu.memory_space<semaphore_mem>>)
      tpu.wait_dma2 semaphore(%run_scoped3A : memref<!tpu.dma_semaphore, #tpu.memory_space<semaphore_mem>>) src(%arg4 : memref<80x16xf32, #tpu.memory_space<hbm>>) dst(%arg12 : memref<80x16xf32, #tpu.memory_space<vmem>>)
      tpu.yield
    }) : () -> ()
    %barrier3A = arith.constant 0 : index
    tpu.barrier barrier_id(%barrier3A)
    %scan3A = arith.constant 0 : i32
    %scan3A_5 = arith.constant 0 : i32
    %scan3A_6 = arith.constant 125 : i32
    %scan3A_7 = arith.addi %scan3A_5, %scan3A_6 : i32
    %scan3A_8 = arith.constant 1 : i32
    scf.for %scan3A_16 = %scan3A_5 to %scan3A_7 step %scan3A_8  : i32 {
      "tpu.region"() ({
        %run_scoped3A = tpu.sem_alloc : memref<!tpu.dma_semaphore, #tpu.memory_space<semaphore_mem>>
        %dma_start3A = arith.constant 0 : i32
        %dma_start3A_17 = tpu.memref_slice %arg11[%scan3A_16, %dma_start3A] : memref<125x80xi32, #tpu.memory_space<vmem>> -> memref<1x80xi32, #tpu.memory_space<vmem>>
        %dma_start3A_18 = tpu.memref_squeeze %dma_start3A_17 : memref<1x80xi32, #tpu.memory_space<vmem>> -> memref<80xi32, #tpu.memory_space<vmem>>
        %dma_start3A_19 = arith.constant 0 : i32
        %dma_start3A_20 = arith.constant 0 : i32
        %dma_start3A_21 = tpu.memref_slice %arg9[%dma_start3A_19, %dma_start3A_20] : memref<10000x16xf32, #tpu.memory_space<vmem_shared>> -> memref<10000x16xf32, #tpu.memory_space<vmem_shared>>
        tpu.enqueue_indirect_dma source(%arg12 : memref<80x16xf32, #tpu.memory_space<vmem>>) target(%dma_start3A_21 : memref<10000x16xf32, #tpu.memory_space<vmem_shared>>) offsets(%dma_start3A_18 : memref<80xi32, #tpu.memory_space<vmem>>) semaphore(%run_scoped3A : memref<!tpu.dma_semaphore, #tpu.memory_space<semaphore_mem>>) {add = true}
        %dma_wait3A = arith.constant 0 : i32
        %dma_wait3A_22 = tpu.memref_slice %arg11[%scan3A_16, %dma_wait3A] : memref<125x80xi32, #tpu.memory_space<vmem>> -> memref<1x80xi32, #tpu.memory_space<vmem>>
        %dma_wait3A_23 = tpu.memref_squeeze %dma_wait3A_22 : memref<1x80xi32, #tpu.memory_space<vmem>> -> memref<80xi32, #tpu.memory_space<vmem>>
        %dma_wait3A_24 = arith.constant 0 : i32
        %dma_wait3A_25 = arith.constant 0 : i32
        %dma_wait3A_26 = tpu.memref_slice %arg9[%dma_wait3A_24, %dma_wait3A_25] : memref<10000x16xf32, #tpu.memory_space<vmem_shared>> -> memref<10000x16xf32, #tpu.memory_space<vmem_shared>>
        tpu.wait_indirect_dma semaphore(%run_scoped3A : memref<!tpu.dma_semaphore, #tpu.memory_space<semaphore_mem>>) src(%arg12 : memref<80x16xf32, #tpu.memory_space<vmem>>) dst(%dma_wait3A_26 : memref<10000x16xf32, #tpu.memory_space<vmem_shared>>)
        tpu.yield
      }) : () -> ()
    }
    %scan3A_9 = arith.constant 125 : i32
    %barrier3A_10 = arith.constant 0 : index
    tpu.barrier barrier_id(%barrier3A_10)
    "tpu.region"() ({
      %run_scoped3A = tpu.sem_alloc : memref<!tpu.dma_semaphore, #tpu.memory_space<semaphore_mem>>
      %dma_start3A = arith.constant 0 : i32
      %dma_start3A_16 = tpu.memref_slice %arg6[%arg0, %multiple_of3A, %dma_start3A] : memref<2x10000x16xf32, #tpu.memory_space<hbm>> -> memref<1x624x16xf32, #tpu.memory_space<hbm>>
      %dma_start3A_17 = tpu.memref_squeeze %dma_start3A_16 : memref<1x624x16xf32, #tpu.memory_space<hbm>> -> memref<624x16xf32, #tpu.memory_space<hbm>>
      %dma_start3A_18 = arith.constant 0 : i32
      %dma_start3A_19 = tpu.memref_slice %arg9[%multiple_of3A, %dma_start3A_18] : memref<10000x16xf32, #tpu.memory_space<vmem_shared>> -> memref<624x16xf32, #tpu.memory_space<vmem_shared>>
      tpu.enqueue_dma source(%dma_start3A_19 : memref<624x16xf32, #tpu.memory_space<vmem_shared>>) target(%dma_start3A_17 : memref<624x16xf32, #tpu.memory_space<hbm>>) target_semaphore(%run_scoped3A : memref<!tpu.dma_semaphore, #tpu.memory_space<semaphore_mem>>)
      %dma_wait3A = arith.constant 0 : i32
      %dma_wait3A_20 = tpu.memref_slice %arg6[%arg0, %multiple_of3A, %dma_wait3A] : memref<2x10000x16xf32, #tpu.memory_space<hbm>> -> memref<1x624x16xf32, #tpu.memory_space<hbm>>
      %dma_wait3A_21 = tpu.memref_squeeze %dma_wait3A_20 : memref<1x624x16xf32, #tpu.memory_space<hbm>> -> memref<624x16xf32, #tpu.memory_space<hbm>>
      %dma_wait3A_22 = arith.constant 0 : i32
      %dma_wait3A_23 = tpu.memref_slice %arg9[%multiple_of3A, %dma_wait3A_22] : memref<10000x16xf32, #tpu.memory_space<vmem_shared>> -> memref<624x16xf32, #tpu.memory_space<vmem_shared>>
      tpu.wait_dma2 semaphore(%run_scoped3A : memref<!tpu.dma_semaphore, #tpu.memory_space<semaphore_mem>>) src(%dma_wait3A_23 : memref<624x16xf32, #tpu.memory_space<vmem_shared>>) dst(%dma_wait3A_21 : memref<624x16xf32, #tpu.memory_space<hbm>>)
      tpu.yield
    }) : () -> ()
    %eq3A_11 = arith.constant 15 : i32
    %eq3A_12 = arith.cmpi eq, %arg1, %eq3A_11 : i32
    %convert_element_type3A_13 = arith.extui %eq3A_12 : i1 to i32
    %cond3A_14 = arith.constant 0 : i32
    %cond3A_15 = arith.cmpi ne, %convert_element_type3A_13, %cond3A_14 : i32
    scf.if %cond3A_15 {
      "tpu.region"() ({
        %run_scoped3A = tpu.sem_alloc : memref<!tpu.dma_semaphore, #tpu.memory_space<semaphore_mem>>
        %dma_start3A = arith.constant 9984 : i32
        %dma_start3A_16 = arith.constant 0 : i32
        %dma_start3A_17 = tpu.memref_slice %arg6[%arg0, %dma_start3A, %dma_start3A_16] : memref<2x10000x16xf32, #tpu.memory_space<hbm>> -> memref<1x16x16xf32, #tpu.memory_space<hbm>>
        %dma_start3A_18 = tpu.memref_squeeze %dma_start3A_17 : memref<1x16x16xf32, #tpu.memory_space<hbm>> -> memref<16x16xf32, #tpu.memory_space<hbm>>
        %dma_start3A_19 = arith.constant 9984 : i32
        %dma_start3A_20 = arith.constant 0 : i32
        %dma_start3A_21 = tpu.memref_slice %arg9[%dma_start3A_19, %dma_start3A_20] : memref<10000x16xf32, #tpu.memory_space<vmem_shared>> -> memref<16x16xf32, #tpu.memory_space<vmem_shared>>
        tpu.enqueue_dma source(%dma_start3A_21 : memref<16x16xf32, #tpu.memory_space<vmem_shared>>) target(%dma_start3A_18 : memref<16x16xf32, #tpu.memory_space<hbm>>) target_semaphore(%run_scoped3A : memref<!tpu.dma_semaphore, #tpu.memory_space<semaphore_mem>>)
        %dma_wait3A = arith.constant 9984 : i32
        %dma_wait3A_22 = arith.constant 0 : i32
        %dma_wait3A_23 = tpu.memref_slice %arg6[%arg0, %dma_wait3A, %dma_wait3A_22] : memref<2x10000x16xf32, #tpu.memory_space<hbm>> -> memref<1x16x16xf32, #tpu.memory_space<hbm>>
        %dma_wait3A_24 = tpu.memref_squeeze %dma_wait3A_23 : memref<1x16x16xf32, #tpu.memory_space<hbm>> -> memref<16x16xf32, #tpu.memory_space<hbm>>
        %dma_wait3A_25 = arith.constant 9984 : i32
        %dma_wait3A_26 = arith.constant 0 : i32
        %dma_wait3A_27 = tpu.memref_slice %arg9[%dma_wait3A_25, %dma_wait3A_26] : memref<10000x16xf32, #tpu.memory_space<vmem_shared>> -> memref<16x16xf32, #tpu.memory_space<vmem_shared>>
        tpu.wait_dma2 semaphore(%run_scoped3A : memref<!tpu.dma_semaphore, #tpu.memory_space<semaphore_mem>>) src(%dma_wait3A_27 : memref<16x16xf32, #tpu.memory_space<vmem_shared>>) dst(%dma_wait3A_24 : memref<16x16xf32, #tpu.memory_space<hbm>>)
        tpu.yield
      }) : () -> ()
    } else {
    }
    return
  }
}

#map = affine_map<(d0, d1) -> (0, 0)>
#map1 = affine_map<(d0, d1) -> (0, 0, 0)>
module attributes {stable_mosaic.version = 14 : i64} {
  func.func @body(%arg0: i32, %arg1: i32, %arg2: memref<10000x64xf32, #tpu.memory_space<hbm>>, %arg3: memref<32x125x80xi32, #tpu.memory_space<hbm>>, %arg4: memref<32x125x80xi32, #tpu.memory_space<hbm>>, %arg5: memref<624x64xf32, #tpu.memory_space<hbm>>, %arg6: memref<2x10000x64xf32, #tpu.memory_space<hbm>>, %arg7: memref<10000x64xf32, #tpu.memory_space<vmem_shared>>, %arg8: memref<10000x64xf32, #tpu.memory_space<vmem_shared>>, %arg9: memref<125x80xi32, #tpu.memory_space<vmem>>, %arg10: memref<125x80xi32, #tpu.memory_space<vmem>>, %arg11: memref<3x80x64xf32, #tpu.memory_space<vmem>>, %arg12: memref<!tpu.dma_semaphore, #tpu.memory_space<semaphore_mem>>) attributes {dimension_semantics = [#tpu.dimension_semantics<core_parallel>, #tpu.dimension_semantics<subcore_parallel>], iteration_bounds = array<i64: 2, 16>, scalar_prefetch = 0 : i64, scratch_operands = 6 : i64, tpu.core_type = #tpu.core_type<sc_vector_subcore>, window_params = [{transform_indices = #map}, {transform_indices = #map1}, {transform_indices = #map1}, {transform_indices = #map}, {transform_indices = #map1}]} {
    %mul3A = arith.constant 2 : i32
    %mul3A_0 = arith.muli %arg1, %mul3A : i32
    %add3A = arith.addi %mul3A_0, %arg0 : i32
    %mul3A_1 = arith.constant 624 : i32
    %mul3A_2 = arith.muli %arg1, %mul3A_1 : i32
    %multiple_of3A = tpu.assume_multiple %mul3A_2, 8 : i32
    "tpu.region"() ({
      %run_scoped3A = tpu.sem_alloc : memref<!tpu.dma_semaphore, #tpu.memory_space<semaphore_mem>>
      %dma_start3A_39 = arith.constant 0 : i32
      %dma_start3A_40 = tpu.memref_slice %arg7[%multiple_of3A, %dma_start3A_39] : memref<10000x64xf32, #tpu.memory_space<vmem_shared>> -> memref<624x64xf32, #tpu.memory_space<vmem_shared>>
      tpu.enqueue_dma source(%arg5 : memref<624x64xf32, #tpu.memory_space<hbm>>) target(%dma_start3A_40 : memref<624x64xf32, #tpu.memory_space<vmem_shared>>) target_semaphore(%run_scoped3A : memref<!tpu.dma_semaphore, #tpu.memory_space<semaphore_mem>>)
      %dma_wait3A = arith.constant 0 : i32
      %dma_wait3A_41 = tpu.memref_slice %arg7[%multiple_of3A, %dma_wait3A] : memref<10000x64xf32, #tpu.memory_space<vmem_shared>> -> memref<624x64xf32, #tpu.memory_space<vmem_shared>>
      tpu.wait_dma2 semaphore(%run_scoped3A : memref<!tpu.dma_semaphore, #tpu.memory_space<semaphore_mem>>) src(%arg5 : memref<624x64xf32, #tpu.memory_space<hbm>>) dst(%dma_wait3A_41 : memref<624x64xf32, #tpu.memory_space<vmem_shared>>)
      tpu.yield
    }) : () -> ()
    "tpu.region"() ({
      %run_scoped3A = tpu.sem_alloc : memref<!tpu.dma_semaphore, #tpu.memory_space<semaphore_mem>>
      %dma_start3A_39 = arith.constant 0 : i32
      %dma_start3A_40 = tpu.memref_slice %arg8[%multiple_of3A, %dma_start3A_39] : memref<10000x64xf32, #tpu.memory_space<vmem_shared>> -> memref<624x64xf32, #tpu.memory_space<vmem_shared>>
      %dma_start3A_41 = arith.constant 0 : i32
      %dma_start3A_42 = tpu.memref_slice %arg2[%multiple_of3A, %dma_start3A_41] : memref<10000x64xf32, #tpu.memory_space<hbm>> -> memref<624x64xf32, #tpu.memory_space<hbm>>
      tpu.enqueue_dma source(%dma_start3A_42 : memref<624x64xf32, #tpu.memory_space<hbm>>) target(%dma_start3A_40 : memref<624x64xf32, #tpu.memory_space<vmem_shared>>) target_semaphore(%run_scoped3A : memref<!tpu.dma_semaphore, #tpu.memory_space<semaphore_mem>>)
      %dma_wait3A = arith.constant 0 : i32
      %dma_wait3A_43 = tpu.memref_slice %arg8[%multiple_of3A, %dma_wait3A] : memref<10000x64xf32, #tpu.memory_space<vmem_shared>> -> memref<624x64xf32, #tpu.memory_space<vmem_shared>>
      %dma_wait3A_44 = arith.constant 0 : i32
      %dma_wait3A_45 = tpu.memref_slice %arg2[%multiple_of3A, %dma_wait3A_44] : memref<10000x64xf32, #tpu.memory_space<hbm>> -> memref<624x64xf32, #tpu.memory_space<hbm>>
      tpu.wait_dma2 semaphore(%run_scoped3A : memref<!tpu.dma_semaphore, #tpu.memory_space<semaphore_mem>>) src(%dma_wait3A_45 : memref<624x64xf32, #tpu.memory_space<hbm>>) dst(%dma_wait3A_43 : memref<624x64xf32, #tpu.memory_space<vmem_shared>>)
      tpu.yield
    }) : () -> ()
    %eq3A = arith.constant 15 : i32
    %eq3A_3 = arith.cmpi eq, %arg1, %eq3A : i32
    %convert_element_type3A = arith.extui %eq3A_3 : i1 to i32
    %cond3A = arith.constant 0 : i32
    %cond3A_4 = arith.cmpi ne, %convert_element_type3A, %cond3A : i32
    scf.if %cond3A_4 {
      "tpu.region"() ({
        %run_scoped3A = tpu.sem_alloc : memref<!tpu.dma_semaphore, #tpu.memory_space<semaphore_mem>>
        %dma_start3A_39 = arith.constant 9984 : i32
        %dma_start3A_40 = arith.constant 0 : i32
        %dma_start3A_41 = tpu.memref_slice %arg7[%dma_start3A_39, %dma_start3A_40] : memref<10000x64xf32, #tpu.memory_space<vmem_shared>> -> memref<16x64xf32, #tpu.memory_space<vmem_shared>>
        %dma_start3A_42 = arith.constant 0 : i32
        %dma_start3A_43 = arith.constant 0 : i32
        %dma_start3A_44 = tpu.memref_slice %arg5[%dma_start3A_42, %dma_start3A_43] : memref<624x64xf32, #tpu.memory_space<hbm>> -> memref<16x64xf32, #tpu.memory_space<hbm>>
        tpu.enqueue_dma source(%dma_start3A_44 : memref<16x64xf32, #tpu.memory_space<hbm>>) target(%dma_start3A_41 : memref<16x64xf32, #tpu.memory_space<vmem_shared>>) target_semaphore(%run_scoped3A : memref<!tpu.dma_semaphore, #tpu.memory_space<semaphore_mem>>)
        %dma_wait3A = arith.constant 9984 : i32
        %dma_wait3A_45 = arith.constant 0 : i32
        %dma_wait3A_46 = tpu.memref_slice %arg7[%dma_wait3A, %dma_wait3A_45] : memref<10000x64xf32, #tpu.memory_space<vmem_shared>> -> memref<16x64xf32, #tpu.memory_space<vmem_shared>>
        %dma_wait3A_47 = arith.constant 0 : i32
        %dma_wait3A_48 = arith.constant 0 : i32
        %dma_wait3A_49 = tpu.memref_slice %arg5[%dma_wait3A_47, %dma_wait3A_48] : memref<624x64xf32, #tpu.memory_space<hbm>> -> memref<16x64xf32, #tpu.memory_space<hbm>>
        tpu.wait_dma2 semaphore(%run_scoped3A : memref<!tpu.dma_semaphore, #tpu.memory_space<semaphore_mem>>) src(%dma_wait3A_49 : memref<16x64xf32, #tpu.memory_space<hbm>>) dst(%dma_wait3A_46 : memref<16x64xf32, #tpu.memory_space<vmem_shared>>)
        tpu.yield
      }) : () -> ()
      "tpu.region"() ({
        %run_scoped3A = tpu.sem_alloc : memref<!tpu.dma_semaphore, #tpu.memory_space<semaphore_mem>>
        %dma_start3A_39 = arith.constant 9984 : i32
        %dma_start3A_40 = arith.constant 0 : i32
        %dma_start3A_41 = tpu.memref_slice %arg8[%dma_start3A_39, %dma_start3A_40] : memref<10000x64xf32, #tpu.memory_space<vmem_shared>> -> memref<16x64xf32, #tpu.memory_space<vmem_shared>>
        %dma_start3A_42 = arith.constant 9984 : i32
        %dma_start3A_43 = arith.constant 0 : i32
        %dma_start3A_44 = tpu.memref_slice %arg2[%dma_start3A_42, %dma_start3A_43] : memref<10000x64xf32, #tpu.memory_space<hbm>> -> memref<16x64xf32, #tpu.memory_space<hbm>>
        tpu.enqueue_dma source(%dma_start3A_44 : memref<16x64xf32, #tpu.memory_space<hbm>>) target(%dma_start3A_41 : memref<16x64xf32, #tpu.memory_space<vmem_shared>>) target_semaphore(%run_scoped3A : memref<!tpu.dma_semaphore, #tpu.memory_space<semaphore_mem>>)
        %dma_wait3A = arith.constant 9984 : i32
        %dma_wait3A_45 = arith.constant 0 : i32
        %dma_wait3A_46 = tpu.memref_slice %arg8[%dma_wait3A, %dma_wait3A_45] : memref<10000x64xf32, #tpu.memory_space<vmem_shared>> -> memref<16x64xf32, #tpu.memory_space<vmem_shared>>
        %dma_wait3A_47 = arith.constant 9984 : i32
        %dma_wait3A_48 = arith.constant 0 : i32
        %dma_wait3A_49 = tpu.memref_slice %arg2[%dma_wait3A_47, %dma_wait3A_48] : memref<10000x64xf32, #tpu.memory_space<hbm>> -> memref<16x64xf32, #tpu.memory_space<hbm>>
        tpu.wait_dma2 semaphore(%run_scoped3A : memref<!tpu.dma_semaphore, #tpu.memory_space<semaphore_mem>>) src(%dma_wait3A_49 : memref<16x64xf32, #tpu.memory_space<hbm>>) dst(%dma_wait3A_46 : memref<16x64xf32, #tpu.memory_space<vmem_shared>>)
        tpu.yield
      }) : () -> ()
    } else {
    }
    "tpu.region"() ({
      %run_scoped3A = tpu.sem_alloc : memref<!tpu.dma_semaphore, #tpu.memory_space<semaphore_mem>>
      %dma_start3A_39 = arith.constant 0 : i32
      %dma_start3A_40 = arith.constant 0 : i32
      %dma_start3A_41 = tpu.memref_slice %arg3[%add3A, %dma_start3A_39, %dma_start3A_40] : memref<32x125x80xi32, #tpu.memory_space<hbm>> -> memref<1x125x80xi32, #tpu.memory_space<hbm>>
      %dma_start3A_42 = tpu.memref_squeeze %dma_start3A_41 : memref<1x125x80xi32, #tpu.memory_space<hbm>> -> memref<125x80xi32, #tpu.memory_space<hbm>>
      %dma_start3A_43 = arith.constant 0 : i32
      %dma_start3A_44 = arith.constant 0 : i32
      %dma_start3A_45 = tpu.memref_slice %arg3[%add3A, %dma_start3A_43, %dma_start3A_44] : memref<32x125x80xi32, #tpu.memory_space<hbm>> -> memref<1x125x80xi32, #tpu.memory_space<hbm>>
      %dma_start3A_46 = tpu.memref_squeeze %dma_start3A_45 : memref<1x125x80xi32, #tpu.memory_space<hbm>> -> memref<125x80xi32, #tpu.memory_space<hbm>>
      tpu.enqueue_dma source(%dma_start3A_46 : memref<125x80xi32, #tpu.memory_space<hbm>>) target(%arg9 : memref<125x80xi32, #tpu.memory_space<vmem>>) target_semaphore(%run_scoped3A : memref<!tpu.dma_semaphore, #tpu.memory_space<semaphore_mem>>)
      %dma_wait3A = arith.constant 0 : i32
      %dma_wait3A_47 = arith.constant 0 : i32
      %dma_wait3A_48 = tpu.memref_slice %arg3[%add3A, %dma_wait3A, %dma_wait3A_47] : memref<32x125x80xi32, #tpu.memory_space<hbm>> -> memref<1x125x80xi32, #tpu.memory_space<hbm>>
      %dma_wait3A_49 = tpu.memref_squeeze %dma_wait3A_48 : memref<1x125x80xi32, #tpu.memory_space<hbm>> -> memref<125x80xi32, #tpu.memory_space<hbm>>
      %dma_wait3A_50 = arith.constant 0 : i32
      %dma_wait3A_51 = arith.constant 0 : i32
      %dma_wait3A_52 = tpu.memref_slice %arg3[%add3A, %dma_wait3A_50, %dma_wait3A_51] : memref<32x125x80xi32, #tpu.memory_space<hbm>> -> memref<1x125x80xi32, #tpu.memory_space<hbm>>
      %dma_wait3A_53 = tpu.memref_squeeze %dma_wait3A_52 : memref<1x125x80xi32, #tpu.memory_space<hbm>> -> memref<125x80xi32, #tpu.memory_space<hbm>>
      tpu.wait_dma2 semaphore(%run_scoped3A : memref<!tpu.dma_semaphore, #tpu.memory_space<semaphore_mem>>) src(%dma_wait3A_53 : memref<125x80xi32, #tpu.memory_space<hbm>>) dst(%arg9 : memref<125x80xi32, #tpu.memory_space<vmem>>)
      tpu.yield
    }) : () -> ()
    "tpu.region"() ({
      %run_scoped3A = tpu.sem_alloc : memref<!tpu.dma_semaphore, #tpu.memory_space<semaphore_mem>>
      %dma_start3A_39 = arith.constant 0 : i32
      %dma_start3A_40 = arith.constant 0 : i32
      %dma_start3A_41 = tpu.memref_slice %arg4[%add3A, %dma_start3A_39, %dma_start3A_40] : memref<32x125x80xi32, #tpu.memory_space<hbm>> -> memref<1x125x80xi32, #tpu.memory_space<hbm>>
      %dma_start3A_42 = tpu.memref_squeeze %dma_start3A_41 : memref<1x125x80xi32, #tpu.memory_space<hbm>> -> memref<125x80xi32, #tpu.memory_space<hbm>>
      %dma_start3A_43 = arith.constant 0 : i32
      %dma_start3A_44 = arith.constant 0 : i32
      %dma_start3A_45 = tpu.memref_slice %arg4[%add3A, %dma_start3A_43, %dma_start3A_44] : memref<32x125x80xi32, #tpu.memory_space<hbm>> -> memref<1x125x80xi32, #tpu.memory_space<hbm>>
      %dma_start3A_46 = tpu.memref_squeeze %dma_start3A_45 : memref<1x125x80xi32, #tpu.memory_space<hbm>> -> memref<125x80xi32, #tpu.memory_space<hbm>>
      tpu.enqueue_dma source(%dma_start3A_46 : memref<125x80xi32, #tpu.memory_space<hbm>>) target(%arg10 : memref<125x80xi32, #tpu.memory_space<vmem>>) target_semaphore(%run_scoped3A : memref<!tpu.dma_semaphore, #tpu.memory_space<semaphore_mem>>)
      %dma_wait3A = arith.constant 0 : i32
      %dma_wait3A_47 = arith.constant 0 : i32
      %dma_wait3A_48 = tpu.memref_slice %arg4[%add3A, %dma_wait3A, %dma_wait3A_47] : memref<32x125x80xi32, #tpu.memory_space<hbm>> -> memref<1x125x80xi32, #tpu.memory_space<hbm>>
      %dma_wait3A_49 = tpu.memref_squeeze %dma_wait3A_48 : memref<1x125x80xi32, #tpu.memory_space<hbm>> -> memref<125x80xi32, #tpu.memory_space<hbm>>
      %dma_wait3A_50 = arith.constant 0 : i32
      %dma_wait3A_51 = arith.constant 0 : i32
      %dma_wait3A_52 = tpu.memref_slice %arg4[%add3A, %dma_wait3A_50, %dma_wait3A_51] : memref<32x125x80xi32, #tpu.memory_space<hbm>> -> memref<1x125x80xi32, #tpu.memory_space<hbm>>
      %dma_wait3A_53 = tpu.memref_squeeze %dma_wait3A_52 : memref<1x125x80xi32, #tpu.memory_space<hbm>> -> memref<125x80xi32, #tpu.memory_space<hbm>>
      tpu.wait_dma2 semaphore(%run_scoped3A : memref<!tpu.dma_semaphore, #tpu.memory_space<semaphore_mem>>) src(%dma_wait3A_53 : memref<125x80xi32, #tpu.memory_space<hbm>>) dst(%arg10 : memref<125x80xi32, #tpu.memory_space<vmem>>)
      tpu.yield
    }) : () -> ()
    %barrier3A = arith.constant 0 : index
    tpu.barrier barrier_id(%barrier3A)
    %dma_start3A = arith.constant 0 : i32
    %dma_start3A_5 = arith.constant 0 : i32
    %dma_start3A_6 = arith.constant 0 : i32
    %dma_start3A_7 = arith.constant 0 : i32
    %dma_start3A_8 = tpu.memref_slice %arg11[%dma_start3A_5, %dma_start3A_6, %dma_start3A_7] : memref<3x80x64xf32, #tpu.memory_space<vmem>> -> memref<1x80x64xf32, #tpu.memory_space<vmem>>
    %dma_start3A_9 = tpu.memref_squeeze %dma_start3A_8 : memref<1x80x64xf32, #tpu.memory_space<vmem>> -> memref<80x64xf32, #tpu.memory_space<vmem>>
    %dma_start3A_10 = arith.constant 0 : i32
    %dma_start3A_11 = tpu.memref_slice %arg9[%dma_start3A, %dma_start3A_10] : memref<125x80xi32, #tpu.memory_space<vmem>> -> memref<1x80xi32, #tpu.memory_space<vmem>>
    %dma_start3A_12 = tpu.memref_squeeze %dma_start3A_11 : memref<1x80xi32, #tpu.memory_space<vmem>> -> memref<80xi32, #tpu.memory_space<vmem>>
    %dma_start3A_13 = arith.constant 0 : i32
    %dma_start3A_14 = arith.constant 0 : i32
    %dma_start3A_15 = tpu.memref_slice %arg8[%dma_start3A_13, %dma_start3A_14] : memref<10000x64xf32, #tpu.memory_space<vmem_shared>> -> memref<10000x64xf32, #tpu.memory_space<vmem_shared>>
    tpu.enqueue_indirect_dma source(%dma_start3A_15 : memref<10000x64xf32, #tpu.memory_space<vmem_shared>>) target(%dma_start3A_9 : memref<80x64xf32, #tpu.memory_space<vmem>>) offsets(%dma_start3A_12 : memref<80xi32, #tpu.memory_space<vmem>>) semaphore(%arg12 : memref<!tpu.dma_semaphore, #tpu.memory_space<semaphore_mem>>)
    %dma_start3A_16 = arith.constant 1 : i32
    %dma_start3A_17 = arith.constant 1 : i32
    %dma_start3A_18 = arith.constant 0 : i32
    %dma_start3A_19 = arith.constant 0 : i32
    %dma_start3A_20 = tpu.memref_slice %arg11[%dma_start3A_17, %dma_start3A_18, %dma_start3A_19] : memref<3x80x64xf32, #tpu.memory_space<vmem>> -> memref<1x80x64xf32, #tpu.memory_space<vmem>>
    %dma_start3A_21 = tpu.memref_squeeze %dma_start3A_20 : memref<1x80x64xf32, #tpu.memory_space<vmem>> -> memref<80x64xf32, #tpu.memory_space<vmem>>
    %dma_start3A_22 = arith.constant 0 : i32
    %dma_start3A_23 = tpu.memref_slice %arg9[%dma_start3A_16, %dma_start3A_22] : memref<125x80xi32, #tpu.memory_space<vmem>> -> memref<1x80xi32, #tpu.memory_space<vmem>>
    %dma_start3A_24 = tpu.memref_squeeze %dma_start3A_23 : memref<1x80xi32, #tpu.memory_space<vmem>> -> memref<80xi32, #tpu.memory_space<vmem>>
    %dma_start3A_25 = arith.constant 0 : i32
    %dma_start3A_26 = arith.constant 0 : i32
    %dma_start3A_27 = tpu.memref_slice %arg8[%dma_start3A_25, %dma_start3A_26] : memref<10000x64xf32, #tpu.memory_space<vmem_shared>> -> memref<10000x64xf32, #tpu.memory_space<vmem_shared>>
    tpu.enqueue_indirect_dma source(%dma_start3A_27 : memref<10000x64xf32, #tpu.memory_space<vmem_shared>>) target(%dma_start3A_21 : memref<80x64xf32, #tpu.memory_space<vmem>>) offsets(%dma_start3A_24 : memref<80xi32, #tpu.memory_space<vmem>>) semaphore(%arg12 : memref<!tpu.dma_semaphore, #tpu.memory_space<semaphore_mem>>)
    %scan3A = arith.constant 0 : i32
    %scan3A_28 = arith.constant 0 : i32
    %scan3A_29 = arith.constant 125 : i32
    %scan3A_30 = arith.addi %scan3A_28, %scan3A_29 : i32
    %scan3A_31 = arith.constant 1 : i32
    scf.for %scan3A_39 = %scan3A_28 to %scan3A_30 step %scan3A_31  : i32 {
      %rem3A = arith.constant 3 : i32
      %rem3A_40 = arith.remsi %scan3A_39, %rem3A : i32
      %dma_wait3A = arith.constant 0 : i32
      %dma_wait3A_41 = arith.constant 0 : i32
      %dma_wait3A_42 = tpu.memref_slice %arg11[%rem3A_40, %dma_wait3A, %dma_wait3A_41] : memref<3x80x64xf32, #tpu.memory_space<vmem>> -> memref<1x80x64xf32, #tpu.memory_space<vmem>>
      %dma_wait3A_43 = tpu.memref_squeeze %dma_wait3A_42 : memref<1x80x64xf32, #tpu.memory_space<vmem>> -> memref<80x64xf32, #tpu.memory_space<vmem>>
      %dma_wait3A_44 = arith.constant 0 : i32
      %dma_wait3A_45 = tpu.memref_slice %arg9[%scan3A_39, %dma_wait3A_44] : memref<125x80xi32, #tpu.memory_space<vmem>> -> memref<1x80xi32, #tpu.memory_space<vmem>>
      %dma_wait3A_46 = tpu.memref_squeeze %dma_wait3A_45 : memref<1x80xi32, #tpu.memory_space<vmem>> -> memref<80xi32, #tpu.memory_space<vmem>>
      %dma_wait3A_47 = arith.constant 0 : i32
      %dma_wait3A_48 = arith.constant 0 : i32
      %dma_wait3A_49 = tpu.memref_slice %arg8[%dma_wait3A_47, %dma_wait3A_48] : memref<10000x64xf32, #tpu.memory_space<vmem_shared>> -> memref<10000x64xf32, #tpu.memory_space<vmem_shared>>
      tpu.wait_indirect_dma semaphore(%arg12 : memref<!tpu.dma_semaphore, #tpu.memory_space<semaphore_mem>>) src(%dma_wait3A_49 : memref<10000x64xf32, #tpu.memory_space<vmem_shared>>) dst(%dma_wait3A_43 : memref<80x64xf32, #tpu.memory_space<vmem>>)
      %add3A_50 = arith.constant 2 : i32
      %add3A_51 = arith.addi %scan3A_39, %add3A_50 : i32
      %lt3A = arith.constant 125 : i32
      %lt3A_52 = arith.cmpi slt, %add3A_51, %lt3A : i32
      %convert_element_type3A_53 = arith.extui %lt3A_52 : i1 to i32
      %cond3A_54 = arith.constant 0 : i32
      %cond3A_55 = arith.cmpi ne, %convert_element_type3A_53, %cond3A_54 : i32
      scf.if %cond3A_55 {
        %add3A_56 = arith.constant 2 : i32
        %add3A_57 = arith.addi %scan3A_39, %add3A_56 : i32
        %add3A_58 = arith.constant 2 : i32
        %add3A_59 = arith.addi %scan3A_39, %add3A_58 : i32
        %rem3A_60 = arith.constant 3 : i32
        %rem3A_61 = arith.remsi %add3A_59, %rem3A_60 : i32
        %dma_start3A_62 = arith.constant 0 : i32
        %dma_start3A_63 = arith.constant 0 : i32
        %dma_start3A_64 = tpu.memref_slice %arg11[%rem3A_61, %dma_start3A_62, %dma_start3A_63] : memref<3x80x64xf32, #tpu.memory_space<vmem>> -> memref<1x80x64xf32, #tpu.memory_space<vmem>>
        %dma_start3A_65 = tpu.memref_squeeze %dma_start3A_64 : memref<1x80x64xf32, #tpu.memory_space<vmem>> -> memref<80x64xf32, #tpu.memory_space<vmem>>
        %dma_start3A_66 = arith.constant 0 : i32
        %dma_start3A_67 = tpu.memref_slice %arg9[%add3A_57, %dma_start3A_66] : memref<125x80xi32, #tpu.memory_space<vmem>> -> memref<1x80xi32, #tpu.memory_space<vmem>>
        %dma_start3A_68 = tpu.memref_squeeze %dma_start3A_67 : memref<1x80xi32, #tpu.memory_space<vmem>> -> memref<80xi32, #tpu.memory_space<vmem>>
        %dma_start3A_69 = arith.constant 0 : i32
        %dma_start3A_70 = arith.constant 0 : i32
        %dma_start3A_71 = tpu.memref_slice %arg8[%dma_start3A_69, %dma_start3A_70] : memref<10000x64xf32, #tpu.memory_space<vmem_shared>> -> memref<10000x64xf32, #tpu.memory_space<vmem_shared>>
        tpu.enqueue_indirect_dma source(%dma_start3A_71 : memref<10000x64xf32, #tpu.memory_space<vmem_shared>>) target(%dma_start3A_65 : memref<80x64xf32, #tpu.memory_space<vmem>>) offsets(%dma_start3A_68 : memref<80xi32, #tpu.memory_space<vmem>>) semaphore(%arg12 : memref<!tpu.dma_semaphore, #tpu.memory_space<semaphore_mem>>)
      } else {
      }
      "tpu.region"() ({
        %run_scoped3A = tpu.sem_alloc : memref<!tpu.dma_semaphore, #tpu.memory_space<semaphore_mem>>
        %dma_start3A_56 = arith.constant 0 : i32
        %dma_start3A_57 = arith.constant 0 : i32
        %dma_start3A_58 = tpu.memref_slice %arg11[%rem3A_40, %dma_start3A_56, %dma_start3A_57] : memref<3x80x64xf32, #tpu.memory_space<vmem>> -> memref<1x80x64xf32, #tpu.memory_space<vmem>>
        %dma_start3A_59 = tpu.memref_squeeze %dma_start3A_58 : memref<1x80x64xf32, #tpu.memory_space<vmem>> -> memref<80x64xf32, #tpu.memory_space<vmem>>
        %dma_start3A_60 = arith.constant 0 : i32
        %dma_start3A_61 = tpu.memref_slice %arg10[%scan3A_39, %dma_start3A_60] : memref<125x80xi32, #tpu.memory_space<vmem>> -> memref<1x80xi32, #tpu.memory_space<vmem>>
        %dma_start3A_62 = tpu.memref_squeeze %dma_start3A_61 : memref<1x80xi32, #tpu.memory_space<vmem>> -> memref<80xi32, #tpu.memory_space<vmem>>
        %dma_start3A_63 = arith.constant 0 : i32
        %dma_start3A_64 = arith.constant 0 : i32
        %dma_start3A_65 = tpu.memref_slice %arg7[%dma_start3A_63, %dma_start3A_64] : memref<10000x64xf32, #tpu.memory_space<vmem_shared>> -> memref<10000x64xf32, #tpu.memory_space<vmem_shared>>
        tpu.enqueue_indirect_dma source(%dma_start3A_59 : memref<80x64xf32, #tpu.memory_space<vmem>>) target(%dma_start3A_65 : memref<10000x64xf32, #tpu.memory_space<vmem_shared>>) offsets(%dma_start3A_62 : memref<80xi32, #tpu.memory_space<vmem>>) semaphore(%run_scoped3A : memref<!tpu.dma_semaphore, #tpu.memory_space<semaphore_mem>>) {add = true}
        %dma_wait3A_66 = arith.constant 0 : i32
        %dma_wait3A_67 = arith.constant 0 : i32
        %dma_wait3A_68 = tpu.memref_slice %arg11[%rem3A_40, %dma_wait3A_66, %dma_wait3A_67] : memref<3x80x64xf32, #tpu.memory_space<vmem>> -> memref<1x80x64xf32, #tpu.memory_space<vmem>>
        %dma_wait3A_69 = tpu.memref_squeeze %dma_wait3A_68 : memref<1x80x64xf32, #tpu.memory_space<vmem>> -> memref<80x64xf32, #tpu.memory_space<vmem>>
        %dma_wait3A_70 = arith.constant 0 : i32
        %dma_wait3A_71 = tpu.memref_slice %arg10[%scan3A_39, %dma_wait3A_70] : memref<125x80xi32, #tpu.memory_space<vmem>> -> memref<1x80xi32, #tpu.memory_space<vmem>>
        %dma_wait3A_72 = tpu.memref_squeeze %dma_wait3A_71 : memref<1x80xi32, #tpu.memory_space<vmem>> -> memref<80xi32, #tpu.memory_space<vmem>>
        %dma_wait3A_73 = arith.constant 0 : i32
        %dma_wait3A_74 = arith.constant 0 : i32
        %dma_wait3A_75 = tpu.memref_slice %arg7[%dma_wait3A_73, %dma_wait3A_74] : memref<10000x64xf32, #tpu.memory_space<vmem_shared>> -> memref<10000x64xf32, #tpu.memory_space<vmem_shared>>
        tpu.wait_indirect_dma semaphore(%run_scoped3A : memref<!tpu.dma_semaphore, #tpu.memory_space<semaphore_mem>>) src(%dma_wait3A_69 : memref<80x64xf32, #tpu.memory_space<vmem>>) dst(%dma_wait3A_75 : memref<10000x64xf32, #tpu.memory_space<vmem_shared>>)
        tpu.yield
      }) : () -> ()
    }
    %scan3A_32 = arith.constant 125 : i32
    %barrier3A_33 = arith.constant 0 : index
    tpu.barrier barrier_id(%barrier3A_33)
    "tpu.region"() ({
      %run_scoped3A = tpu.sem_alloc : memref<!tpu.dma_semaphore, #tpu.memory_space<semaphore_mem>>
      %dma_start3A_39 = arith.constant 0 : i32
      %dma_start3A_40 = tpu.memref_slice %arg6[%arg0, %multiple_of3A, %dma_start3A_39] : memref<2x10000x64xf32, #tpu.memory_space<hbm>> -> memref<1x624x64xf32, #tpu.memory_space<hbm>>
      %dma_start3A_41 = tpu.memref_squeeze %dma_start3A_40 : memref<1x624x64xf32, #tpu.memory_space<hbm>> -> memref<624x64xf32, #tpu.memory_space<hbm>>
      %dma_start3A_42 = arith.constant 0 : i32
      %dma_start3A_43 = tpu.memref_slice %arg7[%multiple_of3A, %dma_start3A_42] : memref<10000x64xf32, #tpu.memory_space<vmem_shared>> -> memref<624x64xf32, #tpu.memory_space<vmem_shared>>
      tpu.enqueue_dma source(%dma_start3A_43 : memref<624x64xf32, #tpu.memory_space<vmem_shared>>) target(%dma_start3A_41 : memref<624x64xf32, #tpu.memory_space<hbm>>) target_semaphore(%run_scoped3A : memref<!tpu.dma_semaphore, #tpu.memory_space<semaphore_mem>>)
      %dma_wait3A = arith.constant 0 : i32
      %dma_wait3A_44 = tpu.memref_slice %arg6[%arg0, %multiple_of3A, %dma_wait3A] : memref<2x10000x64xf32, #tpu.memory_space<hbm>> -> memref<1x624x64xf32, #tpu.memory_space<hbm>>
      %dma_wait3A_45 = tpu.memref_squeeze %dma_wait3A_44 : memref<1x624x64xf32, #tpu.memory_space<hbm>> -> memref<624x64xf32, #tpu.memory_space<hbm>>
      %dma_wait3A_46 = arith.constant 0 : i32
      %dma_wait3A_47 = tpu.memref_slice %arg7[%multiple_of3A, %dma_wait3A_46] : memref<10000x64xf32, #tpu.memory_space<vmem_shared>> -> memref<624x64xf32, #tpu.memory_space<vmem_shared>>
      tpu.wait_dma2 semaphore(%run_scoped3A : memref<!tpu.dma_semaphore, #tpu.memory_space<semaphore_mem>>) src(%dma_wait3A_47 : memref<624x64xf32, #tpu.memory_space<vmem_shared>>) dst(%dma_wait3A_45 : memref<624x64xf32, #tpu.memory_space<hbm>>)
      tpu.yield
    }) : () -> ()
    %eq3A_34 = arith.constant 15 : i32
    %eq3A_35 = arith.cmpi eq, %arg1, %eq3A_34 : i32
    %convert_element_type3A_36 = arith.extui %eq3A_35 : i1 to i32
    %cond3A_37 = arith.constant 0 : i32
    %cond3A_38 = arith.cmpi ne, %convert_element_type3A_36, %cond3A_37 : i32
    scf.if %cond3A_38 {
      "tpu.region"() ({
        %run_scoped3A = tpu.sem_alloc : memref<!tpu.dma_semaphore, #tpu.memory_space<semaphore_mem>>
        %dma_start3A_39 = arith.constant 9984 : i32
        %dma_start3A_40 = arith.constant 0 : i32
        %dma_start3A_41 = tpu.memref_slice %arg6[%arg0, %dma_start3A_39, %dma_start3A_40] : memref<2x10000x64xf32, #tpu.memory_space<hbm>> -> memref<1x16x64xf32, #tpu.memory_space<hbm>>
        %dma_start3A_42 = tpu.memref_squeeze %dma_start3A_41 : memref<1x16x64xf32, #tpu.memory_space<hbm>> -> memref<16x64xf32, #tpu.memory_space<hbm>>
        %dma_start3A_43 = arith.constant 9984 : i32
        %dma_start3A_44 = arith.constant 0 : i32
        %dma_start3A_45 = tpu.memref_slice %arg7[%dma_start3A_43, %dma_start3A_44] : memref<10000x64xf32, #tpu.memory_space<vmem_shared>> -> memref<16x64xf32, #tpu.memory_space<vmem_shared>>
        tpu.enqueue_dma source(%dma_start3A_45 : memref<16x64xf32, #tpu.memory_space<vmem_shared>>) target(%dma_start3A_42 : memref<16x64xf32, #tpu.memory_space<hbm>>) target_semaphore(%run_scoped3A : memref<!tpu.dma_semaphore, #tpu.memory_space<semaphore_mem>>)
        %dma_wait3A = arith.constant 9984 : i32
        %dma_wait3A_46 = arith.constant 0 : i32
        %dma_wait3A_47 = tpu.memref_slice %arg6[%arg0, %dma_wait3A, %dma_wait3A_46] : memref<2x10000x64xf32, #tpu.memory_space<hbm>> -> memref<1x16x64xf32, #tpu.memory_space<hbm>>
        %dma_wait3A_48 = tpu.memref_squeeze %dma_wait3A_47 : memref<1x16x64xf32, #tpu.memory_space<hbm>> -> memref<16x64xf32, #tpu.memory_space<hbm>>
        %dma_wait3A_49 = arith.constant 9984 : i32
        %dma_wait3A_50 = arith.constant 0 : i32
        %dma_wait3A_51 = tpu.memref_slice %arg7[%dma_wait3A_49, %dma_wait3A_50] : memref<10000x64xf32, #tpu.memory_space<vmem_shared>> -> memref<16x64xf32, #tpu.memory_space<vmem_shared>>
        tpu.wait_dma2 semaphore(%run_scoped3A : memref<!tpu.dma_semaphore, #tpu.memory_space<semaphore_mem>>) src(%dma_wait3A_51 : memref<16x64xf32, #tpu.memory_space<vmem_shared>>) dst(%dma_wait3A_48 : memref<16x64xf32, #tpu.memory_space<hbm>>)
        tpu.yield
      }) : () -> ()
    } else {
    }
    return
  }
}

#map = affine_map<(d0, d1) -> (0, 0)>
#map1 = affine_map<(d0, d1) -> (0, 0, 0)>
module attributes {stable_mosaic.version = 14 : i64} {
  func.func @body(%arg0: i32, %arg1: i32, %arg2: memref<10000x64xf32, #tpu.memory_space<hbm>>, %arg3: memref<10000x64xf32, #tpu.memory_space<hbm>>, %arg4: memref<32x125x80xi32, #tpu.memory_space<hbm>>, %arg5: memref<32x125x80xi32, #tpu.memory_space<hbm>>, %arg6: memref<624x64xf32, #tpu.memory_space<hbm>>, %arg7: memref<2x10000x64xf32, #tpu.memory_space<hbm>>, %arg8: memref<2x10000x64xf32, #tpu.memory_space<hbm>>, %arg9: memref<10000x64xf32, #tpu.memory_space<vmem_shared>>, %arg10: memref<10000x64xf32, #tpu.memory_space<vmem_shared>>, %arg11: memref<125x80xi32, #tpu.memory_space<vmem>>, %arg12: memref<125x80xi32, #tpu.memory_space<vmem>>, %arg13: memref<3x80x64xf32, #tpu.memory_space<vmem>>, %arg14: memref<!tpu.dma_semaphore, #tpu.memory_space<semaphore_mem>>) attributes {dimension_semantics = [#tpu.dimension_semantics<core_parallel>, #tpu.dimension_semantics<subcore_parallel>], iteration_bounds = array<i64: 2, 16>, scalar_prefetch = 0 : i64, scratch_operands = 6 : i64, tpu.core_type = #tpu.core_type<sc_vector_subcore>, window_params = [{transform_indices = #map}, {transform_indices = #map}, {transform_indices = #map1}, {transform_indices = #map1}, {transform_indices = #map}, {transform_indices = #map1}, {transform_indices = #map1}]} {
    %mul3A = arith.constant 2 : i32
    %mul3A_0 = arith.muli %arg1, %mul3A : i32
    %add3A = arith.addi %mul3A_0, %arg0 : i32
    %mul3A_1 = arith.constant 624 : i32
    %mul3A_2 = arith.muli %arg1, %mul3A_1 : i32
    %multiple_of3A = tpu.assume_multiple %mul3A_2, 8 : i32
    "tpu.region"() ({
      %run_scoped3A = tpu.sem_alloc : memref<!tpu.dma_semaphore, #tpu.memory_space<semaphore_mem>>
      %dma_start3A_81 = arith.constant 0 : i32
      %dma_start3A_82 = arith.constant 0 : i32
      %dma_start3A_83 = tpu.memref_slice %arg4[%add3A, %dma_start3A_81, %dma_start3A_82] : memref<32x125x80xi32, #tpu.memory_space<hbm>> -> memref<1x125x80xi32, #tpu.memory_space<hbm>>
      %dma_start3A_84 = tpu.memref_squeeze %dma_start3A_83 : memref<1x125x80xi32, #tpu.memory_space<hbm>> -> memref<125x80xi32, #tpu.memory_space<hbm>>
      %dma_start3A_85 = arith.constant 0 : i32
      %dma_start3A_86 = arith.constant 0 : i32
      %dma_start3A_87 = tpu.memref_slice %arg4[%add3A, %dma_start3A_85, %dma_start3A_86] : memref<32x125x80xi32, #tpu.memory_space<hbm>> -> memref<1x125x80xi32, #tpu.memory_space<hbm>>
      %dma_start3A_88 = tpu.memref_squeeze %dma_start3A_87 : memref<1x125x80xi32, #tpu.memory_space<hbm>> -> memref<125x80xi32, #tpu.memory_space<hbm>>
      tpu.enqueue_dma source(%dma_start3A_88 : memref<125x80xi32, #tpu.memory_space<hbm>>) target(%arg11 : memref<125x80xi32, #tpu.memory_space<vmem>>) target_semaphore(%run_scoped3A : memref<!tpu.dma_semaphore, #tpu.memory_space<semaphore_mem>>)
      %dma_wait3A = arith.constant 0 : i32
      %dma_wait3A_89 = arith.constant 0 : i32
      %dma_wait3A_90 = tpu.memref_slice %arg4[%add3A, %dma_wait3A, %dma_wait3A_89] : memref<32x125x80xi32, #tpu.memory_space<hbm>> -> memref<1x125x80xi32, #tpu.memory_space<hbm>>
      %dma_wait3A_91 = tpu.memref_squeeze %dma_wait3A_90 : memref<1x125x80xi32, #tpu.memory_space<hbm>> -> memref<125x80xi32, #tpu.memory_space<hbm>>
      %dma_wait3A_92 = arith.constant 0 : i32
      %dma_wait3A_93 = arith.constant 0 : i32
      %dma_wait3A_94 = tpu.memref_slice %arg4[%add3A, %dma_wait3A_92, %dma_wait3A_93] : memref<32x125x80xi32, #tpu.memory_space<hbm>> -> memref<1x125x80xi32, #tpu.memory_space<hbm>>
      %dma_wait3A_95 = tpu.memref_squeeze %dma_wait3A_94 : memref<1x125x80xi32, #tpu.memory_space<hbm>> -> memref<125x80xi32, #tpu.memory_space<hbm>>
      tpu.wait_dma2 semaphore(%run_scoped3A : memref<!tpu.dma_semaphore, #tpu.memory_space<semaphore_mem>>) src(%dma_wait3A_95 : memref<125x80xi32, #tpu.memory_space<hbm>>) dst(%arg11 : memref<125x80xi32, #tpu.memory_space<vmem>>)
      tpu.yield
    }) : () -> ()
    "tpu.region"() ({
      %run_scoped3A = tpu.sem_alloc : memref<!tpu.dma_semaphore, #tpu.memory_space<semaphore_mem>>
      %dma_start3A_81 = arith.constant 0 : i32
      %dma_start3A_82 = arith.constant 0 : i32
      %dma_start3A_83 = tpu.memref_slice %arg5[%add3A, %dma_start3A_81, %dma_start3A_82] : memref<32x125x80xi32, #tpu.memory_space<hbm>> -> memref<1x125x80xi32, #tpu.memory_space<hbm>>
      %dma_start3A_84 = tpu.memref_squeeze %dma_start3A_83 : memref<1x125x80xi32, #tpu.memory_space<hbm>> -> memref<125x80xi32, #tpu.memory_space<hbm>>
      %dma_start3A_85 = arith.constant 0 : i32
      %dma_start3A_86 = arith.constant 0 : i32
      %dma_start3A_87 = tpu.memref_slice %arg5[%add3A, %dma_start3A_85, %dma_start3A_86] : memref<32x125x80xi32, #tpu.memory_space<hbm>> -> memref<1x125x80xi32, #tpu.memory_space<hbm>>
      %dma_start3A_88 = tpu.memref_squeeze %dma_start3A_87 : memref<1x125x80xi32, #tpu.memory_space<hbm>> -> memref<125x80xi32, #tpu.memory_space<hbm>>
      tpu.enqueue_dma source(%dma_start3A_88 : memref<125x80xi32, #tpu.memory_space<hbm>>) target(%arg12 : memref<125x80xi32, #tpu.memory_space<vmem>>) target_semaphore(%run_scoped3A : memref<!tpu.dma_semaphore, #tpu.memory_space<semaphore_mem>>)
      %dma_wait3A = arith.constant 0 : i32
      %dma_wait3A_89 = arith.constant 0 : i32
      %dma_wait3A_90 = tpu.memref_slice %arg5[%add3A, %dma_wait3A, %dma_wait3A_89] : memref<32x125x80xi32, #tpu.memory_space<hbm>> -> memref<1x125x80xi32, #tpu.memory_space<hbm>>
      %dma_wait3A_91 = tpu.memref_squeeze %dma_wait3A_90 : memref<1x125x80xi32, #tpu.memory_space<hbm>> -> memref<125x80xi32, #tpu.memory_space<hbm>>
      %dma_wait3A_92 = arith.constant 0 : i32
      %dma_wait3A_93 = arith.constant 0 : i32
      %dma_wait3A_94 = tpu.memref_slice %arg5[%add3A, %dma_wait3A_92, %dma_wait3A_93] : memref<32x125x80xi32, #tpu.memory_space<hbm>> -> memref<1x125x80xi32, #tpu.memory_space<hbm>>
      %dma_wait3A_95 = tpu.memref_squeeze %dma_wait3A_94 : memref<1x125x80xi32, #tpu.memory_space<hbm>> -> memref<125x80xi32, #tpu.memory_space<hbm>>
      tpu.wait_dma2 semaphore(%run_scoped3A : memref<!tpu.dma_semaphore, #tpu.memory_space<semaphore_mem>>) src(%dma_wait3A_95 : memref<125x80xi32, #tpu.memory_space<hbm>>) dst(%arg12 : memref<125x80xi32, #tpu.memory_space<vmem>>)
      tpu.yield
    }) : () -> ()
    "tpu.region"() ({
      %run_scoped3A = tpu.sem_alloc : memref<!tpu.dma_semaphore, #tpu.memory_space<semaphore_mem>>
      %dma_start3A_81 = arith.constant 0 : i32
      %dma_start3A_82 = tpu.memref_slice %arg9[%multiple_of3A, %dma_start3A_81] : memref<10000x64xf32, #tpu.memory_space<vmem_shared>> -> memref<624x64xf32, #tpu.memory_space<vmem_shared>>
      tpu.enqueue_dma source(%arg6 : memref<624x64xf32, #tpu.memory_space<hbm>>) target(%dma_start3A_82 : memref<624x64xf32, #tpu.memory_space<vmem_shared>>) target_semaphore(%run_scoped3A : memref<!tpu.dma_semaphore, #tpu.memory_space<semaphore_mem>>)
      %dma_wait3A = arith.constant 0 : i32
      %dma_wait3A_83 = tpu.memref_slice %arg9[%multiple_of3A, %dma_wait3A] : memref<10000x64xf32, #tpu.memory_space<vmem_shared>> -> memref<624x64xf32, #tpu.memory_space<vmem_shared>>
      tpu.wait_dma2 semaphore(%run_scoped3A : memref<!tpu.dma_semaphore, #tpu.memory_space<semaphore_mem>>) src(%arg6 : memref<624x64xf32, #tpu.memory_space<hbm>>) dst(%dma_wait3A_83 : memref<624x64xf32, #tpu.memory_space<vmem_shared>>)
      tpu.yield
    }) : () -> ()
    "tpu.region"() ({
      %run_scoped3A = tpu.sem_alloc : memref<!tpu.dma_semaphore, #tpu.memory_space<semaphore_mem>>
      %dma_start3A_81 = arith.constant 0 : i32
      %dma_start3A_82 = tpu.memref_slice %arg10[%multiple_of3A, %dma_start3A_81] : memref<10000x64xf32, #tpu.memory_space<vmem_shared>> -> memref<624x64xf32, #tpu.memory_space<vmem_shared>>
      %dma_start3A_83 = arith.constant 0 : i32
      %dma_start3A_84 = tpu.memref_slice %arg2[%multiple_of3A, %dma_start3A_83] : memref<10000x64xf32, #tpu.memory_space<hbm>> -> memref<624x64xf32, #tpu.memory_space<hbm>>
      tpu.enqueue_dma source(%dma_start3A_84 : memref<624x64xf32, #tpu.memory_space<hbm>>) target(%dma_start3A_82 : memref<624x64xf32, #tpu.memory_space<vmem_shared>>) target_semaphore(%run_scoped3A : memref<!tpu.dma_semaphore, #tpu.memory_space<semaphore_mem>>)
      %dma_wait3A = arith.constant 0 : i32
      %dma_wait3A_85 = tpu.memref_slice %arg10[%multiple_of3A, %dma_wait3A] : memref<10000x64xf32, #tpu.memory_space<vmem_shared>> -> memref<624x64xf32, #tpu.memory_space<vmem_shared>>
      %dma_wait3A_86 = arith.constant 0 : i32
      %dma_wait3A_87 = tpu.memref_slice %arg2[%multiple_of3A, %dma_wait3A_86] : memref<10000x64xf32, #tpu.memory_space<hbm>> -> memref<624x64xf32, #tpu.memory_space<hbm>>
      tpu.wait_dma2 semaphore(%run_scoped3A : memref<!tpu.dma_semaphore, #tpu.memory_space<semaphore_mem>>) src(%dma_wait3A_87 : memref<624x64xf32, #tpu.memory_space<hbm>>) dst(%dma_wait3A_85 : memref<624x64xf32, #tpu.memory_space<vmem_shared>>)
      tpu.yield
    }) : () -> ()
    %eq3A = arith.constant 15 : i32
    %eq3A_3 = arith.cmpi eq, %arg1, %eq3A : i32
    %convert_element_type3A = arith.extui %eq3A_3 : i1 to i32
    %cond3A = arith.constant 0 : i32
    %cond3A_4 = arith.cmpi ne, %convert_element_type3A, %cond3A : i32
    scf.if %cond3A_4 {
      "tpu.region"() ({
        %run_scoped3A = tpu.sem_alloc : memref<!tpu.dma_semaphore, #tpu.memory_space<semaphore_mem>>
        %dma_start3A_81 = arith.constant 9984 : i32
        %dma_start3A_82 = arith.constant 0 : i32
        %dma_start3A_83 = tpu.memref_slice %arg9[%dma_start3A_81, %dma_start3A_82] : memref<10000x64xf32, #tpu.memory_space<vmem_shared>> -> memref<16x64xf32, #tpu.memory_space<vmem_shared>>
        %dma_start3A_84 = arith.constant 0 : i32
        %dma_start3A_85 = arith.constant 0 : i32
        %dma_start3A_86 = tpu.memref_slice %arg6[%dma_start3A_84, %dma_start3A_85] : memref<624x64xf32, #tpu.memory_space<hbm>> -> memref<16x64xf32, #tpu.memory_space<hbm>>
        tpu.enqueue_dma source(%dma_start3A_86 : memref<16x64xf32, #tpu.memory_space<hbm>>) target(%dma_start3A_83 : memref<16x64xf32, #tpu.memory_space<vmem_shared>>) target_semaphore(%run_scoped3A : memref<!tpu.dma_semaphore, #tpu.memory_space<semaphore_mem>>)
        %dma_wait3A = arith.constant 9984 : i32
        %dma_wait3A_87 = arith.constant 0 : i32
        %dma_wait3A_88 = tpu.memref_slice %arg9[%dma_wait3A, %dma_wait3A_87] : memref<10000x64xf32, #tpu.memory_space<vmem_shared>> -> memref<16x64xf32, #tpu.memory_space<vmem_shared>>
        %dma_wait3A_89 = arith.constant 0 : i32
        %dma_wait3A_90 = arith.constant 0 : i32
        %dma_wait3A_91 = tpu.memref_slice %arg6[%dma_wait3A_89, %dma_wait3A_90] : memref<624x64xf32, #tpu.memory_space<hbm>> -> memref<16x64xf32, #tpu.memory_space<hbm>>
        tpu.wait_dma2 semaphore(%run_scoped3A : memref<!tpu.dma_semaphore, #tpu.memory_space<semaphore_mem>>) src(%dma_wait3A_91 : memref<16x64xf32, #tpu.memory_space<hbm>>) dst(%dma_wait3A_88 : memref<16x64xf32, #tpu.memory_space<vmem_shared>>)
        tpu.yield
      }) : () -> ()
      "tpu.region"() ({
        %run_scoped3A = tpu.sem_alloc : memref<!tpu.dma_semaphore, #tpu.memory_space<semaphore_mem>>
        %dma_start3A_81 = arith.constant 9984 : i32
        %dma_start3A_82 = arith.constant 0 : i32
        %dma_start3A_83 = tpu.memref_slice %arg10[%dma_start3A_81, %dma_start3A_82] : memref<10000x64xf32, #tpu.memory_space<vmem_shared>> -> memref<16x64xf32, #tpu.memory_space<vmem_shared>>
        %dma_start3A_84 = arith.constant 9984 : i32
        %dma_start3A_85 = arith.constant 0 : i32
        %dma_start3A_86 = tpu.memref_slice %arg2[%dma_start3A_84, %dma_start3A_85] : memref<10000x64xf32, #tpu.memory_space<hbm>> -> memref<16x64xf32, #tpu.memory_space<hbm>>
        tpu.enqueue_dma source(%dma_start3A_86 : memref<16x64xf32, #tpu.memory_space<hbm>>) target(%dma_start3A_83 : memref<16x64xf32, #tpu.memory_space<vmem_shared>>) target_semaphore(%run_scoped3A : memref<!tpu.dma_semaphore, #tpu.memory_space<semaphore_mem>>)
        %dma_wait3A = arith.constant 9984 : i32
        %dma_wait3A_87 = arith.constant 0 : i32
        %dma_wait3A_88 = tpu.memref_slice %arg10[%dma_wait3A, %dma_wait3A_87] : memref<10000x64xf32, #tpu.memory_space<vmem_shared>> -> memref<16x64xf32, #tpu.memory_space<vmem_shared>>
        %dma_wait3A_89 = arith.constant 9984 : i32
        %dma_wait3A_90 = arith.constant 0 : i32
        %dma_wait3A_91 = tpu.memref_slice %arg2[%dma_wait3A_89, %dma_wait3A_90] : memref<10000x64xf32, #tpu.memory_space<hbm>> -> memref<16x64xf32, #tpu.memory_space<hbm>>
        tpu.wait_dma2 semaphore(%run_scoped3A : memref<!tpu.dma_semaphore, #tpu.memory_space<semaphore_mem>>) src(%dma_wait3A_91 : memref<16x64xf32, #tpu.memory_space<hbm>>) dst(%dma_wait3A_88 : memref<16x64xf32, #tpu.memory_space<vmem_shared>>)
        tpu.yield
      }) : () -> ()
    } else {
    }
    %barrier3A = arith.constant 0 : index
    tpu.barrier barrier_id(%barrier3A)
    %dma_start3A = arith.constant 0 : i32
    %dma_start3A_5 = arith.constant 0 : i32
    %dma_start3A_6 = arith.constant 0 : i32
    %dma_start3A_7 = arith.constant 0 : i32
    %dma_start3A_8 = tpu.memref_slice %arg13[%dma_start3A_5, %dma_start3A_6, %dma_start3A_7] : memref<3x80x64xf32, #tpu.memory_space<vmem>> -> memref<1x80x64xf32, #tpu.memory_space<vmem>>
    %dma_start3A_9 = tpu.memref_squeeze %dma_start3A_8 : memref<1x80x64xf32, #tpu.memory_space<vmem>> -> memref<80x64xf32, #tpu.memory_space<vmem>>
    %dma_start3A_10 = arith.constant 0 : i32
    %dma_start3A_11 = tpu.memref_slice %arg11[%dma_start3A, %dma_start3A_10] : memref<125x80xi32, #tpu.memory_space<vmem>> -> memref<1x80xi32, #tpu.memory_space<vmem>>
    %dma_start3A_12 = tpu.memref_squeeze %dma_start3A_11 : memref<1x80xi32, #tpu.memory_space<vmem>> -> memref<80xi32, #tpu.memory_space<vmem>>
    %dma_start3A_13 = arith.constant 0 : i32
    %dma_start3A_14 = arith.constant 0 : i32
    %dma_start3A_15 = tpu.memref_slice %arg10[%dma_start3A_13, %dma_start3A_14] : memref<10000x64xf32, #tpu.memory_space<vmem_shared>> -> memref<10000x64xf32, #tpu.memory_space<vmem_shared>>
    tpu.enqueue_indirect_dma source(%dma_start3A_15 : memref<10000x64xf32, #tpu.memory_space<vmem_shared>>) target(%dma_start3A_9 : memref<80x64xf32, #tpu.memory_space<vmem>>) offsets(%dma_start3A_12 : memref<80xi32, #tpu.memory_space<vmem>>) semaphore(%arg14 : memref<!tpu.dma_semaphore, #tpu.memory_space<semaphore_mem>>)
    %dma_start3A_16 = arith.constant 1 : i32
    %dma_start3A_17 = arith.constant 1 : i32
    %dma_start3A_18 = arith.constant 0 : i32
    %dma_start3A_19 = arith.constant 0 : i32
    %dma_start3A_20 = tpu.memref_slice %arg13[%dma_start3A_17, %dma_start3A_18, %dma_start3A_19] : memref<3x80x64xf32, #tpu.memory_space<vmem>> -> memref<1x80x64xf32, #tpu.memory_space<vmem>>
    %dma_start3A_21 = tpu.memref_squeeze %dma_start3A_20 : memref<1x80x64xf32, #tpu.memory_space<vmem>> -> memref<80x64xf32, #tpu.memory_space<vmem>>
    %dma_start3A_22 = arith.constant 0 : i32
    %dma_start3A_23 = tpu.memref_slice %arg11[%dma_start3A_16, %dma_start3A_22] : memref<125x80xi32, #tpu.memory_space<vmem>> -> memref<1x80xi32, #tpu.memory_space<vmem>>
    %dma_start3A_24 = tpu.memref_squeeze %dma_start3A_23 : memref<1x80xi32, #tpu.memory_space<vmem>> -> memref<80xi32, #tpu.memory_space<vmem>>
    %dma_start3A_25 = arith.constant 0 : i32
    %dma_start3A_26 = arith.constant 0 : i32
    %dma_start3A_27 = tpu.memref_slice %arg10[%dma_start3A_25, %dma_start3A_26] : memref<10000x64xf32, #tpu.memory_space<vmem_shared>> -> memref<10000x64xf32, #tpu.memory_space<vmem_shared>>
    tpu.enqueue_indirect_dma source(%dma_start3A_27 : memref<10000x64xf32, #tpu.memory_space<vmem_shared>>) target(%dma_start3A_21 : memref<80x64xf32, #tpu.memory_space<vmem>>) offsets(%dma_start3A_24 : memref<80xi32, #tpu.memory_space<vmem>>) semaphore(%arg14 : memref<!tpu.dma_semaphore, #tpu.memory_space<semaphore_mem>>)
    %scan3A = arith.constant 0 : i32
    %scan3A_28 = arith.constant 0 : i32
    %scan3A_29 = arith.constant 125 : i32
    %scan3A_30 = arith.addi %scan3A_28, %scan3A_29 : i32
    %scan3A_31 = arith.constant 1 : i32
    scf.for %scan3A_81 = %scan3A_28 to %scan3A_30 step %scan3A_31  : i32 {
      %rem3A = arith.constant 3 : i32
      %rem3A_82 = arith.remsi %scan3A_81, %rem3A : i32
      %dma_wait3A = arith.constant 0 : i32
      %dma_wait3A_83 = arith.constant 0 : i32
      %dma_wait3A_84 = tpu.memref_slice %arg13[%rem3A_82, %dma_wait3A, %dma_wait3A_83] : memref<3x80x64xf32, #tpu.memory_space<vmem>> -> memref<1x80x64xf32, #tpu.memory_space<vmem>>
      %dma_wait3A_85 = tpu.memref_squeeze %dma_wait3A_84 : memref<1x80x64xf32, #tpu.memory_space<vmem>> -> memref<80x64xf32, #tpu.memory_space<vmem>>
      %dma_wait3A_86 = arith.constant 0 : i32
      %dma_wait3A_87 = tpu.memref_slice %arg11[%scan3A_81, %dma_wait3A_86] : memref<125x80xi32, #tpu.memory_space<vmem>> -> memref<1x80xi32, #tpu.memory_space<vmem>>
      %dma_wait3A_88 = tpu.memref_squeeze %dma_wait3A_87 : memref<1x80xi32, #tpu.memory_space<vmem>> -> memref<80xi32, #tpu.memory_space<vmem>>
      %dma_wait3A_89 = arith.constant 0 : i32
      %dma_wait3A_90 = arith.constant 0 : i32
      %dma_wait3A_91 = tpu.memref_slice %arg10[%dma_wait3A_89, %dma_wait3A_90] : memref<10000x64xf32, #tpu.memory_space<vmem_shared>> -> memref<10000x64xf32, #tpu.memory_space<vmem_shared>>
      tpu.wait_indirect_dma semaphore(%arg14 : memref<!tpu.dma_semaphore, #tpu.memory_space<semaphore_mem>>) src(%dma_wait3A_91 : memref<10000x64xf32, #tpu.memory_space<vmem_shared>>) dst(%dma_wait3A_85 : memref<80x64xf32, #tpu.memory_space<vmem>>)
      %add3A_92 = arith.constant 2 : i32
      %add3A_93 = arith.addi %scan3A_81, %add3A_92 : i32
      %lt3A = arith.constant 125 : i32
      %lt3A_94 = arith.cmpi slt, %add3A_93, %lt3A : i32
      %convert_element_type3A_95 = arith.extui %lt3A_94 : i1 to i32
      %cond3A_96 = arith.constant 0 : i32
      %cond3A_97 = arith.cmpi ne, %convert_element_type3A_95, %cond3A_96 : i32
      scf.if %cond3A_97 {
        %add3A_98 = arith.constant 2 : i32
        %add3A_99 = arith.addi %scan3A_81, %add3A_98 : i32
        %add3A_100 = arith.constant 2 : i32
        %add3A_101 = arith.addi %scan3A_81, %add3A_100 : i32
        %rem3A_102 = arith.constant 3 : i32
        %rem3A_103 = arith.remsi %add3A_101, %rem3A_102 : i32
        %dma_start3A_104 = arith.constant 0 : i32
        %dma_start3A_105 = arith.constant 0 : i32
        %dma_start3A_106 = tpu.memref_slice %arg13[%rem3A_103, %dma_start3A_104, %dma_start3A_105] : memref<3x80x64xf32, #tpu.memory_space<vmem>> -> memref<1x80x64xf32, #tpu.memory_space<vmem>>
        %dma_start3A_107 = tpu.memref_squeeze %dma_start3A_106 : memref<1x80x64xf32, #tpu.memory_space<vmem>> -> memref<80x64xf32, #tpu.memory_space<vmem>>
        %dma_start3A_108 = arith.constant 0 : i32
        %dma_start3A_109 = tpu.memref_slice %arg11[%add3A_99, %dma_start3A_108] : memref<125x80xi32, #tpu.memory_space<vmem>> -> memref<1x80xi32, #tpu.memory_space<vmem>>
        %dma_start3A_110 = tpu.memref_squeeze %dma_start3A_109 : memref<1x80xi32, #tpu.memory_space<vmem>> -> memref<80xi32, #tpu.memory_space<vmem>>
        %dma_start3A_111 = arith.constant 0 : i32
        %dma_start3A_112 = arith.constant 0 : i32
        %dma_start3A_113 = tpu.memref_slice %arg10[%dma_start3A_111, %dma_start3A_112] : memref<10000x64xf32, #tpu.memory_space<vmem_shared>> -> memref<10000x64xf32, #tpu.memory_space<vmem_shared>>
        tpu.enqueue_indirect_dma source(%dma_start3A_113 : memref<10000x64xf32, #tpu.memory_space<vmem_shared>>) target(%dma_start3A_107 : memref<80x64xf32, #tpu.memory_space<vmem>>) offsets(%dma_start3A_110 : memref<80xi32, #tpu.memory_space<vmem>>) semaphore(%arg14 : memref<!tpu.dma_semaphore, #tpu.memory_space<semaphore_mem>>)
      } else {
      }
      "tpu.region"() ({
        %run_scoped3A = tpu.sem_alloc : memref<!tpu.dma_semaphore, #tpu.memory_space<semaphore_mem>>
        %dma_start3A_98 = arith.constant 0 : i32
        %dma_start3A_99 = arith.constant 0 : i32
        %dma_start3A_100 = tpu.memref_slice %arg13[%rem3A_82, %dma_start3A_98, %dma_start3A_99] : memref<3x80x64xf32, #tpu.memory_space<vmem>> -> memref<1x80x64xf32, #tpu.memory_space<vmem>>
        %dma_start3A_101 = tpu.memref_squeeze %dma_start3A_100 : memref<1x80x64xf32, #tpu.memory_space<vmem>> -> memref<80x64xf32, #tpu.memory_space<vmem>>
        %dma_start3A_102 = arith.constant 0 : i32
        %dma_start3A_103 = tpu.memref_slice %arg12[%scan3A_81, %dma_start3A_102] : memref<125x80xi32, #tpu.memory_space<vmem>> -> memref<1x80xi32, #tpu.memory_space<vmem>>
        %dma_start3A_104 = tpu.memref_squeeze %dma_start3A_103 : memref<1x80xi32, #tpu.memory_space<vmem>> -> memref<80xi32, #tpu.memory_space<vmem>>
        %dma_start3A_105 = arith.constant 0 : i32
        %dma_start3A_106 = arith.constant 0 : i32
        %dma_start3A_107 = tpu.memref_slice %arg9[%dma_start3A_105, %dma_start3A_106] : memref<10000x64xf32, #tpu.memory_space<vmem_shared>> -> memref<10000x64xf32, #tpu.memory_space<vmem_shared>>
        tpu.enqueue_indirect_dma source(%dma_start3A_101 : memref<80x64xf32, #tpu.memory_space<vmem>>) target(%dma_start3A_107 : memref<10000x64xf32, #tpu.memory_space<vmem_shared>>) offsets(%dma_start3A_104 : memref<80xi32, #tpu.memory_space<vmem>>) semaphore(%run_scoped3A : memref<!tpu.dma_semaphore, #tpu.memory_space<semaphore_mem>>) {add = true}
        %dma_wait3A_108 = arith.constant 0 : i32
        %dma_wait3A_109 = arith.constant 0 : i32
        %dma_wait3A_110 = tpu.memref_slice %arg13[%rem3A_82, %dma_wait3A_108, %dma_wait3A_109] : memref<3x80x64xf32, #tpu.memory_space<vmem>> -> memref<1x80x64xf32, #tpu.memory_space<vmem>>
        %dma_wait3A_111 = tpu.memref_squeeze %dma_wait3A_110 : memref<1x80x64xf32, #tpu.memory_space<vmem>> -> memref<80x64xf32, #tpu.memory_space<vmem>>
        %dma_wait3A_112 = arith.constant 0 : i32
        %dma_wait3A_113 = tpu.memref_slice %arg12[%scan3A_81, %dma_wait3A_112] : memref<125x80xi32, #tpu.memory_space<vmem>> -> memref<1x80xi32, #tpu.memory_space<vmem>>
        %dma_wait3A_114 = tpu.memref_squeeze %dma_wait3A_113 : memref<1x80xi32, #tpu.memory_space<vmem>> -> memref<80xi32, #tpu.memory_space<vmem>>
        %dma_wait3A_115 = arith.constant 0 : i32
        %dma_wait3A_116 = arith.constant 0 : i32
        %dma_wait3A_117 = tpu.memref_slice %arg9[%dma_wait3A_115, %dma_wait3A_116] : memref<10000x64xf32, #tpu.memory_space<vmem_shared>> -> memref<10000x64xf32, #tpu.memory_space<vmem_shared>>
        tpu.wait_indirect_dma semaphore(%run_scoped3A : memref<!tpu.dma_semaphore, #tpu.memory_space<semaphore_mem>>) src(%dma_wait3A_111 : memref<80x64xf32, #tpu.memory_space<vmem>>) dst(%dma_wait3A_117 : memref<10000x64xf32, #tpu.memory_space<vmem_shared>>)
        tpu.yield
      }) : () -> ()
    }
    %scan3A_32 = arith.constant 125 : i32
    %barrier3A_33 = arith.constant 0 : index
    tpu.barrier barrier_id(%barrier3A_33)
    "tpu.region"() ({
      %run_scoped3A = tpu.sem_alloc : memref<!tpu.dma_semaphore, #tpu.memory_space<semaphore_mem>>
      %dma_start3A_81 = arith.constant 0 : i32
      %dma_start3A_82 = tpu.memref_slice %arg7[%arg0, %multiple_of3A, %dma_start3A_81] : memref<2x10000x64xf32, #tpu.memory_space<hbm>> -> memref<1x624x64xf32, #tpu.memory_space<hbm>>
      %dma_start3A_83 = tpu.memref_squeeze %dma_start3A_82 : memref<1x624x64xf32, #tpu.memory_space<hbm>> -> memref<624x64xf32, #tpu.memory_space<hbm>>
      %dma_start3A_84 = arith.constant 0 : i32
      %dma_start3A_85 = tpu.memref_slice %arg9[%multiple_of3A, %dma_start3A_84] : memref<10000x64xf32, #tpu.memory_space<vmem_shared>> -> memref<624x64xf32, #tpu.memory_space<vmem_shared>>
      tpu.enqueue_dma source(%dma_start3A_85 : memref<624x64xf32, #tpu.memory_space<vmem_shared>>) target(%dma_start3A_83 : memref<624x64xf32, #tpu.memory_space<hbm>>) target_semaphore(%run_scoped3A : memref<!tpu.dma_semaphore, #tpu.memory_space<semaphore_mem>>)
      %dma_wait3A = arith.constant 0 : i32
      %dma_wait3A_86 = tpu.memref_slice %arg7[%arg0, %multiple_of3A, %dma_wait3A] : memref<2x10000x64xf32, #tpu.memory_space<hbm>> -> memref<1x624x64xf32, #tpu.memory_space<hbm>>
      %dma_wait3A_87 = tpu.memref_squeeze %dma_wait3A_86 : memref<1x624x64xf32, #tpu.memory_space<hbm>> -> memref<624x64xf32, #tpu.memory_space<hbm>>
      %dma_wait3A_88 = arith.constant 0 : i32
      %dma_wait3A_89 = tpu.memref_slice %arg9[%multiple_of3A, %dma_wait3A_88] : memref<10000x64xf32, #tpu.memory_space<vmem_shared>> -> memref<624x64xf32, #tpu.memory_space<vmem_shared>>
      tpu.wait_dma2 semaphore(%run_scoped3A : memref<!tpu.dma_semaphore, #tpu.memory_space<semaphore_mem>>) src(%dma_wait3A_89 : memref<624x64xf32, #tpu.memory_space<vmem_shared>>) dst(%dma_wait3A_87 : memref<624x64xf32, #tpu.memory_space<hbm>>)
      tpu.yield
    }) : () -> ()
    %eq3A_34 = arith.constant 15 : i32
    %eq3A_35 = arith.cmpi eq, %arg1, %eq3A_34 : i32
    %convert_element_type3A_36 = arith.extui %eq3A_35 : i1 to i32
    %cond3A_37 = arith.constant 0 : i32
    %cond3A_38 = arith.cmpi ne, %convert_element_type3A_36, %cond3A_37 : i32
    scf.if %cond3A_38 {
      "tpu.region"() ({
        %run_scoped3A = tpu.sem_alloc : memref<!tpu.dma_semaphore, #tpu.memory_space<semaphore_mem>>
        %dma_start3A_81 = arith.constant 9984 : i32
        %dma_start3A_82 = arith.constant 0 : i32
        %dma_start3A_83 = tpu.memref_slice %arg7[%arg0, %dma_start3A_81, %dma_start3A_82] : memref<2x10000x64xf32, #tpu.memory_space<hbm>> -> memref<1x16x64xf32, #tpu.memory_space<hbm>>
        %dma_start3A_84 = tpu.memref_squeeze %dma_start3A_83 : memref<1x16x64xf32, #tpu.memory_space<hbm>> -> memref<16x64xf32, #tpu.memory_space<hbm>>
        %dma_start3A_85 = arith.constant 9984 : i32
        %dma_start3A_86 = arith.constant 0 : i32
        %dma_start3A_87 = tpu.memref_slice %arg9[%dma_start3A_85, %dma_start3A_86] : memref<10000x64xf32, #tpu.memory_space<vmem_shared>> -> memref<16x64xf32, #tpu.memory_space<vmem_shared>>
        tpu.enqueue_dma source(%dma_start3A_87 : memref<16x64xf32, #tpu.memory_space<vmem_shared>>) target(%dma_start3A_84 : memref<16x64xf32, #tpu.memory_space<hbm>>) target_semaphore(%run_scoped3A : memref<!tpu.dma_semaphore, #tpu.memory_space<semaphore_mem>>)
        %dma_wait3A = arith.constant 9984 : i32
        %dma_wait3A_88 = arith.constant 0 : i32
        %dma_wait3A_89 = tpu.memref_slice %arg7[%arg0, %dma_wait3A, %dma_wait3A_88] : memref<2x10000x64xf32, #tpu.memory_space<hbm>> -> memref<1x16x64xf32, #tpu.memory_space<hbm>>
        %dma_wait3A_90 = tpu.memref_squeeze %dma_wait3A_89 : memref<1x16x64xf32, #tpu.memory_space<hbm>> -> memref<16x64xf32, #tpu.memory_space<hbm>>
        %dma_wait3A_91 = arith.constant 9984 : i32
        %dma_wait3A_92 = arith.constant 0 : i32
        %dma_wait3A_93 = tpu.memref_slice %arg9[%dma_wait3A_91, %dma_wait3A_92] : memref<10000x64xf32, #tpu.memory_space<vmem_shared>> -> memref<16x64xf32, #tpu.memory_space<vmem_shared>>
        tpu.wait_dma2 semaphore(%run_scoped3A : memref<!tpu.dma_semaphore, #tpu.memory_space<semaphore_mem>>) src(%dma_wait3A_93 : memref<16x64xf32, #tpu.memory_space<vmem_shared>>) dst(%dma_wait3A_90 : memref<16x64xf32, #tpu.memory_space<hbm>>)
        tpu.yield
      }) : () -> ()
    } else {
    }
    "tpu.region"() ({
      %run_scoped3A = tpu.sem_alloc : memref<!tpu.dma_semaphore, #tpu.memory_space<semaphore_mem>>
      %dma_start3A_81 = arith.constant 0 : i32
      %dma_start3A_82 = tpu.memref_slice %arg9[%multiple_of3A, %dma_start3A_81] : memref<10000x64xf32, #tpu.memory_space<vmem_shared>> -> memref<624x64xf32, #tpu.memory_space<vmem_shared>>
      tpu.enqueue_dma source(%arg6 : memref<624x64xf32, #tpu.memory_space<hbm>>) target(%dma_start3A_82 : memref<624x64xf32, #tpu.memory_space<vmem_shared>>) target_semaphore(%run_scoped3A : memref<!tpu.dma_semaphore, #tpu.memory_space<semaphore_mem>>)
      %dma_wait3A = arith.constant 0 : i32
      %dma_wait3A_83 = tpu.memref_slice %arg9[%multiple_of3A, %dma_wait3A] : memref<10000x64xf32, #tpu.memory_space<vmem_shared>> -> memref<624x64xf32, #tpu.memory_space<vmem_shared>>
      tpu.wait_dma2 semaphore(%run_scoped3A : memref<!tpu.dma_semaphore, #tpu.memory_space<semaphore_mem>>) src(%arg6 : memref<624x64xf32, #tpu.memory_space<hbm>>) dst(%dma_wait3A_83 : memref<624x64xf32, #tpu.memory_space<vmem_shared>>)
      tpu.yield
    }) : () -> ()
    "tpu.region"() ({
      %run_scoped3A = tpu.sem_alloc : memref<!tpu.dma_semaphore, #tpu.memory_space<semaphore_mem>>
      %dma_start3A_81 = arith.constant 0 : i32
      %dma_start3A_82 = tpu.memref_slice %arg10[%multiple_of3A, %dma_start3A_81] : memref<10000x64xf32, #tpu.memory_space<vmem_shared>> -> memref<624x64xf32, #tpu.memory_space<vmem_shared>>
      %dma_start3A_83 = arith.constant 0 : i32
      %dma_start3A_84 = tpu.memref_slice %arg3[%multiple_of3A, %dma_start3A_83] : memref<10000x64xf32, #tpu.memory_space<hbm>> -> memref<624x64xf32, #tpu.memory_space<hbm>>
      tpu.enqueue_dma source(%dma_start3A_84 : memref<624x64xf32, #tpu.memory_space<hbm>>) target(%dma_start3A_82 : memref<624x64xf32, #tpu.memory_space<vmem_shared>>) target_semaphore(%run_scoped3A : memref<!tpu.dma_semaphore, #tpu.memory_space<semaphore_mem>>)
      %dma_wait3A = arith.constant 0 : i32
      %dma_wait3A_85 = tpu.memref_slice %arg10[%multiple_of3A, %dma_wait3A] : memref<10000x64xf32, #tpu.memory_space<vmem_shared>> -> memref<624x64xf32, #tpu.memory_space<vmem_shared>>
      %dma_wait3A_86 = arith.constant 0 : i32
      %dma_wait3A_87 = tpu.memref_slice %arg3[%multiple_of3A, %dma_wait3A_86] : memref<10000x64xf32, #tpu.memory_space<hbm>> -> memref<624x64xf32, #tpu.memory_space<hbm>>
      tpu.wait_dma2 semaphore(%run_scoped3A : memref<!tpu.dma_semaphore, #tpu.memory_space<semaphore_mem>>) src(%dma_wait3A_87 : memref<624x64xf32, #tpu.memory_space<hbm>>) dst(%dma_wait3A_85 : memref<624x64xf32, #tpu.memory_space<vmem_shared>>)
      tpu.yield
    }) : () -> ()
    %eq3A_39 = arith.constant 15 : i32
    %eq3A_40 = arith.cmpi eq, %arg1, %eq3A_39 : i32
    %convert_element_type3A_41 = arith.extui %eq3A_40 : i1 to i32
    %cond3A_42 = arith.constant 0 : i32
    %cond3A_43 = arith.cmpi ne, %convert_element_type3A_41, %cond3A_42 : i32
    scf.if %cond3A_43 {
      "tpu.region"() ({
        %run_scoped3A = tpu.sem_alloc : memref<!tpu.dma_semaphore, #tpu.memory_space<semaphore_mem>>
        %dma_start3A_81 = arith.constant 9984 : i32
        %dma_start3A_82 = arith.constant 0 : i32
        %dma_start3A_83 = tpu.memref_slice %arg9[%dma_start3A_81, %dma_start3A_82] : memref<10000x64xf32, #tpu.memory_space<vmem_shared>> -> memref<16x64xf32, #tpu.memory_space<vmem_shared>>
        %dma_start3A_84 = arith.constant 0 : i32
        %dma_start3A_85 = arith.constant 0 : i32
        %dma_start3A_86 = tpu.memref_slice %arg6[%dma_start3A_84, %dma_start3A_85] : memref<624x64xf32, #tpu.memory_space<hbm>> -> memref<16x64xf32, #tpu.memory_space<hbm>>
        tpu.enqueue_dma source(%dma_start3A_86 : memref<16x64xf32, #tpu.memory_space<hbm>>) target(%dma_start3A_83 : memref<16x64xf32, #tpu.memory_space<vmem_shared>>) target_semaphore(%run_scoped3A : memref<!tpu.dma_semaphore, #tpu.memory_space<semaphore_mem>>)
        %dma_wait3A = arith.constant 9984 : i32
        %dma_wait3A_87 = arith.constant 0 : i32
        %dma_wait3A_88 = tpu.memref_slice %arg9[%dma_wait3A, %dma_wait3A_87] : memref<10000x64xf32, #tpu.memory_space<vmem_shared>> -> memref<16x64xf32, #tpu.memory_space<vmem_shared>>
        %dma_wait3A_89 = arith.constant 0 : i32
        %dma_wait3A_90 = arith.constant 0 : i32
        %dma_wait3A_91 = tpu.memref_slice %arg6[%dma_wait3A_89, %dma_wait3A_90] : memref<624x64xf32, #tpu.memory_space<hbm>> -> memref<16x64xf32, #tpu.memory_space<hbm>>
        tpu.wait_dma2 semaphore(%run_scoped3A : memref<!tpu.dma_semaphore, #tpu.memory_space<semaphore_mem>>) src(%dma_wait3A_91 : memref<16x64xf32, #tpu.memory_space<hbm>>) dst(%dma_wait3A_88 : memref<16x64xf32, #tpu.memory_space<vmem_shared>>)
        tpu.yield
      }) : () -> ()
      "tpu.region"() ({
        %run_scoped3A = tpu.sem_alloc : memref<!tpu.dma_semaphore, #tpu.memory_space<semaphore_mem>>
        %dma_start3A_81 = arith.constant 9984 : i32
        %dma_start3A_82 = arith.constant 0 : i32
        %dma_start3A_83 = tpu.memref_slice %arg10[%dma_start3A_81, %dma_start3A_82] : memref<10000x64xf32, #tpu.memory_space<vmem_shared>> -> memref<16x64xf32, #tpu.memory_space<vmem_shared>>
        %dma_start3A_84 = arith.constant 9984 : i32
        %dma_start3A_85 = arith.constant 0 : i32
        %dma_start3A_86 = tpu.memref_slice %arg3[%dma_start3A_84, %dma_start3A_85] : memref<10000x64xf32, #tpu.memory_space<hbm>> -> memref<16x64xf32, #tpu.memory_space<hbm>>
        tpu.enqueue_dma source(%dma_start3A_86 : memref<16x64xf32, #tpu.memory_space<hbm>>) target(%dma_start3A_83 : memref<16x64xf32, #tpu.memory_space<vmem_shared>>) target_semaphore(%run_scoped3A : memref<!tpu.dma_semaphore, #tpu.memory_space<semaphore_mem>>)
        %dma_wait3A = arith.constant 9984 : i32
        %dma_wait3A_87 = arith.constant 0 : i32
        %dma_wait3A_88 = tpu.memref_slice %arg10[%dma_wait3A, %dma_wait3A_87] : memref<10000x64xf32, #tpu.memory_space<vmem_shared>> -> memref<16x64xf32, #tpu.memory_space<vmem_shared>>
        %dma_wait3A_89 = arith.constant 9984 : i32
        %dma_wait3A_90 = arith.constant 0 : i32
        %dma_wait3A_91 = tpu.memref_slice %arg3[%dma_wait3A_89, %dma_wait3A_90] : memref<10000x64xf32, #tpu.memory_space<hbm>> -> memref<16x64xf32, #tpu.memory_space<hbm>>
        tpu.wait_dma2 semaphore(%run_scoped3A : memref<!tpu.dma_semaphore, #tpu.memory_space<semaphore_mem>>) src(%dma_wait3A_91 : memref<16x64xf32, #tpu.memory_space<hbm>>) dst(%dma_wait3A_88 : memref<16x64xf32, #tpu.memory_space<vmem_shared>>)
        tpu.yield
      }) : () -> ()
    } else {
    }
    %barrier3A_44 = arith.constant 0 : index
    tpu.barrier barrier_id(%barrier3A_44)
    %dma_start3A_45 = arith.constant 0 : i32
    %dma_start3A_46 = arith.constant 0 : i32
    %dma_start3A_47 = arith.constant 0 : i32
    %dma_start3A_48 = arith.constant 0 : i32
    %dma_start3A_49 = tpu.memref_slice %arg13[%dma_start3A_46, %dma_start3A_47, %dma_start3A_48] : memref<3x80x64xf32, #tpu.memory_space<vmem>> -> memref<1x80x64xf32, #tpu.memory_space<vmem>>
    %dma_start3A_50 = tpu.memref_squeeze %dma_start3A_49 : memref<1x80x64xf32, #tpu.memory_space<vmem>> -> memref<80x64xf32, #tpu.memory_space<vmem>>
    %dma_start3A_51 = arith.constant 0 : i32
    %dma_start3A_52 = tpu.memref_slice %arg11[%dma_start3A_45, %dma_start3A_51] : memref<125x80xi32, #tpu.memory_space<vmem>> -> memref<1x80xi32, #tpu.memory_space<vmem>>
    %dma_start3A_53 = tpu.memref_squeeze %dma_start3A_52 : memref<1x80xi32, #tpu.memory_space<vmem>> -> memref<80xi32, #tpu.memory_space<vmem>>
    %dma_start3A_54 = arith.constant 0 : i32
    %dma_start3A_55 = arith.constant 0 : i32
    %dma_start3A_56 = tpu.memref_slice %arg10[%dma_start3A_54, %dma_start3A_55] : memref<10000x64xf32, #tpu.memory_space<vmem_shared>> -> memref<10000x64xf32, #tpu.memory_space<vmem_shared>>
    tpu.enqueue_indirect_dma source(%dma_start3A_56 : memref<10000x64xf32, #tpu.memory_space<vmem_shared>>) target(%dma_start3A_50 : memref<80x64xf32, #tpu.memory_space<vmem>>) offsets(%dma_start3A_53 : memref<80xi32, #tpu.memory_space<vmem>>) semaphore(%arg14 : memref<!tpu.dma_semaphore, #tpu.memory_space<semaphore_mem>>)
    %dma_start3A_57 = arith.constant 1 : i32
    %dma_start3A_58 = arith.constant 1 : i32
    %dma_start3A_59 = arith.constant 0 : i32
    %dma_start3A_60 = arith.constant 0 : i32
    %dma_start3A_61 = tpu.memref_slice %arg13[%dma_start3A_58, %dma_start3A_59, %dma_start3A_60] : memref<3x80x64xf32, #tpu.memory_space<vmem>> -> memref<1x80x64xf32, #tpu.memory_space<vmem>>
    %dma_start3A_62 = tpu.memref_squeeze %dma_start3A_61 : memref<1x80x64xf32, #tpu.memory_space<vmem>> -> memref<80x64xf32, #tpu.memory_space<vmem>>
    %dma_start3A_63 = arith.constant 0 : i32
    %dma_start3A_64 = tpu.memref_slice %arg11[%dma_start3A_57, %dma_start3A_63] : memref<125x80xi32, #tpu.memory_space<vmem>> -> memref<1x80xi32, #tpu.memory_space<vmem>>
    %dma_start3A_65 = tpu.memref_squeeze %dma_start3A_64 : memref<1x80xi32, #tpu.memory_space<vmem>> -> memref<80xi32, #tpu.memory_space<vmem>>
    %dma_start3A_66 = arith.constant 0 : i32
    %dma_start3A_67 = arith.constant 0 : i32
    %dma_start3A_68 = tpu.memref_slice %arg10[%dma_start3A_66, %dma_start3A_67] : memref<10000x64xf32, #tpu.memory_space<vmem_shared>> -> memref<10000x64xf32, #tpu.memory_space<vmem_shared>>
    tpu.enqueue_indirect_dma source(%dma_start3A_68 : memref<10000x64xf32, #tpu.memory_space<vmem_shared>>) target(%dma_start3A_62 : memref<80x64xf32, #tpu.memory_space<vmem>>) offsets(%dma_start3A_65 : memref<80xi32, #tpu.memory_space<vmem>>) semaphore(%arg14 : memref<!tpu.dma_semaphore, #tpu.memory_space<semaphore_mem>>)
    %scan3A_69 = arith.constant 0 : i32
    %scan3A_70 = arith.constant 0 : i32
    %scan3A_71 = arith.constant 125 : i32
    %scan3A_72 = arith.addi %scan3A_70, %scan3A_71 : i32
    %scan3A_73 = arith.constant 1 : i32
    scf.for %scan3A_81 = %scan3A_70 to %scan3A_72 step %scan3A_73  : i32 {
      %rem3A = arith.constant 3 : i32
      %rem3A_82 = arith.remsi %scan3A_81, %rem3A : i32
      %dma_wait3A = arith.constant 0 : i32
      %dma_wait3A_83 = arith.constant 0 : i32
      %dma_wait3A_84 = tpu.memref_slice %arg13[%rem3A_82, %dma_wait3A, %dma_wait3A_83] : memref<3x80x64xf32, #tpu.memory_space<vmem>> -> memref<1x80x64xf32, #tpu.memory_space<vmem>>
      %dma_wait3A_85 = tpu.memref_squeeze %dma_wait3A_84 : memref<1x80x64xf32, #tpu.memory_space<vmem>> -> memref<80x64xf32, #tpu.memory_space<vmem>>
      %dma_wait3A_86 = arith.constant 0 : i32
      %dma_wait3A_87 = tpu.memref_slice %arg11[%scan3A_81, %dma_wait3A_86] : memref<125x80xi32, #tpu.memory_space<vmem>> -> memref<1x80xi32, #tpu.memory_space<vmem>>
      %dma_wait3A_88 = tpu.memref_squeeze %dma_wait3A_87 : memref<1x80xi32, #tpu.memory_space<vmem>> -> memref<80xi32, #tpu.memory_space<vmem>>
      %dma_wait3A_89 = arith.constant 0 : i32
      %dma_wait3A_90 = arith.constant 0 : i32
      %dma_wait3A_91 = tpu.memref_slice %arg10[%dma_wait3A_89, %dma_wait3A_90] : memref<10000x64xf32, #tpu.memory_space<vmem_shared>> -> memref<10000x64xf32, #tpu.memory_space<vmem_shared>>
      tpu.wait_indirect_dma semaphore(%arg14 : memref<!tpu.dma_semaphore, #tpu.memory_space<semaphore_mem>>) src(%dma_wait3A_91 : memref<10000x64xf32, #tpu.memory_space<vmem_shared>>) dst(%dma_wait3A_85 : memref<80x64xf32, #tpu.memory_space<vmem>>)
      %add3A_92 = arith.constant 2 : i32
      %add3A_93 = arith.addi %scan3A_81, %add3A_92 : i32
      %lt3A = arith.constant 125 : i32
      %lt3A_94 = arith.cmpi slt, %add3A_93, %lt3A : i32
      %convert_element_type3A_95 = arith.extui %lt3A_94 : i1 to i32
      %cond3A_96 = arith.constant 0 : i32
      %cond3A_97 = arith.cmpi ne, %convert_element_type3A_95, %cond3A_96 : i32
      scf.if %cond3A_97 {
        %add3A_98 = arith.constant 2 : i32
        %add3A_99 = arith.addi %scan3A_81, %add3A_98 : i32
        %add3A_100 = arith.constant 2 : i32
        %add3A_101 = arith.addi %scan3A_81, %add3A_100 : i32
        %rem3A_102 = arith.constant 3 : i32
        %rem3A_103 = arith.remsi %add3A_101, %rem3A_102 : i32
        %dma_start3A_104 = arith.constant 0 : i32
        %dma_start3A_105 = arith.constant 0 : i32
        %dma_start3A_106 = tpu.memref_slice %arg13[%rem3A_103, %dma_start3A_104, %dma_start3A_105] : memref<3x80x64xf32, #tpu.memory_space<vmem>> -> memref<1x80x64xf32, #tpu.memory_space<vmem>>
        %dma_start3A_107 = tpu.memref_squeeze %dma_start3A_106 : memref<1x80x64xf32, #tpu.memory_space<vmem>> -> memref<80x64xf32, #tpu.memory_space<vmem>>
        %dma_start3A_108 = arith.constant 0 : i32
        %dma_start3A_109 = tpu.memref_slice %arg11[%add3A_99, %dma_start3A_108] : memref<125x80xi32, #tpu.memory_space<vmem>> -> memref<1x80xi32, #tpu.memory_space<vmem>>
        %dma_start3A_110 = tpu.memref_squeeze %dma_start3A_109 : memref<1x80xi32, #tpu.memory_space<vmem>> -> memref<80xi32, #tpu.memory_space<vmem>>
        %dma_start3A_111 = arith.constant 0 : i32
        %dma_start3A_112 = arith.constant 0 : i32
        %dma_start3A_113 = tpu.memref_slice %arg10[%dma_start3A_111, %dma_start3A_112] : memref<10000x64xf32, #tpu.memory_space<vmem_shared>> -> memref<10000x64xf32, #tpu.memory_space<vmem_shared>>
        tpu.enqueue_indirect_dma source(%dma_start3A_113 : memref<10000x64xf32, #tpu.memory_space<vmem_shared>>) target(%dma_start3A_107 : memref<80x64xf32, #tpu.memory_space<vmem>>) offsets(%dma_start3A_110 : memref<80xi32, #tpu.memory_space<vmem>>) semaphore(%arg14 : memref<!tpu.dma_semaphore, #tpu.memory_space<semaphore_mem>>)
      } else {
      }
      "tpu.region"() ({
        %run_scoped3A = tpu.sem_alloc : memref<!tpu.dma_semaphore, #tpu.memory_space<semaphore_mem>>
        %dma_start3A_98 = arith.constant 0 : i32
        %dma_start3A_99 = arith.constant 0 : i32
        %dma_start3A_100 = tpu.memref_slice %arg13[%rem3A_82, %dma_start3A_98, %dma_start3A_99] : memref<3x80x64xf32, #tpu.memory_space<vmem>> -> memref<1x80x64xf32, #tpu.memory_space<vmem>>
        %dma_start3A_101 = tpu.memref_squeeze %dma_start3A_100 : memref<1x80x64xf32, #tpu.memory_space<vmem>> -> memref<80x64xf32, #tpu.memory_space<vmem>>
        %dma_start3A_102 = arith.constant 0 : i32
        %dma_start3A_103 = tpu.memref_slice %arg12[%scan3A_81, %dma_start3A_102] : memref<125x80xi32, #tpu.memory_space<vmem>> -> memref<1x80xi32, #tpu.memory_space<vmem>>
        %dma_start3A_104 = tpu.memref_squeeze %dma_start3A_103 : memref<1x80xi32, #tpu.memory_space<vmem>> -> memref<80xi32, #tpu.memory_space<vmem>>
        %dma_start3A_105 = arith.constant 0 : i32
        %dma_start3A_106 = arith.constant 0 : i32
        %dma_start3A_107 = tpu.memref_slice %arg9[%dma_start3A_105, %dma_start3A_106] : memref<10000x64xf32, #tpu.memory_space<vmem_shared>> -> memref<10000x64xf32, #tpu.memory_space<vmem_shared>>
        tpu.enqueue_indirect_dma source(%dma_start3A_101 : memref<80x64xf32, #tpu.memory_space<vmem>>) target(%dma_start3A_107 : memref<10000x64xf32, #tpu.memory_space<vmem_shared>>) offsets(%dma_start3A_104 : memref<80xi32, #tpu.memory_space<vmem>>) semaphore(%run_scoped3A : memref<!tpu.dma_semaphore, #tpu.memory_space<semaphore_mem>>) {add = true}
        %dma_wait3A_108 = arith.constant 0 : i32
        %dma_wait3A_109 = arith.constant 0 : i32
        %dma_wait3A_110 = tpu.memref_slice %arg13[%rem3A_82, %dma_wait3A_108, %dma_wait3A_109] : memref<3x80x64xf32, #tpu.memory_space<vmem>> -> memref<1x80x64xf32, #tpu.memory_space<vmem>>
        %dma_wait3A_111 = tpu.memref_squeeze %dma_wait3A_110 : memref<1x80x64xf32, #tpu.memory_space<vmem>> -> memref<80x64xf32, #tpu.memory_space<vmem>>
        %dma_wait3A_112 = arith.constant 0 : i32
        %dma_wait3A_113 = tpu.memref_slice %arg12[%scan3A_81, %dma_wait3A_112] : memref<125x80xi32, #tpu.memory_space<vmem>> -> memref<1x80xi32, #tpu.memory_space<vmem>>
        %dma_wait3A_114 = tpu.memref_squeeze %dma_wait3A_113 : memref<1x80xi32, #tpu.memory_space<vmem>> -> memref<80xi32, #tpu.memory_space<vmem>>
        %dma_wait3A_115 = arith.constant 0 : i32
        %dma_wait3A_116 = arith.constant 0 : i32
        %dma_wait3A_117 = tpu.memref_slice %arg9[%dma_wait3A_115, %dma_wait3A_116] : memref<10000x64xf32, #tpu.memory_space<vmem_shared>> -> memref<10000x64xf32, #tpu.memory_space<vmem_shared>>
        tpu.wait_indirect_dma semaphore(%run_scoped3A : memref<!tpu.dma_semaphore, #tpu.memory_space<semaphore_mem>>) src(%dma_wait3A_111 : memref<80x64xf32, #tpu.memory_space<vmem>>) dst(%dma_wait3A_117 : memref<10000x64xf32, #tpu.memory_space<vmem_shared>>)
        tpu.yield
      }) : () -> ()
    }
    %scan3A_74 = arith.constant 125 : i32
    %barrier3A_75 = arith.constant 0 : index
    tpu.barrier barrier_id(%barrier3A_75)
    "tpu.region"() ({
      %run_scoped3A = tpu.sem_alloc : memref<!tpu.dma_semaphore, #tpu.memory_space<semaphore_mem>>
      %dma_start3A_81 = arith.constant 0 : i32
      %dma_start3A_82 = tpu.memref_slice %arg8[%arg0, %multiple_of3A, %dma_start3A_81] : memref<2x10000x64xf32, #tpu.memory_space<hbm>> -> memref<1x624x64xf32, #tpu.memory_space<hbm>>
      %dma_start3A_83 = tpu.memref_squeeze %dma_start3A_82 : memref<1x624x64xf32, #tpu.memory_space<hbm>> -> memref<624x64xf32, #tpu.memory_space<hbm>>
      %dma_start3A_84 = arith.constant 0 : i32
      %dma_start3A_85 = tpu.memref_slice %arg9[%multiple_of3A, %dma_start3A_84] : memref<10000x64xf32, #tpu.memory_space<vmem_shared>> -> memref<624x64xf32, #tpu.memory_space<vmem_shared>>
      tpu.enqueue_dma source(%dma_start3A_85 : memref<624x64xf32, #tpu.memory_space<vmem_shared>>) target(%dma_start3A_83 : memref<624x64xf32, #tpu.memory_space<hbm>>) target_semaphore(%run_scoped3A : memref<!tpu.dma_semaphore, #tpu.memory_space<semaphore_mem>>)
      %dma_wait3A = arith.constant 0 : i32
      %dma_wait3A_86 = tpu.memref_slice %arg8[%arg0, %multiple_of3A, %dma_wait3A] : memref<2x10000x64xf32, #tpu.memory_space<hbm>> -> memref<1x624x64xf32, #tpu.memory_space<hbm>>
      %dma_wait3A_87 = tpu.memref_squeeze %dma_wait3A_86 : memref<1x624x64xf32, #tpu.memory_space<hbm>> -> memref<624x64xf32, #tpu.memory_space<hbm>>
      %dma_wait3A_88 = arith.constant 0 : i32
      %dma_wait3A_89 = tpu.memref_slice %arg9[%multiple_of3A, %dma_wait3A_88] : memref<10000x64xf32, #tpu.memory_space<vmem_shared>> -> memref<624x64xf32, #tpu.memory_space<vmem_shared>>
      tpu.wait_dma2 semaphore(%run_scoped3A : memref<!tpu.dma_semaphore, #tpu.memory_space<semaphore_mem>>) src(%dma_wait3A_89 : memref<624x64xf32, #tpu.memory_space<vmem_shared>>) dst(%dma_wait3A_87 : memref<624x64xf32, #tpu.memory_space<hbm>>)
      tpu.yield
    }) : () -> ()
    %eq3A_76 = arith.constant 15 : i32
    %eq3A_77 = arith.cmpi eq, %arg1, %eq3A_76 : i32
    %convert_element_type3A_78 = arith.extui %eq3A_77 : i1 to i32
    %cond3A_79 = arith.constant 0 : i32
    %cond3A_80 = arith.cmpi ne, %convert_element_type3A_78, %cond3A_79 : i32
    scf.if %cond3A_80 {
      "tpu.region"() ({
        %run_scoped3A = tpu.sem_alloc : memref<!tpu.dma_semaphore, #tpu.memory_space<semaphore_mem>>
        %dma_start3A_81 = arith.constant 9984 : i32
        %dma_start3A_82 = arith.constant 0 : i32
        %dma_start3A_83 = tpu.memref_slice %arg8[%arg0, %dma_start3A_81, %dma_start3A_82] : memref<2x10000x64xf32, #tpu.memory_space<hbm>> -> memref<1x16x64xf32, #tpu.memory_space<hbm>>
        %dma_start3A_84 = tpu.memref_squeeze %dma_start3A_83 : memref<1x16x64xf32, #tpu.memory_space<hbm>> -> memref<16x64xf32, #tpu.memory_space<hbm>>
        %dma_start3A_85 = arith.constant 9984 : i32
        %dma_start3A_86 = arith.constant 0 : i32
        %dma_start3A_87 = tpu.memref_slice %arg9[%dma_start3A_85, %dma_start3A_86] : memref<10000x64xf32, #tpu.memory_space<vmem_shared>> -> memref<16x64xf32, #tpu.memory_space<vmem_shared>>
        tpu.enqueue_dma source(%dma_start3A_87 : memref<16x64xf32, #tpu.memory_space<vmem_shared>>) target(%dma_start3A_84 : memref<16x64xf32, #tpu.memory_space<hbm>>) target_semaphore(%run_scoped3A : memref<!tpu.dma_semaphore, #tpu.memory_space<semaphore_mem>>)
        %dma_wait3A = arith.constant 9984 : i32
        %dma_wait3A_88 = arith.constant 0 : i32
        %dma_wait3A_89 = tpu.memref_slice %arg8[%arg0, %dma_wait3A, %dma_wait3A_88] : memref<2x10000x64xf32, #tpu.memory_space<hbm>> -> memref<1x16x64xf32, #tpu.memory_space<hbm>>
        %dma_wait3A_90 = tpu.memref_squeeze %dma_wait3A_89 : memref<1x16x64xf32, #tpu.memory_space<hbm>> -> memref<16x64xf32, #tpu.memory_space<hbm>>
        %dma_wait3A_91 = arith.constant 9984 : i32
        %dma_wait3A_92 = arith.constant 0 : i32
        %dma_wait3A_93 = tpu.memref_slice %arg9[%dma_wait3A_91, %dma_wait3A_92] : memref<10000x64xf32, #tpu.memory_space<vmem_shared>> -> memref<16x64xf32, #tpu.memory_space<vmem_shared>>
        tpu.wait_dma2 semaphore(%run_scoped3A : memref<!tpu.dma_semaphore, #tpu.memory_space<semaphore_mem>>) src(%dma_wait3A_93 : memref<16x64xf32, #tpu.memory_space<vmem_shared>>) dst(%dma_wait3A_90 : memref<16x64xf32, #tpu.memory_space<hbm>>)
        tpu.yield
      }) : () -> ()
    } else {
    }
    return
  }
}

module attributes {stable_mosaic.version = 14 : i64} {
  func.func @_mm1_body(%arg0: i32, %arg1: memref<1x2000x16xf32, #tpu.memory_space<vmem>>, %arg2: memref<1x2000x16xf32, #tpu.memory_space<vmem>>, %arg3: memref<2000x128xf32, #tpu.memory_space<vmem>>, %arg4: memref<128x128xf32, #tpu.memory_space<vmem>>, %arg5: memref<2000x1xf32, #tpu.memory_space<vmem>>, %arg6: memref<2000x64xf32, #tpu.memory_space<vmem>>, %arg7: memref<2000x64xf32, #tpu.memory_space<vmem>>) attributes {dimension_semantics = [#tpu.dimension_semantics<arbitrary>], iteration_bounds = array<i64: 5>, scalar_prefetch = 0 : i64, scratch_operands = 0 : i64, tpu.core_type = #tpu.core_type<tc>, window_params = [{transform_indices = @transform_0, window_bounds = array<i64: 1, 2000, 16>}, {transform_indices = @transform_1, window_bounds = array<i64: 1, 2000, 16>}, {transform_indices = @transform_2, window_bounds = array<i64: 2000, 128>}, {pipeline_mode = #tpu.pipeline_mode<synchronous>, transform_indices = @transform_3, window_bounds = array<i64: 128, 128>}, {transform_indices = @transform_4, window_bounds = array<i64: 2000, 1>}, {transform_indices = @transform_5, window_bounds = array<i64: 2000, 64>}, {transform_indices = @transform_6, window_bounds = array<i64: 2000, 64>}]} {
    %get3A = arith.constant 0 : index
    %get3A_0 = arith.constant 0 : index
    %get3A_1 = arith.constant 0 : index
    %get3A_2 = vector.load %arg1[%get3A, %get3A_0, %get3A_1] : memref<1x2000x16xf32, #tpu.memory_space<vmem>>, vector<1x2000x1xf32>
    %get3A_3 = vector.shape_cast %get3A_2 : vector<1x2000x1xf32> to vector<2000x1xf32>
    %get3A_4 = arith.constant 0 : index
    %get3A_5 = arith.constant 0 : index
    %get3A_6 = arith.constant 0 : index
    %get3A_7 = vector.load %arg2[%get3A_4, %get3A_5, %get3A_6] : memref<1x2000x16xf32, #tpu.memory_space<vmem>>, vector<1x2000x1xf32>
    %get3A_8 = vector.shape_cast %get3A_7 : vector<1x2000x1xf32> to vector<2000x1xf32>
    %add3A = arith.addf %get3A_3, %get3A_8 : vector<2000x1xf32>
    %add3A_9 = arith.constant 1.000000e+00 : f32
    %add3A_10 = vector.broadcast %add3A_9 : f32 to vector<2000x1xf32>
    %add3A_11 = arith.addf %add3A, %add3A_10 : vector<2000x1xf32>
    %rsqrt3A = math.rsqrt %add3A_11 : vector<2000x1xf32>
    %swap3A = arith.constant 0 : index
    %swap3A_12 = arith.constant 0 : index
    %swap3A_13 = vector.load %arg5[%swap3A, %swap3A_12] : memref<2000x1xf32, #tpu.memory_space<vmem>>, vector<2000x1xf32>
    tpu.vector_store %arg5[%swap3A, %swap3A_12], %rsqrt3A {strides = array<i32>} : memref<2000x1xf32, #tpu.memory_space<vmem>>, vector<2000x1xf32>,
    %get3A_14 = arith.constant 0 : index
    %get3A_15 = arith.constant 0 : index
    %get3A_16 = vector.load %arg3[%get3A_14, %get3A_15] : memref<2000x128xf32, #tpu.memory_space<vmem>>, vector<2000x128xf32>
    %get3A_17 = arith.constant 0 : index
    %get3A_18 = arith.constant 0 : index
    %get3A_19 = vector.load %arg4[%get3A_17, %get3A_18] : memref<128x128xf32, #tpu.memory_space<vmem>>, vector<128x128xf32>
    %dot_general3A = arith.constant dense<0.000000e+00> : vector<2000x128xf32>
    %dot_general3A_20 = tpu.matmul %get3A_16, %get3A_19, %dot_general3A {dimension_numbers = #tpu.dot_dimension_numbers<[1], [0], [0], [1], [0, 0, 1, 1], [], []>, transpose_lhs_hint = false} : vector<2000x128xf32>, vector<128x128xf32>, vector<2000x128xf32> -> vector<2000x128xf32>
    %mul3A = vector.broadcast %rsqrt3A : vector<2000x1xf32> to vector<2000x128xf32>
    %mul3A_21 = arith.mulf %dot_general3A_20, %mul3A : vector<2000x128xf32>
    %slice3A = vector.extract_strided_slice %mul3A_21 {offsets = [0, 0], sizes = [2000, 64], strides = [1, 1]} : vector<2000x128xf32> to vector<2000x64xf32>
    %swap3A_22 = arith.constant 0 : index
    %swap3A_23 = arith.constant 0 : index
    %swap3A_24 = vector.load %arg6[%swap3A_22, %swap3A_23] : memref<2000x64xf32, #tpu.memory_space<vmem>>, vector<2000x64xf32>
    tpu.vector_store %arg6[%swap3A_22, %swap3A_23], %slice3A {strides = array<i32>} : memref<2000x64xf32, #tpu.memory_space<vmem>>, vector<2000x64xf32>,
    %slice3A_25 = vector.extract_strided_slice %mul3A_21 {offsets = [0, 64], sizes = [2000, 64], strides = [1, 1]} : vector<2000x128xf32> to vector<2000x64xf32>
    %swap3A_26 = arith.constant 0 : index
    %swap3A_27 = arith.constant 0 : index
    %swap3A_28 = vector.load %arg7[%swap3A_26, %swap3A_27] : memref<2000x64xf32, #tpu.memory_space<vmem>>, vector<2000x64xf32>
    tpu.vector_store %arg7[%swap3A_26, %swap3A_27], %slice3A_25 {strides = array<i32>} : memref<2000x64xf32, #tpu.memory_space<vmem>>, vector<2000x64xf32>,
    return
  }
  func.func @transform_0(%arg0: i32) -> (i32, i32, i32) {
    %c0_i32 = arith.constant 0 : i32
    %c0_i32_0 = arith.constant 0 : i32
    %c0_i32_1 = arith.constant 0 : i32
    return %c0_i32, %arg0, %c0_i32_0 : i32, i32, i32
  }
  func.func @transform_1(%arg0: i32) -> (i32, i32, i32) {
    %c1_i32 = arith.constant 1 : i32
    %c0_i32 = arith.constant 0 : i32
    %c0_i32_0 = arith.constant 0 : i32
    return %c1_i32, %arg0, %c0_i32 : i32, i32, i32
  }
  func.func @transform_2(%arg0: i32) -> (i32, i32) {
    %c0_i32 = arith.constant 0 : i32
    %c0_i32_0 = arith.constant 0 : i32
    return %arg0, %c0_i32 : i32, i32
  }
  func.func @transform_3(%arg0: i32) -> (i32, i32) {
    %c0_i32 = arith.constant 0 : i32
    %c0_i32_0 = arith.constant 0 : i32
    %c0_i32_1 = arith.constant 0 : i32
    return %c0_i32, %c0_i32_0 : i32, i32
  }
  func.func @transform_4(%arg0: i32) -> (i32, i32) {
    %c0_i32 = arith.constant 0 : i32
    %c0_i32_0 = arith.constant 0 : i32
    return %arg0, %c0_i32 : i32, i32
  }
  func.func @transform_5(%arg0: i32) -> (i32, i32) {
    %c0_i32 = arith.constant 0 : i32
    %c0_i32_0 = arith.constant 0 : i32
    return %arg0, %c0_i32 : i32, i32
  }
  func.func @transform_6(%arg0: i32) -> (i32, i32) {
    %c0_i32 = arith.constant 0 : i32
    %c0_i32_0 = arith.constant 0 : i32
    return %arg0, %c0_i32 : i32, i32
  }
}

module attributes {stable_mosaic.version = 14 : i64} {
  func.func @_mid1_body(%arg0: i32, %arg1: memref<1x2000x64xf32, #tpu.memory_space<vmem>>, %arg2: memref<1x2000x64xf32, #tpu.memory_space<vmem>>, %arg3: memref<1x2000x64xf32, #tpu.memory_space<vmem>>, %arg4: memref<1x2000x64xf32, #tpu.memory_space<vmem>>, %arg5: memref<2000x64xf32, #tpu.memory_space<vmem>>, %arg6: memref<2000x64xf32, #tpu.memory_space<vmem>>, %arg7: memref<2000x1xf32, #tpu.memory_space<vmem>>, %arg8: memref<1x128xf32, #tpu.memory_space<vmem>>, %arg9: memref<128x64xf32, #tpu.memory_space<vmem>>, %arg10: memref<2000x64xf32, #tpu.memory_space<vmem>>) attributes {dimension_semantics = [#tpu.dimension_semantics<arbitrary>], iteration_bounds = array<i64: 5>, scalar_prefetch = 0 : i64, scratch_operands = 0 : i64, tpu.core_type = #tpu.core_type<tc>, window_params = [{transform_indices = @transform_0, window_bounds = array<i64: 1, 2000, 64>}, {transform_indices = @transform_1, window_bounds = array<i64: 1, 2000, 64>}, {transform_indices = @transform_2, window_bounds = array<i64: 1, 2000, 64>}, {transform_indices = @transform_3, window_bounds = array<i64: 1, 2000, 64>}, {transform_indices = @transform_4, window_bounds = array<i64: 2000, 64>}, {transform_indices = @transform_5, window_bounds = array<i64: 2000, 64>}, {transform_indices = @transform_6, window_bounds = array<i64: 2000, 1>}, {pipeline_mode = #tpu.pipeline_mode<synchronous>, transform_indices = @transform_7, window_bounds = array<i64: 1, 128>}, {pipeline_mode = #tpu.pipeline_mode<synchronous>, transform_indices = @transform_8, window_bounds = array<i64: 128, 64>}, {transform_indices = @transform_9, window_bounds = array<i64: 2000, 64>}]} {
    %get3A = arith.constant 0 : index
    %get3A_0 = arith.constant 0 : index
    %get3A_1 = vector.load %arg7[%get3A, %get3A_0] : memref<2000x1xf32, #tpu.memory_space<vmem>>, vector<2000x1xf32>
    %get3A_2 = arith.constant 0 : index
    %get3A_3 = arith.constant 0 : index
    %get3A_4 = arith.constant 0 : index
    %get3A_5 = vector.load %arg1[%get3A_2, %get3A_3, %get3A_4] : memref<1x2000x64xf32, #tpu.memory_space<vmem>>, vector<1x2000x64xf32>
    %get3A_6 = vector.shape_cast %get3A_5 : vector<1x2000x64xf32> to vector<2000x64xf32>
    %get3A_7 = arith.constant 0 : index
    %get3A_8 = arith.constant 0 : index
    %get3A_9 = arith.constant 0 : index
    %get3A_10 = vector.load %arg2[%get3A_7, %get3A_8, %get3A_9] : memref<1x2000x64xf32, #tpu.memory_space<vmem>>, vector<1x2000x64xf32>
    %get3A_11 = vector.shape_cast %get3A_10 : vector<1x2000x64xf32> to vector<2000x64xf32>
    %add3A = arith.addf %get3A_6, %get3A_11 : vector<2000x64xf32>
    %get3A_12 = arith.constant 0 : index
    %get3A_13 = arith.constant 0 : index
    %get3A_14 = vector.load %arg5[%get3A_12, %get3A_13] : memref<2000x64xf32, #tpu.memory_space<vmem>>, vector<2000x64xf32>
    %add3A_15 = arith.addf %add3A, %get3A_14 : vector<2000x64xf32>
    %mul3A = vector.broadcast %get3A_1 : vector<2000x1xf32> to vector<2000x64xf32>
    %mul3A_16 = arith.mulf %mul3A, %add3A_15 : vector<2000x64xf32>
    %get3A_17 = arith.constant 0 : index
    %get3A_18 = arith.constant 0 : index
    %get3A_19 = vector.load %arg8[%get3A_17, %get3A_18] : memref<1x128xf32, #tpu.memory_space<vmem>>, vector<1x64xf32>
    %add3A_20 = vector.broadcast %get3A_19 : vector<1x64xf32> to vector<2000x64xf32>
    %add3A_21 = arith.addf %mul3A_16, %add3A_20 : vector<2000x64xf32>
    %get3A_22 = arith.constant 0 : index
    %get3A_23 = arith.constant 0 : index
    %get3A_24 = arith.constant 0 : index
    %get3A_25 = vector.load %arg3[%get3A_22, %get3A_23, %get3A_24] : memref<1x2000x64xf32, #tpu.memory_space<vmem>>, vector<1x2000x64xf32>
    %get3A_26 = vector.shape_cast %get3A_25 : vector<1x2000x64xf32> to vector<2000x64xf32>
    %get3A_27 = arith.constant 0 : index
    %get3A_28 = arith.constant 0 : index
    %get3A_29 = arith.constant 0 : index
    %get3A_30 = vector.load %arg4[%get3A_27, %get3A_28, %get3A_29] : memref<1x2000x64xf32, #tpu.memory_space<vmem>>, vector<1x2000x64xf32>
    %get3A_31 = vector.shape_cast %get3A_30 : vector<1x2000x64xf32> to vector<2000x64xf32>
    %add3A_32 = arith.addf %get3A_26, %get3A_31 : vector<2000x64xf32>
    %get3A_33 = arith.constant 0 : index
    %get3A_34 = arith.constant 0 : index
    %get3A_35 = vector.load %arg6[%get3A_33, %get3A_34] : memref<2000x64xf32, #tpu.memory_space<vmem>>, vector<2000x64xf32>
    %add3A_36 = arith.addf %add3A_32, %get3A_35 : vector<2000x64xf32>
    %mul3A_37 = vector.broadcast %get3A_1 : vector<2000x1xf32> to vector<2000x64xf32>
    %mul3A_38 = arith.mulf %mul3A_37, %add3A_36 : vector<2000x64xf32>
    %get3A_39 = arith.constant 0 : index
    %get3A_40 = arith.constant 64 : index
    %get3A_41 = vector.load %arg8[%get3A_39, %get3A_40] : memref<1x128xf32, #tpu.memory_space<vmem>>, vector<1x64xf32>
    %add3A_42 = vector.broadcast %get3A_41 : vector<1x64xf32> to vector<2000x64xf32>
    %add3A_43 = arith.addf %mul3A_38, %add3A_42 : vector<2000x64xf32>
    %concatenate3A = tpu.concatenate %add3A_21, %add3A_43 in 1 : vector<2000x64xf32>, vector<2000x64xf32> -> vector<2000x128xf32>
    %gt3A = arith.constant 0.000000e+00 : f32
    %gt3A_44 = vector.broadcast %gt3A : f32 to vector<2000x128xf32>
    %gt3A_45 = arith.cmpf ogt, %concatenate3A, %gt3A_44 : vector<2000x128xf32>
    %exp3A = math.exp %concatenate3A : vector<2000x128xf32>
    %sub3A = arith.constant 1.000000e+00 : f32
    %sub3A_46 = vector.broadcast %sub3A : f32 to vector<2000x128xf32>
    %sub3A_47 = arith.subf %exp3A, %sub3A_46 : vector<2000x128xf32>
    %select_n3A = arith.select %gt3A_45, %concatenate3A, %sub3A_47 : vector<2000x128xi1>, vector<2000x128xf32>
    %get3A_48 = arith.constant 0 : index
    %get3A_49 = arith.constant 0 : index
    %get3A_50 = vector.load %arg9[%get3A_48, %get3A_49] : memref<128x64xf32, #tpu.memory_space<vmem>>, vector<128x64xf32>
    %dot_general3A = arith.constant dense<0.000000e+00> : vector<2000x64xf32>
    %dot_general3A_51 = tpu.matmul %select_n3A, %get3A_50, %dot_general3A {dimension_numbers = #tpu.dot_dimension_numbers<[1], [0], [0], [1], [0, 0, 1, 1], [], []>, transpose_lhs_hint = false} : vector<2000x128xf32>, vector<128x64xf32>, vector<2000x64xf32> -> vector<2000x64xf32>
    %mul3A_52 = vector.broadcast %get3A_1 : vector<2000x1xf32> to vector<2000x64xf32>
    %mul3A_53 = arith.mulf %dot_general3A_51, %mul3A_52 : vector<2000x64xf32>
    %swap3A = arith.constant 0 : index
    %swap3A_54 = arith.constant 0 : index
    %swap3A_55 = vector.load %arg10[%swap3A, %swap3A_54] : memref<2000x64xf32, #tpu.memory_space<vmem>>, vector<2000x64xf32>
    tpu.vector_store %arg10[%swap3A, %swap3A_54], %mul3A_53 {strides = array<i32>} : memref<2000x64xf32, #tpu.memory_space<vmem>>, vector<2000x64xf32>,
    return
  }
  func.func @transform_0(%arg0: i32) -> (i32, i32, i32) {
    %c0_i32 = arith.constant 0 : i32
    %c0_i32_0 = arith.constant 0 : i32
    %c0_i32_1 = arith.constant 0 : i32
    return %c0_i32, %arg0, %c0_i32_0 : i32, i32, i32
  }
  func.func @transform_1(%arg0: i32) -> (i32, i32, i32) {
    %c1_i32 = arith.constant 1 : i32
    %c0_i32 = arith.constant 0 : i32
    %c0_i32_0 = arith.constant 0 : i32
    return %c1_i32, %arg0, %c0_i32 : i32, i32, i32
  }
  func.func @transform_2(%arg0: i32) -> (i32, i32, i32) {
    %c0_i32 = arith.constant 0 : i32
    %c0_i32_0 = arith.constant 0 : i32
    %c0_i32_1 = arith.constant 0 : i32
    return %c0_i32, %arg0, %c0_i32_0 : i32, i32, i32
  }
  func.func @transform_3(%arg0: i32) -> (i32, i32, i32) {
    %c1_i32 = arith.constant 1 : i32
    %c0_i32 = arith.constant 0 : i32
    %c0_i32_0 = arith.constant 0 : i32
    return %c1_i32, %arg0, %c0_i32 : i32, i32, i32
  }
  func.func @transform_4(%arg0: i32) -> (i32, i32) {
    %c0_i32 = arith.constant 0 : i32
    %c0_i32_0 = arith.constant 0 : i32
    return %arg0, %c0_i32 : i32, i32
  }
  func.func @transform_5(%arg0: i32) -> (i32, i32) {
    %c0_i32 = arith.constant 0 : i32
    %c0_i32_0 = arith.constant 0 : i32
    return %arg0, %c0_i32 : i32, i32
  }
  func.func @transform_6(%arg0: i32) -> (i32, i32) {
    %c0_i32 = arith.constant 0 : i32
    %c0_i32_0 = arith.constant 0 : i32
    return %arg0, %c0_i32 : i32, i32
  }
  func.func @transform_7(%arg0: i32) -> (i32, i32) {
    %c0_i32 = arith.constant 0 : i32
    %c0_i32_0 = arith.constant 0 : i32
    %c0_i32_1 = arith.constant 0 : i32
    return %c0_i32, %c0_i32_0 : i32, i32
  }
  func.func @transform_8(%arg0: i32) -> (i32, i32) {
    %c0_i32 = arith.constant 0 : i32
    %c0_i32_0 = arith.constant 0 : i32
    %c0_i32_1 = arith.constant 0 : i32
    return %c0_i32, %c0_i32_0 : i32, i32
  }
  func.func @transform_9(%arg0: i32) -> (i32, i32) {
    %c0_i32 = arith.constant 0 : i32
    %c0_i32_0 = arith.constant 0 : i32
    return %arg0, %c0_i32 : i32, i32
  }
}

module attributes {stable_mosaic.version = 14 : i64} {
  func.func @_mid_body(%arg0: i32, %arg1: memref<1x2000x64xf32, #tpu.memory_space<vmem>>, %arg2: memref<1x2000x64xf32, #tpu.memory_space<vmem>>, %arg3: memref<2000x64xf32, #tpu.memory_space<vmem>>, %arg4: memref<2000x1xf32, #tpu.memory_space<vmem>>, %arg5: memref<1x64xf32, #tpu.memory_space<vmem>>, %arg6: memref<64x16xf32, #tpu.memory_space<vmem>>, %arg7: memref<2000x16xf32, #tpu.memory_space<vmem>>) attributes {dimension_semantics = [#tpu.dimension_semantics<arbitrary>], iteration_bounds = array<i64: 5>, scalar_prefetch = 0 : i64, scratch_operands = 0 : i64, tpu.core_type = #tpu.core_type<tc>, window_params = [{transform_indices = @transform_0, window_bounds = array<i64: 1, 2000, 64>}, {transform_indices = @transform_1, window_bounds = array<i64: 1, 2000, 64>}, {transform_indices = @transform_2, window_bounds = array<i64: 2000, 64>}, {transform_indices = @transform_3, window_bounds = array<i64: 2000, 1>}, {pipeline_mode = #tpu.pipeline_mode<synchronous>, transform_indices = @transform_4, window_bounds = array<i64: 1, 64>}, {pipeline_mode = #tpu.pipeline_mode<synchronous>, transform_indices = @transform_5, window_bounds = array<i64: 64, 16>}, {transform_indices = @transform_6, window_bounds = array<i64: 2000, 16>}]} {
    %get3A = arith.constant 0 : index
    %get3A_0 = arith.constant 0 : index
    %get3A_1 = vector.load %arg4[%get3A, %get3A_0] : memref<2000x1xf32, #tpu.memory_space<vmem>>, vector<2000x1xf32>
    %get3A_2 = arith.constant 0 : index
    %get3A_3 = arith.constant 0 : index
    %get3A_4 = arith.constant 0 : index
    %get3A_5 = vector.load %arg1[%get3A_2, %get3A_3, %get3A_4] : memref<1x2000x64xf32, #tpu.memory_space<vmem>>, vector<1x2000x64xf32>
    %get3A_6 = vector.shape_cast %get3A_5 : vector<1x2000x64xf32> to vector<2000x64xf32>
    %get3A_7 = arith.constant 0 : index
    %get3A_8 = arith.constant 0 : index
    %get3A_9 = arith.constant 0 : index
    %get3A_10 = vector.load %arg2[%get3A_7, %get3A_8, %get3A_9] : memref<1x2000x64xf32, #tpu.memory_space<vmem>>, vector<1x2000x64xf32>
    %get3A_11 = vector.shape_cast %get3A_10 : vector<1x2000x64xf32> to vector<2000x64xf32>
    %add3A = arith.addf %get3A_6, %get3A_11 : vector<2000x64xf32>
    %get3A_12 = arith.constant 0 : index
    %get3A_13 = arith.constant 0 : index
    %get3A_14 = vector.load %arg3[%get3A_12, %get3A_13] : memref<2000x64xf32, #tpu.memory_space<vmem>>, vector<2000x64xf32>
    %add3A_15 = arith.addf %add3A, %get3A_14 : vector<2000x64xf32>
    %mul3A = vector.broadcast %get3A_1 : vector<2000x1xf32> to vector<2000x64xf32>
    %mul3A_16 = arith.mulf %mul3A, %add3A_15 : vector<2000x64xf32>
    %get3A_17 = arith.constant 0 : index
    %get3A_18 = arith.constant 0 : index
    %get3A_19 = vector.load %arg5[%get3A_17, %get3A_18] : memref<1x64xf32, #tpu.memory_space<vmem>>, vector<1x64xf32>
    %add3A_20 = vector.broadcast %get3A_19 : vector<1x64xf32> to vector<2000x64xf32>
    %add3A_21 = arith.addf %mul3A_16, %add3A_20 : vector<2000x64xf32>
    %gt3A = arith.constant 0.000000e+00 : f32
    %gt3A_22 = vector.broadcast %gt3A : f32 to vector<2000x64xf32>
    %gt3A_23 = arith.cmpf ogt, %add3A_21, %gt3A_22 : vector<2000x64xf32>
    %exp3A = math.exp %add3A_21 : vector<2000x64xf32>
    %sub3A = arith.constant 1.000000e+00 : f32
    %sub3A_24 = vector.broadcast %sub3A : f32 to vector<2000x64xf32>
    %sub3A_25 = arith.subf %exp3A, %sub3A_24 : vector<2000x64xf32>
    %select_n3A = arith.select %gt3A_23, %add3A_21, %sub3A_25 : vector<2000x64xi1>, vector<2000x64xf32>
    %get3A_26 = arith.constant 0 : index
    %get3A_27 = arith.constant 0 : index
    %get3A_28 = vector.load %arg6[%get3A_26, %get3A_27] : memref<64x16xf32, #tpu.memory_space<vmem>>, vector<64x16xf32>
    %dot_general3A = arith.constant dense<0.000000e+00> : vector<2000x16xf32>
    %dot_general3A_29 = tpu.matmul %select_n3A, %get3A_28, %dot_general3A {dimension_numbers = #tpu.dot_dimension_numbers<[1], [0], [0], [1], [0, 0, 1, 1], [], []>, transpose_lhs_hint = false} : vector<2000x64xf32>, vector<64x16xf32>, vector<2000x16xf32> -> vector<2000x16xf32>
    %mul3A_30 = vector.broadcast %get3A_1 : vector<2000x1xf32> to vector<2000x16xf32>
    %mul3A_31 = arith.mulf %dot_general3A_29, %mul3A_30 : vector<2000x16xf32>
    %swap3A = arith.constant 0 : index
    %swap3A_32 = arith.constant 0 : index
    %swap3A_33 = vector.load %arg7[%swap3A, %swap3A_32] : memref<2000x16xf32, #tpu.memory_space<vmem>>, vector<2000x16xf32>
    tpu.vector_store %arg7[%swap3A, %swap3A_32], %mul3A_31 {strides = array<i32>} : memref<2000x16xf32, #tpu.memory_space<vmem>>, vector<2000x16xf32>,
    return
  }
  func.func @transform_0(%arg0: i32) -> (i32, i32, i32) {
    %c0_i32 = arith.constant 0 : i32
    %c0_i32_0 = arith.constant 0 : i32
    %c0_i32_1 = arith.constant 0 : i32
    return %c0_i32, %arg0, %c0_i32_0 : i32, i32, i32
  }
  func.func @transform_1(%arg0: i32) -> (i32, i32, i32) {
    %c1_i32 = arith.constant 1 : i32
    %c0_i32 = arith.constant 0 : i32
    %c0_i32_0 = arith.constant 0 : i32
    return %c1_i32, %arg0, %c0_i32 : i32, i32, i32
  }
  func.func @transform_2(%arg0: i32) -> (i32, i32) {
    %c0_i32 = arith.constant 0 : i32
    %c0_i32_0 = arith.constant 0 : i32
    return %arg0, %c0_i32 : i32, i32
  }
  func.func @transform_3(%arg0: i32) -> (i32, i32) {
    %c0_i32 = arith.constant 0 : i32
    %c0_i32_0 = arith.constant 0 : i32
    return %arg0, %c0_i32 : i32, i32
  }
  func.func @transform_4(%arg0: i32) -> (i32, i32) {
    %c0_i32 = arith.constant 0 : i32
    %c0_i32_0 = arith.constant 0 : i32
    %c0_i32_1 = arith.constant 0 : i32
    return %c0_i32, %c0_i32_0 : i32, i32
  }
  func.func @transform_5(%arg0: i32) -> (i32, i32) {
    %c0_i32 = arith.constant 0 : i32
    %c0_i32_0 = arith.constant 0 : i32
    %c0_i32_1 = arith.constant 0 : i32
    return %c0_i32, %c0_i32_0 : i32, i32
  }
  func.func @transform_6(%arg0: i32) -> (i32, i32) {
    %c0_i32 = arith.constant 0 : i32
    %c0_i32_0 = arith.constant 0 : i32
    return %arg0, %c0_i32 : i32, i32
  }
}

module attributes {stable_mosaic.version = 14 : i64} {
  func.func @_final_body(%arg0: i32, %arg1: memref<1x2000x16xf32, #tpu.memory_space<vmem>>, %arg2: memref<1x2000x16xf32, #tpu.memory_space<vmem>>, %arg3: memref<2000x16xf32, #tpu.memory_space<vmem>>, %arg4: memref<2000x1xf32, #tpu.memory_space<vmem>>, %arg5: memref<1x1xf32, #tpu.memory_space<vmem>>, %arg6: memref<2000x1xf32, #tpu.memory_space<vmem>>) attributes {dimension_semantics = [#tpu.dimension_semantics<arbitrary>], iteration_bounds = array<i64: 5>, scalar_prefetch = 0 : i64, scratch_operands = 0 : i64, tpu.core_type = #tpu.core_type<tc>, window_params = [{transform_indices = @transform_0, window_bounds = array<i64: 1, 2000, 16>}, {transform_indices = @transform_1, window_bounds = array<i64: 1, 2000, 16>}, {transform_indices = @transform_2, window_bounds = array<i64: 2000, 16>}, {transform_indices = @transform_3, window_bounds = array<i64: 2000, 1>}, {pipeline_mode = #tpu.pipeline_mode<synchronous>, transform_indices = @transform_4, window_bounds = array<i64: 1, 1>}, {transform_indices = @transform_5, window_bounds = array<i64: 2000, 1>}]} {
    %get3A = arith.constant 0 : index
    %get3A_0 = arith.constant 0 : index
    %get3A_1 = arith.constant 0 : index
    %get3A_2 = vector.load %arg1[%get3A, %get3A_0, %get3A_1] : memref<1x2000x16xf32, #tpu.memory_space<vmem>>, vector<1x2000x1xf32>
    %get3A_3 = vector.shape_cast %get3A_2 : vector<1x2000x1xf32> to vector<2000x1xf32>
    %get3A_4 = arith.constant 0 : index
    %get3A_5 = arith.constant 0 : index
    %get3A_6 = arith.constant 0 : index
    %get3A_7 = vector.load %arg2[%get3A_4, %get3A_5, %get3A_6] : memref<1x2000x16xf32, #tpu.memory_space<vmem>>, vector<1x2000x1xf32>
    %get3A_8 = vector.shape_cast %get3A_7 : vector<1x2000x1xf32> to vector<2000x1xf32>
    %add3A = arith.addf %get3A_3, %get3A_8 : vector<2000x1xf32>
    %get3A_9 = arith.constant 0 : index
    %get3A_10 = arith.constant 0 : index
    %get3A_11 = vector.load %arg3[%get3A_9, %get3A_10] : memref<2000x16xf32, #tpu.memory_space<vmem>>, vector<2000x1xf32>
    %add3A_12 = arith.addf %add3A, %get3A_11 : vector<2000x1xf32>
    %get3A_13 = arith.constant 0 : index
    %get3A_14 = arith.constant 0 : index
    %get3A_15 = vector.load %arg4[%get3A_13, %get3A_14] : memref<2000x1xf32, #tpu.memory_space<vmem>>, vector<2000x1xf32>
    %mul3A = arith.mulf %get3A_15, %add3A_12 : vector<2000x1xf32>
    %get3A_16 = arith.constant 0 : index
    %get3A_17 = arith.constant 0 : index
    %get3A_18 = vector.load %arg5[%get3A_16, %get3A_17] : memref<1x1xf32, #tpu.memory_space<vmem>>, vector<1x1xf32>
    %add3A_19 = vector.broadcast %get3A_18 : vector<1x1xf32> to vector<2000x1xf32>
    %add3A_20 = arith.addf %mul3A, %add3A_19 : vector<2000x1xf32>
    %swap3A = arith.constant 0 : index
    %swap3A_21 = arith.constant 0 : index
    %swap3A_22 = vector.load %arg6[%swap3A, %swap3A_21] : memref<2000x1xf32, #tpu.memory_space<vmem>>, vector<2000x1xf32>
    tpu.vector_store %arg6[%swap3A, %swap3A_21], %add3A_20 {strides = array<i32>} : memref<2000x1xf32, #tpu.memory_space<vmem>>, vector<2000x1xf32>,
    return
  }
  func.func @transform_0(%arg0: i32) -> (i32, i32, i32) {
    %c0_i32 = arith.constant 0 : i32
    %c0_i32_0 = arith.constant 0 : i32
    %c0_i32_1 = arith.constant 0 : i32
    return %c0_i32, %arg0, %c0_i32_0 : i32, i32, i32
  }
  func.func @transform_1(%arg0: i32) -> (i32, i32, i32) {
    %c1_i32 = arith.constant 1 : i32
    %c0_i32 = arith.constant 0 : i32
    %c0_i32_0 = arith.constant 0 : i32
    return %c1_i32, %arg0, %c0_i32 : i32, i32, i32
  }
  func.func @transform_2(%arg0: i32) -> (i32, i32) {
    %c0_i32 = arith.constant 0 : i32
    %c0_i32_0 = arith.constant 0 : i32
    return %arg0, %c0_i32 : i32, i32
  }
  func.func @transform_3(%arg0: i32) -> (i32, i32) {
    %c0_i32 = arith.constant 0 : i32
    %c0_i32_0 = arith.constant 0 : i32
    return %arg0, %c0_i32 : i32, i32
  }
  func.func @transform_4(%arg0: i32) -> (i32, i32) {
    %c0_i32 = arith.constant 0 : i32
    %c0_i32_0 = arith.constant 0 : i32
    %c0_i32_1 = arith.constant 0 : i32
    return %c0_i32, %c0_i32_0 : i32, i32
  }
  func.func @transform_5(%arg0: i32) -> (i32, i32) {
    %c0_i32 = arith.constant 0 : i32
    %c0_i32_0 = arith.constant 0 : i32
    return %arg0, %c0_i32 : i32, i32
  }
}

</mosaic_0001>

<sc_bundles>
// kernel: kernel.10.cloned.1.call-start
scs
__scs_entry_jumppad:
0x0: {  	(pc) =	sbr.rel $0x88, $3  }
0x1: {  	(tag) =	ssettag $0x0;
	lr =	simm.s32 $0x1  }
0x2: {  	[smem:$0x3F99] =	sst lr;
	_ =	strace $0xD0000000  }
0x3: {  	_ = 	snop  }
0x4: {  	_ = 	snop  }
0x5: {  	_ = 	snop  }
0x6: {  	_ = 	snop  }
0x7: {  	_ = 	snop  }
__scs_overlays_trampoline_lowered:
0x8: {  	[smem:$0x3FA8] =	sst s0  }
0x9: {  	[smem:$0x3FA9] =	sst s1  }
0xa: {  	[smem:$0x3FAA] =	sst s2  }
0xb: {  	[smem:$0x3FAB] =	sst s3  }
0xc: {  	[smem:$0x3FAC] =	sst s4  }
0xd: {  	[smem:$0x3FAD] =	sst s5  }
0xe: {  	[smem:$0x3FAE] =	sst s6  }
0xf: {  	[smem:$0x3FAF] =	sst s7  }
0x10: {  	[smem:$0x3FB0] =	sst s8  }
0x11: {  	[smem:$0x3FB1] =	sst s9;
	s0 =	simm.s32 @!p0 $0x0  }
0x12: {  	s1 =	sld [smem:$0x3F97];
	s0 =	simm.s32 @p0 $0x1  }
0x13: {  	[smem:$0x3FB2] =	sst s0;
	s0 =	simm.s32 @!p1 $0x0  }
0x14: {  	s2 =	sld [smem:$0x3F96];
	s0 =	simm.s32 @p1 $0x1  }
0x15: {  	[smem:$0x3FB3] =	sst s0;
	s0 =	simm.s32 @!p2 $0x0  }
0x16: {  	s3 =	sld [smem:$0x3FDB];
	s0 =	simm.s32 @p2 $0x1  }
0x17: {  	s4 =	simm.s32 $0x1BF5;
	[smem:$0x3FB5] =	sst s0  }
0x18: {  	s0 =	sld [smem:$0x3F98];
	_ =	swait.ge [sflag:s4], $0x0  }
0x19: {  	s7 =	sld [smem:$0x3F99]  }
0x1a: {  	s8 =	sadd.s32 $0xFFFFE003, lr  }
0x1b: {  	s9 =	sadd.s32 $0xFFFFFEF7, lr;
	s5 =	simm.s32 $0xFFFFFFFF;
	p2 =	slt.u32 s8, $0xFFFFF086  }
0x1c: {  	p1 =	slt.u32 s9, $0xF7A;
	s5 =	simm.s32 @!p2 $0x0  }
0x1d: {  	s5 =	simm.s32 @p1 $0x1;
	p0 =	seq.s32 s7, s2  }
0x1e: {  	s7 =	smul.u32 @!p0 $0xF7A, s2;
	p2 =	seq.s32 @!p0 s5, $0x0  }
0x1f: {  	s9 =	smul.u32 $0xF7A, s1;
	s8 =	simm.s32 @!p0 $0x1BF5;
	p2 =	por !p2, p0  }
0x20: {  	[sflag:s8] =	ssyncset.s32 @!p0 $0xFFFFF086;
	s6 =	sadd.s32 @!p0 s3, s7;
	s7 =	simm.s32 @!p0 $0x108  }
0x21: {  	s3 =	sadd.s32 s3, s9;
	s6 =	sadd.s32 @!p0 $0x88, s6;
	s7 =	simm.s32 @p2 $0x1082  }
0x22: {  	[simem:s7], [sflag:s8] =	dma.local @!p0 [hbm:s6], $0xF7A  }
0x23: {  	s9 =	sor.u32 $0xD0000000, s2;
	s6 =	simm.s32 $0x108;
	_ =	swait.ge @!p0 [sflag:s8], $0x0  }
0x24: {  	s3 =	sadd.s32 $0x88, s3;
	s6 =	simm.s32 @!p1 $0x1082;
	[sflag:s4] =	ssyncset.s32 $0xFFFFF086  }
0x25: {  	[simem:s6], [sflag:s4] =	dma.local [hbm:s3], $0xF7A  }
0x26: {  	[smem:$0x3F99] =	sst s1;
	(tag) =	ssettag s2;
	_ =	strace s9  }
0x27: {  	s1 =	sld [smem:$0x3FA9]  }
0x28: {  	s2 =	sld [smem:$0x3FAA]  }
0x29: {  	s4 =	sld [smem:$0x3FAC]  }
0x2a: {  	p0 =	seq.s32 s5, $0x0;
	s5 =	sld [smem:$0x3FAD]  }
0x2b: {  	s6 =	sld [smem:$0x3FAE]  }
0x2c: {  	s7 =	sld [smem:$0x3FAF]  }
0x2d: {  	s3 =	simm.s32 $0x108;
	s8 =	sld [smem:$0x3FB0]  }
0x2e: {  	s3 =	simm.s32 @!p0 $0x1082;
	s9 =	sld [smem:$0x3FB1]  }
0x2f: {  	lr =	sadd.s32 s0, s3;
	s0 =	sld [smem:$0x3FA8]  }
0x30: {  	s3 =	sld [smem:$0x3FAB]  }
0x31: {  	[smem:$0x3FB4] =	sst s10  }
0x32: {  	s10 =	sld [smem:$0x3FB2];
	_ =	sdelay $0x3  }
0x33: {  	p0 =	seq.s32 s10, $0x1;
	s10 =	sld [smem:$0x3FB4];
	_ =	sdelay $0x3  }
0x34: {  	[smem:$0x3FB4] =	sst s10  }
0x35: {  	s10 =	sld [smem:$0x3FB3];
	_ =	sdelay $0x3  }
0x36: {  	p1 =	seq.s32 s10, $0x1;
	s10 =	sld [smem:$0x3FB4];
	_ =	sdelay $0x3  }
0x37: {  	[smem:$0x3FB4] =	sst s10  }
0x38: {  	s10 =	sld [smem:$0x3FB5]  }
0x39: {  	_ = 	snop;
	(pc) =	sbr.ind lr, $3  }
0x3a: {  	_ = 	snop  }
0x3b: {  	_ = 	snop  }
0x3c: {  	p2 =	seq.s32 s10, $0x1;
	s10 =	sld [smem:$0x3FB4]  }
0x3d: {  	_ =	shalt  }
0x3e: {  	_ =	shalt  }
0x3f: {  	_ =	shalt  }
0x40: {  	_ =	shalt  }
0x41: {  	_ =	shalt  }
0x42: {  	_ =	shalt  }
0x43: {  	_ =	shalt  }
0x44: {  	_ =	shalt  }
0x45: {  	_ =	shalt  }
0x46: {  	_ =	shalt  }
0x47: {  	_ =	shalt  }
0x48: {  	_ =	shalt  }
0x49: {  	_ =	shalt  }
0x4a: {  	_ =	shalt  }
0x4b: {  	_ =	shalt  }
0x4c: {  	_ =	shalt  }
0x4d: {  	_ =	shalt  }
0x4e: {  	_ =	shalt  }
0x4f: {  	_ =	shalt  }
0x50: {  	_ =	shalt  }
0x51: {  	_ =	shalt  }
0x52: {  	_ =	shalt  }
0x53: {  	_ =	shalt  }
0x54: {  	_ =	shalt  }
0x55: {  	_ =	shalt  }
0x56: {  	_ =	shalt  }
0x57: {  	_ =	shalt  }
0x58: {  	_ =	shalt  }
0x59: {  	_ =	shalt  }
0x5a: {  	_ =	shalt  }
0x5b: {  	_ =	shalt  }
0x5c: {  	_ =	shalt  }
0x5d: {  	_ =	shalt  }
0x5e: {  	_ =	shalt  }
0x5f: {  	_ =	shalt  }
0x60: {  	_ =	shalt  }
0x61: {  	_ =	shalt  }
0x62: {  	_ =	shalt  }
0x63: {  	_ =	shalt  }
0x64: {  	_ =	shalt  }
0x65: {  	_ =	shalt  }
0x66: {  	_ =	shalt  }
0x67: {  	_ =	shalt  }
0x68: {  	_ =	shalt  }
0x69: {  	_ =	shalt  }
0x6a: {  	_ =	shalt  }
0x6b: {  	_ =	shalt  }
0x6c: {  	_ =	shalt  }
0x6d: {  	_ =	shalt  }
0x6e: {  	_ =	shalt  }
0x6f: {  	_ =	shalt  }
0x70: {  	_ =	shalt  }
0x71: {  	_ =	shalt  }
0x72: {  	_ =	shalt  }
0x73: {  	_ =	shalt  }
0x74: {  	_ =	shalt  }
0x75: {  	_ =	shalt  }
0x76: {  	_ =	shalt  }
0x77: {  	_ =	shalt  }
0x78: {  	_ =	shalt  }
0x79: {  	_ =	shalt  }
0x7a: {  	_ =	shalt  }
0x7b: {  	_ =	shalt  }
0x7c: {  	_ =	shalt  }
0x7d: {  	_ =	shalt  }
0x7e: {  	_ =	shalt  }
0x7f: {  	_ =	shalt  }
0x80: {  	_ =	shalt  }
0x81: {  	_ =	shalt  }
0x82: {  	_ =	shalt  }
0x83: {  	_ =	shalt  }
0x84: {  	_ =	shalt  }
0x85: {  	_ =	shalt  }
0x86: {  	_ =	shalt  }
0x87: {  	_ =	shalt  }
.Lfunc_end0:
.L_simem_size_0:
called_computation_lowered:
.L_overlay_start_0:
0x88: {  	s2 =	sld [smem:$0x3FD9]  }
0x89: {  	s3 =	sld [smem:$0x3FFE];
	_ =	sdelay $0x1  }
0x8a: {  	s1 =	srdreg.scid  }
0x8b: {  	s0 =	sand.u32 $0x1, s1  }
0x8c: {  	s17 =	sshll.u32 s0, $0xA;
	s2 =	sadd.s32 s3, s2  }
0x8d: {  	s2 =	sadd.s32 s2, s17  }
0x8e: {  	[smem:$0x3FC0] =	sst s2  }
0x8f: {  	_ = 	snop  }
0x90: {  	s2 =	sld [smem:$0x3FD0];
	(tm) =	ssettm $0x1  }
0x91: {  	s18 =	sld [smem:$0x3FFB];
	_ =	sdelay $0x3  }
0x92: {  	_ =	strace s18  }
0x93: {  	s3 =	sld [smem:$0x3FFC];
	_ =	sdelay $0x3  }
0x94: {  	_ =	strace s3  }
0x95: {  	s3 =	sld [smem:$0x3FFD];
	_ =	sdelay $0x3  }
0x96: {  	_ =	strace s3  }
0x97: {  	_ =	strace $0x8FFFFFFF  }
0x98: {  	s19 =	sld [smem:$0x3FDB];
	_ =	sdelay $0x1  }
0x99: {  	s4 =	simm.s32 $_scs_section_size  }
0x9a: {  	s5 =	simm.s32 $_size__tile_overlayer_lowered;
	s6 =	simm.s32 $_tile_overlayer_lowered  }
0x9b: {  	s22 =	simm.s32 $0x1BFF;
	s21 =	sshll.u32 s6, $0x1;
	s3 =	sadd.s32 s4, s19  }
0x9c: {  	s7 =	simm.s32 $0x0;
	s20 =	sshll.u32 s5, $0x1;
	s5 =	sadd.s32 s21, s3  }
0x9d: {  	[timem:s7], [sflag:s22] =	dma.local [hbm:s5], s20  }
0x9e: {  	_ =	swait.ge [sflag:s22], s20  }
0x9f: {  	s4 =	ssub.s32 $0x0, s20;
	[sflag:s22] =	ssyncset.done $0x0  }
0xa0: {  	[sflag:s22] =	ssyncadd.s32 s4;
	_ =	sdelay $0x1  }
0xa1: {  	s23 =	simm.s32 $0x1B8B  }
0xa2: {  	_ =	swait.ge [sflag:s23], $0x1  }
0xa3: {  	[sflag:s23] =	ssyncset.done $0x0  }
0xa4: {  	s25 =	simm.s32 $0x1B8E;
	s24 =	sld [smem:$0x3FFE];
	[sflag:s23] =	ssyncadd.s32 $0xFFFFFFFF  }
0xa5: {  	s26 =	simm.s32 $execute0_lowered;
	[smem:$0x3FD2] =	sst s25  }
0xa6: {  	s5 =	sshll.u32 s26, $0x1;
	_ =	strace $0x80000046;
	[dreg:$0x1] =	wrdreg $0xFFFFFFFF  }
0xa7: {  	s28 =	simm.s32 $_size_execute0_lowered;
	s3 =	sadd.s32 s3, s5;
	[dreg:$0x0] =	wrdreg $0x0  }
0xa8: {  	s5 =	sshll.u32 s28, $0x1;
	[dreg:$0x2] =	wrdreg s3  }
0xa9: {  	[dreg:$0x3] =	wrdreg s5  }
0xaa: {  	[dreg:$0x4] =	wrdreg $0xC0  }
0xab: {  	_ =	task [dreg:s7], $0x5FFFF  }
0xac: {  	[dreg:$0x1] =	wrdreg $0xFFFFFFFF  }
0xad: {  	[dreg:$0x0] =	wrdreg $0x60  }
0xae: {  	[dreg:$0x2] =	wrdreg s24  }
0xaf: {  	[dreg:$0x3] =	wrdreg s2  }
0xb0: {  	[dreg:$0x4] =	wrdreg $0x0  }
0xb1: {  	[dreg:$0x5] =	wrdreg $0x9  }
0xb2: {  	_ =	task.clear_ibuf [dreg:s7], $0x6FFFF;
	_ =	strace $0x90000046  }
0xb3: {  	s29 =	simm.s32 $0x9;
	_ =	strace $0x80000048  }
0xb4: {  	_ =	swait.ge [sflag:s29], $0x1  }
0xb5: {  	[sflag:s29] =	ssyncadd.s32 $0xFFFFFFFF  }
0xb6: {  	_ =	strace $0x90000048  }
0xb7: {  	_ =	sfence  }
0xb8: {  	s30 =	sld [smem:$0x0];
	_ =	sdelay $0x2  }
0xb9: {  	s31 =	sshll.u32 s1, $0xD;
	s1 =	sshrl.u32 s1, $0x2  }
0xba: {  	s3 =	sand.u32 $0x4000, s31;
	s1 =	sadd.s32 s1, s30  }
0xbb: {  	s0 =	sor.u32 s3, s0;
	s1 =	sshll.u32 s1, $0x11  }
0xbc: {  	s0 =	sor.u32 s1, s0  }
0xbd: {  	s0 =	sadd.s32 $0x8F2B, s0  }
0xbe: {  	[sflag:s0] =	ssyncadd.remote.s32 $0x1  }
0xbf: {  	_ =	sfence.sel $0xFFFF  }
0xc0: {  	[dreg:$0x0] =	wrdreg $0xFFFFFFFF;
	(pc) =	sbr.abs _section_cstart, $3  }
0xc1: {  	[dreg:$0x1] =	wrdreg $0xFFFFFFFF  }
0xc2: {  	_ =	task.clear_ibuf [dreg:s7], $0x2FFFF;
	_ =	strace $0x9FFFFFFF  }
0xc3: {  	(tm) =	ssettm $0x7FFFFFFF  }
tec
execute0_lowered:
.L_overlay_start_1:
0x0: {  	(tag) =	ssettag $0x1  }
0x1: {  	s6 =	rddreg [dreg:$0x0]  }
0x2: {  	s1 =	rddreg [dreg:$0x1]  }
0x3: {  	s3 =	rddreg [dreg:$0x2]  }
0x4: {  	s0 =	rddreg [dreg:$0x3];
	s4 =	simm.s32 $0x0;
	s5 =	srdreg.scid  }
0x5: {  	s2 =	stileid.u32;
	s18 =	simm.s32 $0x4E20;
	s19 =	simm.s32 $0x7530  }
0x6: {  	s20 =	simm.s32 $0x50;
	s21 =	simm.s32 $0x0;
	[smem:$0x7FF] =	sst s4  }
0x7: {  	s7 =	sand.u32 $0x1, s5;
	s28 =	sshll.u32 s2, $0x1;
	s5 =	sadd.s32 $0x16200, s6  }
0x8: {  	s11 =	sadd.s32 $0x16800, s6;
	s12 =	smul.u32 $0x2700, s2;
	s29 =	sshll.u32 s2, $0x6  }
0x9: {  	s16 =	sadd.s32 $0x27000, s3;
	p0 =	sne.s32 s2, $0xF;
	_ =	strace $0x80000047  }
0xa: {  	s8 =	sor.u32 s7, s28;
	s9 =	ssub.s32 $0x2, s7;
	s30 =	smul.u32 $0x27100, s7  }
0xb: {  	s16 =	sshrl.u32 @!p0 s16, $0x3;
	s8 =	smul.u32 $0x4E2, s8;
	s10 =	sshrl.u32 s9, $0x1  }
0xc: {  	s15 =	sadd.s32 s12, s3;
	s14 =	ssub.s32 s9, s10;
	s12 =	sadd.s32 s12, s30  }
0xd: {  	s17 =	sshrl.u32 s30, $0x3;
	s13 =	sadd.s32 s8, s6;
	s6 =	sor.u32 $0x1C01, s29  }
0xe: {  	s12 =	sshrl.u32 s12, $0x3;
	s31 =	sadd.s32 s11, s17;
	s17 =	simm.s32 $0x2710  }
0xf: {  	s7 =	sadd.s32 $0xC400, s13;
	s8 =	sadd.s32 $0x2600, s13;
	s9 =	sadd.s32 $0x20600, s13  }
0x10: {  	s10 =	sadd.s32 $0x2A400, s13;
	s11 =	sadd.s32 s11, s12;
	s12 =	sadd.s32 $0x4E00, s31  }
0x11: {  	s13 =	smax.u32 s14, $0x1;
	s14 =	sshrl.u32 s15, $0x3;
	s15 =	simm.s32 $0x1  }
.LBB2_1:
0x12: {  	[spmem:s14], [sflag:s6] =	dma.local [hbm:s5], $0x4E0  }
0x13: {  	_ =	swait.ge [sflag:s15], $0x4E0  }
0x14: {  	[sflag:s15] =	ssyncset.done $0x0  }
0x15: {  	s22 =	simm.s32 @!p0 $0x1;
	[sflag:s15] =	ssyncadd.s32 $0xFFFFFB20  }
0x16: {  	[spmem:s16], [sflag:s6] =	dma.local @!p0 [hbm:s5], $0x20  }
0x17: {  	_ =	swait.ge @!p0 [sflag:s22], $0x20  }
0x18: {  	[sflag:s22] =	ssyncset.done @!p0 $0x0  }
0x19: {  	[sflag:s22] =	ssyncadd.s32 @!p0 $0xFFFFFFE0  }
0x1a: {  	[tilespmem:s17], [sflag:$0x1] =	stream.linear.gather [hbm4b:s7+s4], $0x2710, $0x38;
	[tilespmem:$0x7A30] =	vst v63  }
0x1b: {  	_ =	swait.ge [sflag:s15], $0x2710  }
0x1c: {  	[sflag:s15] =	ssyncset.done $0x0  }
0x1d: {  	[sflag:s15] =	ssyncadd.s32 $0xFFFFD8F0  }
0x1e: {  	[tilespmem:s18], [sflag:$0x1] =	stream.linear.gather [hbm4b:s8+s4], $0x2710, $0x38;
	[tilespmem:$0x7A30] =	vst v63  }
0x1f: {  	_ =	swait.ge [sflag:s15], $0x2710  }
0x20: {  	[sflag:s15] =	ssyncset.done $0x0  }
0x21: {  	[sflag:s15] =	ssyncadd.s32 $0xFFFFD8F0  }
0x22: {  	[hbm4b:s9+s4] =	stream.linear.scatter [tilespmem:s17], [sflag:$0x1], $0x2710, $0x38;
	[tilespmem:$0x7A30] =	vst v63  }
0x23: {  	_ =	swait.ge [sflag:s15], $0x2710  }
0x24: {  	[sflag:s15] =	ssyncset.done $0x0  }
0x25: {  	[sflag:s15] =	ssyncadd.s32 $0xFFFFD8F0  }
0x26: {  	[hbm4b:s10+s4] =	stream.linear.scatter [tilespmem:s18], [sflag:$0x1], $0x2710, $0x38;
	[tilespmem:$0x7A30] =	vst v63  }
0x27: {  	_ =	swait.ge [sflag:s15], $0x2710  }
0x28: {  	[sflag:s15] =	ssyncset.done $0x0  }
0x29: {  	[sflag:s15] =	ssyncadd.s32 $0xFFFFD8F0  }
0x2a: {  	[tilespmem:s19], [sflag:$0x1] =	stream.linear.gather [hbm4b:s1+s4], $0x500, $0x38;
	[tilespmem:$0x7A30] =	vst v63  }
0x2b: {  	_ =	swait.ge [sflag:s15], $0x500  }
0x2c: {  	[sflag:s15] =	ssyncset.done $0x0  }
0x2d: {  	[sflag:s15] =	ssyncadd.s32 $0xFFFFFB00  }
0x2e: {  	s31 =	simm.s32 $0x4E20;
	[bflag:$0x0] =	sbarrier.arrive $0xFFFF  }
0x2f: {  	[spmem:s3] =	stream.indirect.scatter.add.f32 [tilespmem:s19], [sflag:$0x1], $0x10, s31, s20, $0xb8;
	[tilespmem:$0x7A30] =	vst v63  }
0x30: {  	s22 =	simm.s32 $0x140;
	_ =	swait.ge [sflag:s15], $0x500  }
.LBB2_2:
0x31: {  	s23 =	sshra.s32 s22, $0x2;
	[sflag:s15] =	ssyncset.done $0x0;
	p1 =	sne.s32 s22, $0x9B00  }
.Ltmp0:
0x32: {  	s23 =	sadd.s32 $0x4E20, s23;
	[sflag:s15] =	ssyncadd.s32 $0xFFFFFB00;
	(pc) =	sbr.rel @p1 .LBB2_2-.Ltmp0, $3  }
0x33: {  	[spmem:s3] =	stream.indirect.scatter.add.f32 [tilespmem:s19], [sflag:$0x1], $0x10, s23, s20, $0xb8;
	[tilespmem:$0x7A30] =	vst v63  }
0x34: {  	s22 =	sadd.s32 $0x140, s22;
	_ =	sdelay $0x1  }
0x35: {  	_ =	swait.ge [sflag:s15], $0x500  }
0x36: {  	[sflag:s15] =	ssyncset.done $0x0  }
0x37: {  	[sflag:s15] =	ssyncadd.s32 $0xFFFFFB00  }
0x38: {  	[bflag:$0x0] =	sbarrier.arrive $0xFFFF  }
0x39: {  	[hbm:s11], [sflag:s6] =	dma.local [spmem:s14], $0x4E0  }
0x3a: {  	s21 =	sadd.s32 $0x1, s21;
	_ =	swait.ge [sflag:s15], $0x4E0  }
0x3b: {  	p1 =	sne.s32 s21, s13;
	[sflag:s15] =	ssyncset.done $0x0  }
.Ltmp1:
0x3c: {  	s22 =	simm.s32 @!p0 $0x1;
	[sflag:s15] =	ssyncadd.s32 $0xFFFFFB20;
	(pc) =	sbr.rel @p1 .LBB2_1-.Ltmp1, $4  }
0x3d: {  	[hbm:s12], [sflag:s6] =	dma.local @!p0 [spmem:s16], $0x20  }
0x3e: {  	_ =	swait.ge @!p0 [sflag:s22], $0x20  }
0x3f: {  	[sflag:s22] =	ssyncset.done @!p0 $0x0  }
0x40: {  	[sflag:s22] =	ssyncadd.s32 @!p0 $0xFFFFFFE0  }
0x41: {  	_ =	sfence.sel $0x180000  }
0x42: {  	[bflag:$0x0] =	sbarrier.arrive $0xFFFF  }
0x43: {  	p0 =	sne.s32 s2, $0x0;
	_ =	strace $0x90000047  }
0x44: {  	s0 =	sadd.s32 @!p0 $0x100000, s0;
	[bflag:$0x2] =	sbarrier.arrive $0xFFFF  }
0x45: {  	[sflag:s0] =	ssyncadd.tile.s32 @!p0 $0x1;
	_ =	shalt  }
.Lfunc_end2:
_tile_overlayer_lowered:
.L_overlay_start_2:
0x46: {  	(tag) =	ssettag $0x2  }
0x47: {  	s0 =	rddreg [dreg:$0x0];
	s2 =	stileid.u32  }
0x48: {  	s1 =	rddreg [dreg:$0x1];
	p0 =	sne.s32 s2, $0x0  }
0x49: {  	s3 =	rddreg [dreg:$0x2];
	[bflag:$0x3] =	sbarrier.arrive $0xFFFF;
	s2 =	simm.s32 @!p0 $0x1C01  }
0x4a: {  	[timem:s3], [sflag:s2] =	dma.local @!p0 [hbm:s0], s1  }
0x4b: {  	s0 =	simm.s32 @!p0 $0x1  }
0x4c: {  	_ =	swait.ge @!p0 [sflag:s0], s1  }
0x4d: {  	s1 =	ssub.s32 @!p0 $0x0, s1;
	[sflag:s0] =	ssyncset.done @!p0 $0x0  }
0x4e: {  	[sflag:s0] =	ssyncadd.s32 @!p0 s1  }
0x4f: {  	[bflag:$0x3] =	sbarrier.arrive $0xFFFF  }
0x50: {  	_ =	shalt  }

// kernel: kernel.13.cloned.1.call-start
scs
__scs_entry_jumppad:
0x0: {  	(pc) =	sbr.rel $0x88, $3  }
0x1: {  	(tag) =	ssettag $0x0;
	lr =	simm.s32 $0x1  }
0x2: {  	[smem:$0x3F99] =	sst lr;
	_ =	strace $0xD0000000  }
0x3: {  	_ = 	snop  }
0x4: {  	_ = 	snop  }
0x5: {  	_ = 	snop  }
0x6: {  	_ = 	snop  }
0x7: {  	_ = 	snop  }
__scs_overlays_trampoline_lowered:
0x8: {  	[smem:$0x3FA8] =	sst s0  }
0x9: {  	[smem:$0x3FA9] =	sst s1  }
0xa: {  	[smem:$0x3FAA] =	sst s2  }
0xb: {  	[smem:$0x3FAB] =	sst s3  }
0xc: {  	[smem:$0x3FAC] =	sst s4  }
0xd: {  	[smem:$0x3FAD] =	sst s5  }
0xe: {  	[smem:$0x3FAE] =	sst s6  }
0xf: {  	[smem:$0x3FAF] =	sst s7  }
0x10: {  	[smem:$0x3FB0] =	sst s8  }
0x11: {  	[smem:$0x3FB1] =	sst s9;
	s0 =	simm.s32 @!p0 $0x0  }
0x12: {  	s1 =	sld [smem:$0x3F97];
	s0 =	simm.s32 @p0 $0x1  }
0x13: {  	[smem:$0x3FB2] =	sst s0;
	s0 =	simm.s32 @!p1 $0x0  }
0x14: {  	s2 =	sld [smem:$0x3F96];
	s0 =	simm.s32 @p1 $0x1  }
0x15: {  	[smem:$0x3FB3] =	sst s0;
	s0 =	simm.s32 @!p2 $0x0  }
0x16: {  	s3 =	sld [smem:$0x3FDB];
	s0 =	simm.s32 @p2 $0x1  }
0x17: {  	s4 =	simm.s32 $0x1BF5;
	[smem:$0x3FB5] =	sst s0  }
0x18: {  	s0 =	sld [smem:$0x3F98];
	_ =	swait.ge [sflag:s4], $0x0  }
0x19: {  	s7 =	sld [smem:$0x3F99]  }
0x1a: {  	s8 =	sadd.s32 $0xFFFFE003, lr  }
0x1b: {  	s9 =	sadd.s32 $0xFFFFFEF7, lr;
	s5 =	simm.s32 $0xFFFFFFFF;
	p2 =	slt.u32 s8, $0xFFFFF086  }
0x1c: {  	p1 =	slt.u32 s9, $0xF7A;
	s5 =	simm.s32 @!p2 $0x0  }
0x1d: {  	s5 =	simm.s32 @p1 $0x1;
	p0 =	seq.s32 s7, s2  }
0x1e: {  	s7 =	smul.u32 @!p0 $0xF7A, s2;
	p2 =	seq.s32 @!p0 s5, $0x0  }
0x1f: {  	s9 =	smul.u32 $0xF7A, s1;
	s8 =	simm.s32 @!p0 $0x1BF5;
	p2 =	por !p2, p0  }
0x20: {  	[sflag:s8] =	ssyncset.s32 @!p0 $0xFFFFF086;
	s6 =	sadd.s32 @!p0 s3, s7;
	s7 =	simm.s32 @!p0 $0x108  }
0x21: {  	s3 =	sadd.s32 s3, s9;
	s6 =	sadd.s32 @!p0 $0x88, s6;
	s7 =	simm.s32 @p2 $0x1082  }
0x22: {  	[simem:s7], [sflag:s8] =	dma.local @!p0 [hbm:s6], $0xF7A  }
0x23: {  	s9 =	sor.u32 $0xD0000000, s2;
	s6 =	simm.s32 $0x108;
	_ =	swait.ge @!p0 [sflag:s8], $0x0  }
0x24: {  	s3 =	sadd.s32 $0x88, s3;
	s6 =	simm.s32 @!p1 $0x1082;
	[sflag:s4] =	ssyncset.s32 $0xFFFFF086  }
0x25: {  	[simem:s6], [sflag:s4] =	dma.local [hbm:s3], $0xF7A  }
0x26: {  	[smem:$0x3F99] =	sst s1;
	(tag) =	ssettag s2;
	_ =	strace s9  }
0x27: {  	s1 =	sld [smem:$0x3FA9]  }
0x28: {  	s2 =	sld [smem:$0x3FAA]  }
0x29: {  	s4 =	sld [smem:$0x3FAC]  }
0x2a: {  	p0 =	seq.s32 s5, $0x0;
	s5 =	sld [smem:$0x3FAD]  }
0x2b: {  	s6 =	sld [smem:$0x3FAE]  }
0x2c: {  	s7 =	sld [smem:$0x3FAF]  }
0x2d: {  	s3 =	simm.s32 $0x108;
	s8 =	sld [smem:$0x3FB0]  }
0x2e: {  	s3 =	simm.s32 @!p0 $0x1082;
	s9 =	sld [smem:$0x3FB1]  }
0x2f: {  	lr =	sadd.s32 s0, s3;
	s0 =	sld [smem:$0x3FA8]  }
0x30: {  	s3 =	sld [smem:$0x3FAB]  }
0x31: {  	[smem:$0x3FB4] =	sst s10  }
0x32: {  	s10 =	sld [smem:$0x3FB2];
	_ =	sdelay $0x3  }
0x33: {  	p0 =	seq.s32 s10, $0x1;
	s10 =	sld [smem:$0x3FB4];
	_ =	sdelay $0x3  }
0x34: {  	[smem:$0x3FB4] =	sst s10  }
0x35: {  	s10 =	sld [smem:$0x3FB3];
	_ =	sdelay $0x3  }
0x36: {  	p1 =	seq.s32 s10, $0x1;
	s10 =	sld [smem:$0x3FB4];
	_ =	sdelay $0x3  }
0x37: {  	[smem:$0x3FB4] =	sst s10  }
0x38: {  	s10 =	sld [smem:$0x3FB5]  }
0x39: {  	_ = 	snop;
	(pc) =	sbr.ind lr, $3  }
0x3a: {  	_ = 	snop  }
0x3b: {  	_ = 	snop  }
0x3c: {  	p2 =	seq.s32 s10, $0x1;
	s10 =	sld [smem:$0x3FB4]  }
0x3d: {  	_ =	shalt  }
0x3e: {  	_ =	shalt  }
0x3f: {  	_ =	shalt  }
0x40: {  	_ =	shalt  }
0x41: {  	_ =	shalt  }
0x42: {  	_ =	shalt  }
0x43: {  	_ =	shalt  }
0x44: {  	_ =	shalt  }
0x45: {  	_ =	shalt  }
0x46: {  	_ =	shalt  }
0x47: {  	_ =	shalt  }
0x48: {  	_ =	shalt  }
0x49: {  	_ =	shalt  }
0x4a: {  	_ =	shalt  }
0x4b: {  	_ =	shalt  }
0x4c: {  	_ =	shalt  }
0x4d: {  	_ =	shalt  }
0x4e: {  	_ =	shalt  }
0x4f: {  	_ =	shalt  }
0x50: {  	_ =	shalt  }
0x51: {  	_ =	shalt  }
0x52: {  	_ =	shalt  }
0x53: {  	_ =	shalt  }
0x54: {  	_ =	shalt  }
0x55: {  	_ =	shalt  }
0x56: {  	_ =	shalt  }
0x57: {  	_ =	shalt  }
0x58: {  	_ =	shalt  }
0x59: {  	_ =	shalt  }
0x5a: {  	_ =	shalt  }
0x5b: {  	_ =	shalt  }
0x5c: {  	_ =	shalt  }
0x5d: {  	_ =	shalt  }
0x5e: {  	_ =	shalt  }
0x5f: {  	_ =	shalt  }
0x60: {  	_ =	shalt  }
0x61: {  	_ =	shalt  }
0x62: {  	_ =	shalt  }
0x63: {  	_ =	shalt  }
0x64: {  	_ =	shalt  }
0x65: {  	_ =	shalt  }
0x66: {  	_ =	shalt  }
0x67: {  	_ =	shalt  }
0x68: {  	_ =	shalt  }
0x69: {  	_ =	shalt  }
0x6a: {  	_ =	shalt  }
0x6b: {  	_ =	shalt  }
0x6c: {  	_ =	shalt  }
0x6d: {  	_ =	shalt  }
0x6e: {  	_ =	shalt  }
0x6f: {  	_ =	shalt  }
0x70: {  	_ =	shalt  }
0x71: {  	_ =	shalt  }
0x72: {  	_ =	shalt  }
0x73: {  	_ =	shalt  }
0x74: {  	_ =	shalt  }
0x75: {  	_ =	shalt  }
0x76: {  	_ =	shalt  }
0x77: {  	_ =	shalt  }
0x78: {  	_ =	shalt  }
0x79: {  	_ =	shalt  }
0x7a: {  	_ =	shalt  }
0x7b: {  	_ =	shalt  }
0x7c: {  	_ =	shalt  }
0x7d: {  	_ =	shalt  }
0x7e: {  	_ =	shalt  }
0x7f: {  	_ =	shalt  }
0x80: {  	_ =	shalt  }
0x81: {  	_ =	shalt  }
0x82: {  	_ =	shalt  }
0x83: {  	_ =	shalt  }
0x84: {  	_ =	shalt  }
0x85: {  	_ =	shalt  }
0x86: {  	_ =	shalt  }
0x87: {  	_ =	shalt  }
.Lfunc_end0:
.L_simem_size_0:
called_computation.1_lowered:
.L_overlay_start_0:
0x88: {  	s2 =	sld [smem:$0x3FD9]  }
0x89: {  	s3 =	sld [smem:$0x3FFE];
	_ =	sdelay $0x1  }
0x8a: {  	s1 =	srdreg.scid  }
0x8b: {  	s0 =	sand.u32 $0x1, s1  }
0x8c: {  	s16 =	sshll.u32 s0, $0xA;
	s2 =	sadd.s32 s3, s2  }
0x8d: {  	s2 =	sadd.s32 s2, s16  }
0x8e: {  	[smem:$0x3FC0] =	sst s2  }
0x8f: {  	_ = 	snop  }
0x90: {  	(tm) =	ssettm $0x1  }
0x91: {  	s17 =	sld [smem:$0x3FFB];
	_ =	sdelay $0x3  }
0x92: {  	_ =	strace s17  }
0x93: {  	s2 =	sld [smem:$0x3FFC];
	_ =	sdelay $0x3  }
0x94: {  	_ =	strace s2  }
0x95: {  	s2 =	sld [smem:$0x3FFD];
	_ =	sdelay $0x3  }
0x96: {  	_ =	strace s2  }
0x97: {  	_ =	strace $0x8FFFFFFF  }
0x98: {  	s18 =	sld [smem:$0x3FDB];
	_ =	sdelay $0x1  }
0x99: {  	s19 =	simm.s32 $_scs_section_size  }
0x9a: {  	s4 =	simm.s32 $_size__tile_overlayer_lowered;
	s5 =	simm.s32 $_tile_overlayer_lowered  }
0x9b: {  	s22 =	simm.s32 $0x1BFF;
	s21 =	sshll.u32 s5, $0x1;
	s2 =	sadd.s32 s19, s18  }
0x9c: {  	s6 =	simm.s32 $0x0;
	s20 =	sshll.u32 s4, $0x1;
	s4 =	sadd.s32 s21, s2  }
0x9d: {  	[timem:s6], [sflag:s22] =	dma.local [hbm:s4], s20  }
0x9e: {  	_ =	swait.ge [sflag:s22], s20  }
0x9f: {  	s3 =	ssub.s32 $0x0, s20;
	[sflag:s22] =	ssyncset.done $0x0  }
0xa0: {  	[sflag:s22] =	ssyncadd.s32 s3;
	_ =	sdelay $0x1  }
0xa1: {  	s23 =	simm.s32 $0x1B8B  }
0xa2: {  	_ =	swait.ge [sflag:s23], $0x1  }
0xa3: {  	[sflag:s23] =	ssyncset.done $0x0  }
0xa4: {  	s25 =	simm.s32 $0x1B8E;
	s24 =	sld [smem:$0x3FFE];
	[sflag:s23] =	ssyncadd.s32 $0xFFFFFFFF  }
0xa5: {  	s26 =	simm.s32 $execute0_lowered;
	[smem:$0x3FD2] =	sst s25  }
0xa6: {  	s4 =	sshll.u32 s26, $0x1;
	_ =	strace $0x80000049;
	[dreg:$0x1] =	wrdreg $0xFFFFFFFF  }
0xa7: {  	s28 =	simm.s32 $_size_execute0_lowered;
	s2 =	sadd.s32 s2, s4;
	[dreg:$0x0] =	wrdreg $0x0  }
0xa8: {  	s4 =	sshll.u32 s28, $0x1;
	[dreg:$0x2] =	wrdreg s2  }
0xa9: {  	[dreg:$0x3] =	wrdreg s4  }
0xaa: {  	[dreg:$0x4] =	wrdreg $0xC0  }
0xab: {  	_ =	task [dreg:s6], $0x5FFFF  }
0xac: {  	[dreg:$0x1] =	wrdreg $0xFFFFFFFF  }
0xad: {  	[dreg:$0x0] =	wrdreg $0x60  }
0xae: {  	[dreg:$0x2] =	wrdreg s24  }
0xaf: {  	[dreg:$0x3] =	wrdreg $0x0  }
0xb0: {  	[dreg:$0x4] =	wrdreg $0x9C400  }
0xb1: {  	[dreg:$0x5] =	wrdreg $0x9  }
0xb2: {  	_ =	task.clear_ibuf [dreg:s6], $0x6FFFF;
	_ =	strace $0x90000049  }
0xb3: {  	s29 =	simm.s32 $0x9;
	_ =	strace $0x8000004B  }
0xb4: {  	_ =	swait.ge [sflag:s29], $0x1  }
0xb5: {  	[sflag:s29] =	ssyncadd.s32 $0xFFFFFFFF  }
0xb6: {  	_ =	strace $0x9000004B  }
0xb7: {  	_ =	sfence  }
0xb8: {  	s30 =	sld [smem:$0x0];
	_ =	sdelay $0x2  }
0xb9: {  	s31 =	sshll.u32 s1, $0xD;
	s1 =	sshrl.u32 s1, $0x2  }
0xba: {  	s3 =	sand.u32 $0x4000, s31;
	s1 =	sadd.s32 s1, s30  }
0xbb: {  	s0 =	sor.u32 s3, s0;
	s1 =	sshll.u32 s1, $0x11  }
0xbc: {  	s0 =	sor.u32 s1, s0  }
0xbd: {  	s0 =	sadd.s32 $0x8F2B, s0  }
0xbe: {  	[sflag:s0] =	ssyncadd.remote.s32 $0x1  }
0xbf: {  	_ =	sfence.sel $0xFFFF  }
0xc0: {  	[dreg:$0x0] =	wrdreg $0xFFFFFFFF;
	(pc) =	sbr.abs _section_cstart, $3  }
0xc1: {  	[dreg:$0x1] =	wrdreg $0xFFFFFFFF  }
0xc2: {  	_ =	task.clear_ibuf [dreg:s6], $0x2FFFF;
	_ =	strace $0x9FFFFFFF  }
0xc3: {  	(tm) =	ssettm $0x7FFFFFFF  }
tec
execute0_lowered:
.L_overlay_start_1:
0x0: {  	(tag) =	ssettag $0x1  }
0x1: {  	s0 =	rddreg [dreg:$0x0]  }
0x2: {  	s1 =	rddreg [dreg:$0x1]  }
0x3: {  	s3 =	rddreg [dreg:$0x2]  }
0x4: {  	s12 =	stileid.u32;
	s2 =	srdreg.scid  }
0x5: {  	s6 =	simm.s32 $0x0;
	s28 =	simm.s32 $0x19AA0;
	s29 =	simm.s32 $0x1  }
0x6: {  	s30 =	simm.s32 $0x0;
	s4 =	smul.u32 $0x9C00, s12;
	s2 =	sand.u32 $0x1, s2  }
0x7: {  	s5 =	sshll.u32 s12, $0x1;
	[smem:$0x7FF] =	sst s6;
	s10 =	sadd.s32 $0x6EE00, s0  }
0x8: {  	s11 =	sadd.s32 $0x47C00, s0;
	s22 =	sadd.s32 $0x9C000, s1;
	s23 =	sadd.s32 $0x9C000, s3  }
0x9: {  	s24 =	sadd.s32 $0x47A00, s0;
	_ =	strace $0x8000004A;
	[dreg:$0x7] =	wrdreg s22  }
0xa: {  	p0 =	sne.s32 s12, $0xF;
	s5 =	sor.u32 s2, s5;
	[dreg:$0x8] =	wrdreg s23  }
0xb: {  	s7 =	ssub.s32 $0x2, s2;
	s2 =	smul.u32 $0x9C400, s2;
	[dreg:$0x9] =	wrdreg s24  }
0xc: {  	s22 =	simm.s32 $0x2;
	s23 =	simm.s32 $0x15F90;
	s24 =	simm.s32 $0x50  }
0xd: {  	s20 =	sshrl.u32 s4, $0x3;
	s5 =	smul.u32 $0x4E2, s5;
	s9 =	sshrl.u32 s7, $0x1  }
0xe: {  	s6 =	sadd.s32 s20, s0;
	s7 =	ssub.s32 s7, s9;
	s9 =	sadd.s32 s4, s3  }
0xf: {  	s8 =	sadd.s32 s5, s0;
	s5 =	sadd.s32 $0x16800, s0;
	s13 =	sadd.s32 $0x34200, s6  }
0x10: {  	s15 =	sadd.s32 $0x2600, s6;
	s0 =	sadd.s32 $0x15E00, s0;
	s20 =	smax.u32 s7, $0x1  }
0x11: {  	s21 =	sadd.s32 $0x20600, s8;
	s8 =	sadd.s32 $0x2A400, s8;
	[dreg:$0x6] =	wrdreg s13  }
0x12: {  	[dreg:$0x5] =	wrdreg s8;
	s8 =	sadd.s32 s4, s1;
	s4 =	sadd.s32 s4, s2  }
0x13: {  	[dreg:$0xc] =	wrdreg s0;
	s2 =	sshrl.u32 s2, $0x3;
	s4 =	sshrl.u32 s4, $0x3  }
0x14: {  	[dreg:$0x4] =	wrdreg s21;
	s2 =	sadd.s32 $0x13800, s2;
	s25 =	sadd.s32 s10, s4  }
0x15: {  	s21 =	simm.s32 $0x13880;
	s26 =	sadd.s32 s10, s2;
	[dreg:$0xa] =	wrdreg s25  }
0x16: {  	s31 =	sadd.s32 s11, s4;
	s19 =	sadd.s32 s11, s2;
	[dreg:$0xb] =	wrdreg s26  }
0x17: {  	[dreg:$0xd] =	wrdreg s31;
	s25 =	simm.s32 $0x186A0;
	s26 =	simm.s32 $0x138D0  }
.LBB2_1:
0x18: {  	s0 =	simm.s32 $0x0;
	s2 =	rddreg [dreg:$0x4]  }
0x19: {  	[tilespmem:s21], [sflag:$0x2] =	stream.linear.gather [hbm4b:s2+s0], $0x2710, $0x38;
	[tilespmem:$0x1C2A0] =	vst v63  }
0x1a: {  	_ =	swait.ge [sflag:s22], $0x2710  }
0x1b: {  	[sflag:s22] =	ssyncset.done $0x0  }
0x1c: {  	s14 =	rddreg [dreg:$0x5];
	[sflag:s22] =	ssyncadd.s32 $0xFFFFD8F0  }
0x1d: {  	[tilespmem:s23], [sflag:$0x2] =	stream.linear.gather [hbm4b:s14+s0], $0x2710, $0x38;
	[tilespmem:$0x1C2A0] =	vst v63  }
0x1e: {  	s16 =	stileid.u32;
	_ =	swait.ge [sflag:s22], $0x2710  }
0x1f: {  	s0 =	sshll.u32 s16, $0x6;
	[sflag:s22] =	ssyncset.done $0x0  }
0x20: {  	s2 =	sshrl.u32 s8, $0x3;
	s31 =	sor.u32 $0x1C02, s0;
	[sflag:s22] =	ssyncadd.s32 $0xFFFFD8F0  }
0x21: {  	[spmem:s2], [sflag:s31] =	dma.local [hbm:s5], $0x1380  }
0x22: {  	_ =	swait.ge [sflag:s22], $0x1380  }
0x23: {  	[sflag:s22] =	ssyncset.done $0x0  }
0x24: {  	s17 =	sshrl.u32 s9, $0x3;
	s4 =	rddreg [dreg:$0x6];
	[sflag:s22] =	ssyncadd.s32 $0xFFFFEC80  }
0x25: {  	[spmem:s17], [sflag:s31] =	dma.local [hbm:s4], $0x1380  }
0x26: {  	_ =	swait.ge [sflag:s22], $0x1380  }
0x27: {  	[sflag:s22] =	ssyncset.done $0x0;
	s0 =	rddreg [dreg:$0x7]  }
0x28: {  	s6 =	simm.s32 @!p0 $0x2;
	[sflag:s22] =	ssyncadd.s32 $0xFFFFEC80;
	s0 =	sshrl.u32 @!p0 s0, $0x3  }
0x29: {  	[spmem:s0], [sflag:s31] =	dma.local @!p0 [hbm:s5], $0x80  }
0x2a: {  	_ =	swait.ge @!p0 [sflag:s6], $0x80  }
0x2b: {  	s18 =	simm.s32 $0x0;
	[sflag:s6] =	ssyncset.done @!p0 $0x0;
	s4 =	rddreg [dreg:$0x8]  }
0x2c: {  	s7 =	rddreg [dreg:$0x9];
	[sflag:s6] =	ssyncadd.s32 @!p0 $0xFFFFFF80;
	s4 =	sshrl.u32 @!p0 s4, $0x3  }
0x2d: {  	[spmem:s4], [sflag:s31] =	dma.local @!p0 [hbm:s7], $0x80  }
0x2e: {  	s7 =	smul.u32 $0xAB, s18;
	_ =	swait.ge @!p0 [sflag:s6], $0x80  }
0x2f: {  	[sflag:s6] =	ssyncset.done @!p0 $0x0  }
0x30: {  	p1 =	por $0x0, $0x0;
	s7 =	sshrl.u32 s7, $0x9;
	[sflag:s6] =	ssyncadd.s32 @!p0 $0xFFFFFF80  }
0x31: {  	s6 =	smul.u32 @!p1 $0xAB, s22;
	s7 =	sand.u32 $0x7F, s7;
	[bflag:$0x0] =	sbarrier.arrive $0xFFFF  }
0x32: {  	[tilespmem:s25], [sflag:$0x1] =	stream.indirect.gather [spmem:s3], $0x40, s21, s24, $0xb8;
	[tilespmem:$0x1C2A0] =	vst v63  }
0x33: {  	s7 =	smul.u32 $0x3, s7;
	s6 =	sshrl.u32 @!p1 s6, $0x9  }
0x34: {  	s6 =	sand.u32 @!p1 $0x7F, s6;
	p1 =	por p1, p1  }
0x35: {  	s10 =	simm.s32 $0x13920;
	s7 =	ssub.s32 $0x0, s7;
	s6 =	smul.u32 @!p1 $0x3, s6  }
0x36: {  	[tilespmem:s28], [sflag:$0x1] =	stream.indirect.gather [spmem:s3], $0x40, s26, s24, $0xb8;
	[tilespmem:$0x1C2A0] =	vst v63  }
0x37: {  	p2 =	por $0x0, $0x0;
	s7 =	sand.u32 $0xFF, s7;
	s6 =	ssub.s32 @!p1 $0x2, s6  }
0x38: {  	_ =	swait.ge [sflag:s29], $0x1400;
	s7 =	smul.u32 $0x5000, s7;
	s11 =	sand.u32 @!p1 $0xFF, s6  }
0x39: {  	s12 =	simm.s32 @!p1 $0x50;
	[sflag:s29] =	ssyncset.done $0x0;
	s11 =	smul.u32 @!p1 $0x5000, s11  }
0x3a: {  	s6 =	simm.s32 $0x3;
	[sflag:s29] =	ssyncadd.s32 $0xFFFFEC00;
	s7 =	sshrl.u32 s7, $0x2  }
0x3b: {  	s16 =	smul.u32 @!p2 $0xAB, s6;
	s13 =	sshrl.u32 @!p1 s11, $0x2;
	s11 =	simm.s32 $0x1  }
0x3c: {  	s7 =	sadd.s32 $0x186A0, s7;
	s13 =	sadd.s32 @!p1 $0x186A0, s13;
	s14 =	smul.u32 $0xAB, s11  }
0x3d: {  	[tilespmem:s13], [sflag:$0x1] =	stream.indirect.gather @!p1 [spmem:s3], $0x40, s10, s12, $0xb8;
	[tilespmem:$0x1C2A0] =	vst v63  }
0x3e: {  	s12 =	simm.s32 $0x4;
	s10 =	simm.s32 $0x13970;
	s13 =	sshrl.u32 s14, $0x9  }
0x3f: {  	[spmem:s1] =	stream.indirect.scatter.add.f32 [tilespmem:s7], [sflag:$0x2], $0x40, s23, s24, $0xb8;
	[tilespmem:$0x1C2A0] =	vst v63  }
0x40: {  	s14 =	sshrl.u32 @!p2 s16, $0x9;
	s7 =	simm.s32 $0x15FE0;
	_ =	swait.ge [sflag:s22], $0x1400  }
.LBB2_2:
0x41: {  	s14 =	sand.u32 @!p2 $0x7F, s14  }
0x42: {  	[sflag:s22] =	ssyncset.done $0x0;
	s16 =	smov.u32 s12;
	s12 =	sadd.s32 $0x1, s12  }
0x43: {  	s17 =	smov.u32 s7;
	p3 =	por p2, p2;
	s13 =	sand.u32 $0x7F, s13  }
0x44: {  	p1 =	sne.s32 s12, $0x7F;
	s14 =	smul.u32 @!p3 $0x3, s14;
	[sflag:s22] =	ssyncadd.s32 $0xFFFFEC00  }
0x45: {  	s13 =	smul.u32 $0x3, s13  }
0x46: {  	s14 =	ssub.s32 @!p3 s6, s14;
	s6 =	smov.u32 s16  }
0x47: {  	s11 =	ssub.s32 s11, s13;
	s14 =	sand.u32 @!p3 $0xFF, s14  }
0x48: {  	s7 =	sadd.s32 $0x50, s7;
	s11 =	sand.u32 $0xFF, s11;
	s13 =	smul.u32 @!p3 $0x5000, s14  }
0x49: {  	s14 =	simm.s32 @!p3 $0x50;
	s16 =	smul.u32 $0x5000, s11;
	_ =	swait.ge [sflag:s29], $0x1400  }
0x4a: {  	s11 =	sadd.s32 $0xFFFFFFFE, s6;
	[sflag:s29] =	ssyncset.done $0x0;
	s13 =	sshrl.u32 @!p3 s13, $0x2  }
0x4b: {  	s18 =	smul.u32 $0xAB, s11;
	[sflag:s29] =	ssyncadd.s32 $0xFFFFEC00;
	s13 =	sadd.s32 @!p3 $0x186A0, s13  }
.Ltmp0:
0x4c: {  	p2 =	sgt.u32 s11, $0x7A;
	s16 =	sshrl.u32 s16, $0x2;
	(pc) =	sbr.rel @p1 .LBB2_2-.Ltmp0, $4  }
0x4d: {  	[tilespmem:s13], [sflag:$0x1] =	stream.indirect.gather @!p3 [spmem:s3], $0x40, s10, s14, $0xb8;
	[tilespmem:$0x1C2A0] =	vst v63  }
0x4e: {  	s14 =	smul.u32 @!p2 $0xAB, s6;
	s13 =	sadd.s32 $0x186A0, s16;
	s10 =	sadd.s32 $0x50, s10  }
0x4f: {  	[spmem:s1] =	stream.indirect.scatter.add.f32 [tilespmem:s13], [sflag:$0x2], $0x40, s17, s24, $0xb8;
	[tilespmem:$0x1C2A0] =	vst v63  }
0x50: {  	s13 =	sshrl.u32 s18, $0x9;
	s14 =	sshrl.u32 @!p2 s14, $0x9;
	_ =	swait.ge [sflag:s22], $0x1400  }
0x51: {  	s12 =	sand.u32 @!p2 $0x7F, s14;
	p1 =	por p2, p2  }
0x52: {  	s13 =	sand.u32 $0x7F, s13;
	s12 =	smul.u32 @!p1 $0x3, s12  }
0x53: {  	s13 =	smul.u32 $0x3, s13  }
0x54: {  	s6 =	ssub.s32 @!p1 s6, s12  }
0x55: {  	[sflag:s22] =	ssyncset.done $0x0;
	s11 =	ssub.s32 s11, s13;
	s6 =	sand.u32 @!p1 $0xFF, s6  }
0x56: {  	[sflag:s22] =	ssyncadd.s32 $0xFFFFEC00;
	s11 =	sand.u32 $0xFF, s11;
	s6 =	smul.u32 @!p1 $0x5000, s6  }
0x57: {  	_ =	swait.ge [sflag:s29], $0x1400;
	s11 =	smul.u32 $0x5000, s11  }
0x58: {  	s12 =	simm.s32 @!p1 $0x50;
	[sflag:s29] =	ssyncset.done $0x0;
	s6 =	sshrl.u32 @!p1 s6, $0x2  }
0x59: {  	[sflag:s29] =	ssyncadd.s32 $0xFFFFEC00;
	s11 =	sshrl.u32 s11, $0x2;
	s6 =	sadd.s32 @!p1 $0x186A0, s6  }
0x5a: {  	[tilespmem:s6], [sflag:$0x1] =	stream.indirect.gather @!p1 [spmem:s3], $0x40, s10, s12, $0xb8;
	[tilespmem:$0x1C2A0] =	vst v63  }
0x5b: {  	s13 =	sadd.s32 $0x186A0, s11  }
0x5c: {  	[spmem:s1] =	stream.indirect.scatter.add.f32 [tilespmem:s13], [sflag:$0x2], $0x40, s7, s24, $0xb8;
	[tilespmem:$0x1C2A0] =	vst v63  }
0x5d: {  	_ =	swait.ge [sflag:s22], $0x1400  }
0x5e: {  	[sflag:s22] =	ssyncset.done $0x0  }
0x5f: {  	[sflag:s22] =	ssyncadd.s32 $0xFFFFEC00  }
0x60: {  	[bflag:$0x0] =	sbarrier.arrive $0xFFFF  }
0x61: {  	s14 =	rddreg [dreg:$0xa]  }
0x62: {  	[hbm:s14], [sflag:s31] =	dma.local [spmem:s2], $0x1380  }
0x63: {  	_ =	swait.ge [sflag:s22], $0x1380  }
0x64: {  	[sflag:s22] =	ssyncset.done $0x0  }
0x65: {  	s6 =	sshrl.u32 @p0 s8, $0x3;
	[sflag:s22] =	ssyncadd.s32 $0xFFFFEC80  }
0x66: {  	[spmem:s6], [sflag:s31] =	dma.local @p0 [hbm:s5], $0x1380  }
0x67: {  	s6 =	simm.s32 @p0 $0x2  }
0x68: {  	_ =	swait.ge @p0 [sflag:s6], $0x1380  }
0x69: {  	[sflag:s6] =	ssyncset.done @p0 $0x0  }
0x6a: {  	s7 =	sshrl.u32 @p0 s9, $0x3;
	[sflag:s6] =	ssyncadd.s32 @p0 $0xFFFFEC80  }
0x6b: {  	[spmem:s7], [sflag:s31] =	dma.local @p0 [hbm:s15], $0x1380  }
0x6c: {  	_ =	swait.ge @p0 [sflag:s6], $0x1380  }
0x6d: {  	[sflag:s6] =	ssyncset.done @p0 $0x0  }
0x6e: {  	[sflag:s6] =	ssyncadd.s32 @p0 $0xFFFFEC80;
	s6 =	rddreg [dreg:$0xb]  }
0x6f: {  	[hbm:s6], [sflag:s31] =	dma.local @!p0 [spmem:s0], $0x80  }
0x70: {  	s6 =	simm.s32 @!p0 $0x2  }
0x71: {  	_ =	swait.ge @!p0 [sflag:s6], $0x80  }
0x72: {  	[sflag:s6] =	ssyncset.done @!p0 $0x0  }
0x73: {  	s7 =	sshrl.u32 @!p0 s8, $0x3;
	[sflag:s6] =	ssyncadd.s32 @!p0 $0xFFFFFF80  }
0x74: {  	[spmem:s7], [sflag:s31] =	dma.local @!p0 [hbm:s5], $0x1380  }
0x75: {  	_ =	swait.ge @!p0 [sflag:s6], $0x1380  }
0x76: {  	[sflag:s6] =	ssyncset.done @!p0 $0x0  }
0x77: {  	s7 =	sshrl.u32 @!p0 s9, $0x3;
	[sflag:s6] =	ssyncadd.s32 @!p0 $0xFFFFEC80  }
0x78: {  	[spmem:s7], [sflag:s31] =	dma.local @!p0 [hbm:s15], $0x1380  }
0x79: {  	_ =	swait.ge @!p0 [sflag:s6], $0x1380  }
0x7a: {  	[sflag:s6] =	ssyncset.done @!p0 $0x0  }
0x7b: {  	[sflag:s6] =	ssyncadd.s32 @!p0 $0xFFFFEC80  }
0x7c: {  	[spmem:s0], [sflag:s31] =	dma.local @!p0 [hbm:s5], $0x80  }
0x7d: {  	_ =	swait.ge @!p0 [sflag:s6], $0x80  }
0x7e: {  	[sflag:s6] =	ssyncset.done @!p0 $0x0  }
0x7f: {  	s7 =	rddreg [dreg:$0xc];
	[sflag:s6] =	ssyncadd.s32 @!p0 $0xFFFFFF80  }
0x80: {  	[spmem:s4], [sflag:s31] =	dma.local @!p0 [hbm:s7], $0x80  }
0x81: {  	p1 =	por $0x0, $0x0;
	s4 =	simm.s32 $0x2;
	_ =	swait.ge @!p0 [sflag:s6], $0x80  }
0x82: {  	s4 =	smul.u32 @!p1 $0xAB, s4;
	[sflag:s6] =	ssyncset.done @!p0 $0x0  }
0x83: {  	s16 =	simm.s32 $0x0;
	[sflag:s6] =	ssyncadd.s32 @!p0 $0xFFFFFF80  }
0x84: {  	s6 =	smul.u32 $0xAB, s16;
	s4 =	sshrl.u32 @!p1 s4, $0x9;
	[bflag:$0x0] =	sbarrier.arrive $0xFFFF  }
0x85: {  	[tilespmem:s25], [sflag:$0x1] =	stream.indirect.gather [spmem:s3], $0x40, s21, s24, $0xb8;
	[tilespmem:$0x1C2A0] =	vst v63  }
0x86: {  	s4 =	sand.u32 @!p1 $0x7F, s4;
	p1 =	por p1, p1;
	s6 =	sshrl.u32 s6, $0x9  }
0x87: {  	p2 =	por $0x0, $0x0;
	s4 =	smul.u32 @!p1 $0x3, s4;
	s6 =	sand.u32 $0x7F, s6  }
0x88: {  	[tilespmem:s28], [sflag:$0x1] =	stream.indirect.gather [spmem:s3], $0x40, s26, s24, $0xb8;
	[tilespmem:$0x1C2A0] =	vst v63  }
0x89: {  	s18 =	simm.s32 $0x15F90;
	s6 =	smul.u32 $0x3, s6;
	s4 =	ssub.s32 @!p1 $0x2, s4  }
0x8a: {  	s7 =	simm.s32 $0x13920;
	s10 =	sand.u32 @!p1 $0xFF, s4;
	s4 =	simm.s32 $0x3  }
0x8b: {  	_ =	swait.ge [sflag:s29], $0x1400;
	s6 =	ssub.s32 $0x0, s6;
	s10 =	smul.u32 @!p1 $0x5000, s10  }
0x8c: {  	[sflag:s29] =	ssyncset.done $0x0;
	s14 =	smul.u32 @!p2 $0xAB, s4;
	s6 =	sand.u32 $0xFF, s6  }
0x8d: {  	s11 =	simm.s32 @!p1 $0x50;
	[sflag:s29] =	ssyncadd.s32 $0xFFFFEC00;
	s6 =	smul.u32 $0x5000, s6  }
0x8e: {  	s12 =	sshrl.u32 @!p1 s10, $0x2;
	s10 =	simm.s32 $0x1;
	s13 =	sshrl.u32 @!p2 s14, $0x9  }
0x8f: {  	s12 =	sadd.s32 @!p1 $0x186A0, s12;
	s17 =	smul.u32 $0xAB, s10;
	s6 =	sshrl.u32 s6, $0x2  }
0x90: {  	[tilespmem:s12], [sflag:$0x1] =	stream.indirect.gather @!p1 [spmem:s3], $0x40, s7, s11, $0xb8;
	[tilespmem:$0x1C2A0] =	vst v63  }
0x91: {  	s11 =	simm.s32 $0x4;
	s7 =	simm.s32 $0x13970;
	s6 =	sadd.s32 $0x186A0, s6  }
0x92: {  	[spmem:s1] =	stream.indirect.scatter.add.f32 [tilespmem:s6], [sflag:$0x2], $0x40, s18, s24, $0xb8;
	[tilespmem:$0x1C2A0] =	vst v63  }
0x93: {  	s12 =	sshrl.u32 s17, $0x9;
	s6 =	simm.s32 $0x15FE0;
	_ =	swait.ge [sflag:s22], $0x1400  }
.LBB2_4:
0x94: {  	s13 =	sand.u32 @!p2 $0x7F, s13  }
0x95: {  	[sflag:s22] =	ssyncset.done $0x0;
	s14 =	smov.u32 s11;
	s11 =	sadd.s32 $0x1, s11  }
0x96: {  	s16 =	smov.u32 s6;
	p3 =	por p2, p2;
	s12 =	sand.u32 $0x7F, s12  }
0x97: {  	p1 =	sne.s32 s11, $0x7F;
	s13 =	smul.u32 @!p3 $0x3, s13;
	[sflag:s22] =	ssyncadd.s32 $0xFFFFEC00  }
0x98: {  	s12 =	smul.u32 $0x3, s12  }
0x99: {  	s13 =	ssub.s32 @!p3 s4, s13;
	s4 =	smov.u32 s14  }
0x9a: {  	s10 =	ssub.s32 s10, s12;
	s13 =	sand.u32 @!p3 $0xFF, s13  }
0x9b: {  	s6 =	sadd.s32 $0x50, s6;
	s10 =	sand.u32 $0xFF, s10;
	s12 =	smul.u32 @!p3 $0x5000, s13  }
0x9c: {  	s13 =	simm.s32 @!p3 $0x50;
	s14 =	smul.u32 $0x5000, s10;
	_ =	swait.ge [sflag:s29], $0x1400  }
0x9d: {  	s10 =	sadd.s32 $0xFFFFFFFE, s4;
	[sflag:s29] =	ssyncset.done $0x0;
	s12 =	sshrl.u32 @!p3 s12, $0x2  }
0x9e: {  	s17 =	smul.u32 $0xAB, s10;
	[sflag:s29] =	ssyncadd.s32 $0xFFFFEC00;
	s12 =	sadd.s32 @!p3 $0x186A0, s12  }
.Ltmp1:
0x9f: {  	p2 =	sgt.u32 s10, $0x7A;
	s14 =	sshrl.u32 s14, $0x2;
	(pc) =	sbr.rel @p1 .LBB2_4-.Ltmp1, $4  }
0xa0: {  	[tilespmem:s12], [sflag:$0x1] =	stream.indirect.gather @!p3 [spmem:s3], $0x40, s7, s13, $0xb8;
	[tilespmem:$0x1C2A0] =	vst v63  }
0xa1: {  	s13 =	smul.u32 @!p2 $0xAB, s4;
	s12 =	sadd.s32 $0x186A0, s14;
	s7 =	sadd.s32 $0x50, s7  }
0xa2: {  	[spmem:s1] =	stream.indirect.scatter.add.f32 [tilespmem:s12], [sflag:$0x2], $0x40, s16, s24, $0xb8;
	[tilespmem:$0x1C2A0] =	vst v63  }
0xa3: {  	s12 =	sshrl.u32 s17, $0x9;
	s13 =	sshrl.u32 @!p2 s13, $0x9;
	_ =	swait.ge [sflag:s22], $0x1400  }
0xa4: {  	s11 =	sand.u32 @!p2 $0x7F, s13;
	p1 =	por p2, p2  }
0xa5: {  	s12 =	sand.u32 $0x7F, s12;
	s11 =	smul.u32 @!p1 $0x3, s11  }
0xa6: {  	s12 =	smul.u32 $0x3, s12  }
0xa7: {  	s4 =	ssub.s32 @!p1 s4, s11  }
0xa8: {  	[sflag:s22] =	ssyncset.done $0x0;
	s10 =	ssub.s32 s10, s12;
	s4 =	sand.u32 @!p1 $0xFF, s4  }
0xa9: {  	[sflag:s22] =	ssyncadd.s32 $0xFFFFEC00;
	s10 =	sand.u32 $0xFF, s10;
	s4 =	smul.u32 @!p1 $0x5000, s4  }
0xaa: {  	_ =	swait.ge [sflag:s29], $0x1400;
	s10 =	smul.u32 $0x5000, s10  }
0xab: {  	s11 =	simm.s32 @!p1 $0x50;
	[sflag:s29] =	ssyncset.done $0x0;
	s4 =	sshrl.u32 @!p1 s4, $0x2  }
0xac: {  	[sflag:s29] =	ssyncadd.s32 $0xFFFFEC00;
	s10 =	sshrl.u32 s10, $0x2;
	s4 =	sadd.s32 @!p1 $0x186A0, s4  }
0xad: {  	[tilespmem:s4], [sflag:$0x1] =	stream.indirect.gather @!p1 [spmem:s3], $0x40, s7, s11, $0xb8;
	[tilespmem:$0x1C2A0] =	vst v63  }
0xae: {  	s17 =	sadd.s32 $0x186A0, s10  }
0xaf: {  	[spmem:s1] =	stream.indirect.scatter.add.f32 [tilespmem:s17], [sflag:$0x2], $0x40, s6, s24, $0xb8;
	[tilespmem:$0x1C2A0] =	vst v63  }
0xb0: {  	_ =	swait.ge [sflag:s22], $0x1400  }
0xb1: {  	[sflag:s22] =	ssyncset.done $0x0  }
0xb2: {  	[sflag:s22] =	ssyncadd.s32 $0xFFFFEC00  }
0xb3: {  	[bflag:$0x0] =	sbarrier.arrive $0xFFFF  }
0xb4: {  	s18 =	rddreg [dreg:$0xd]  }
0xb5: {  	[hbm:s18], [sflag:s31] =	dma.local [spmem:s2], $0x1380  }
0xb6: {  	_ =	swait.ge [sflag:s22], $0x1380  }
0xb7: {  	s30 =	sadd.s32 $0x1, s30;
	[sflag:s22] =	ssyncset.done $0x0  }
0xb8: {  	p1 =	sne.s32 s30, s20;
	[sflag:s22] =	ssyncadd.s32 $0xFFFFEC80  }
0xb9: {  	[hbm:s19], [sflag:s31] =	dma.local @!p0 [spmem:s0], $0x80  }
.Ltmp2:
0xba: {  	_ = 	snop;
	(pc) =	sbr.rel @p1 .LBB2_1-.Ltmp2, $4  }
0xbb: {  	s0 =	simm.s32 @!p0 $0x2  }
0xbc: {  	_ =	swait.ge @!p0 [sflag:s0], $0x80  }
0xbd: {  	[sflag:s0] =	ssyncset.done @!p0 $0x0  }
0xbe: {  	[sflag:s0] =	ssyncadd.s32 @!p0 $0xFFFFFF80  }
0xbf: {  	_ =	sfence.sel $0x180000  }
0xc0: {  	[bflag:$0x0] =	sbarrier.arrive $0xFFFF  }
0xc1: {  	_ =	strace $0x9000004A  }
0xc2: {  	s0 =	stileid.u32;
	[bflag:$0x2] =	sbarrier.arrive $0xFFFF  }
0xc3: {  	p0 =	sne.s32 s0, $0x0;
	s0 =	rddreg [dreg:$0x3]  }
0xc4: {  	s0 =	sadd.s32 @!p0 $0x100000, s0  }
0xc5: {  	[sflag:s0] =	ssyncadd.tile.s32 @!p0 $0x1;
	_ =	shalt  }
.Lfunc_end2:
_tile_overlayer_lowered:
.L_overlay_start_2:
0xc6: {  	(tag) =	ssettag $0x2  }
0xc7: {  	s0 =	rddreg [dreg:$0x0];
	s2 =	stileid.u32  }
0xc8: {  	s1 =	rddreg [dreg:$0x1];
	p0 =	sne.s32 s2, $0x0  }
0xc9: {  	s3 =	rddreg [dreg:$0x2];
	[bflag:$0x3] =	sbarrier.arrive $0xFFFF;
	s2 =	simm.s32 @!p0 $0x1C02  }
0xca: {  	[timem:s3], [sflag:s2] =	dma.local @!p0 [hbm:s0], s1  }
0xcb: {  	s0 =	simm.s32 @!p0 $0x2  }
0xcc: {  	_ =	swait.ge @!p0 [sflag:s0], s1  }
0xcd: {  	s1 =	ssub.s32 @!p0 $0x0, s1;
	[sflag:s0] =	ssyncset.done @!p0 $0x0  }
0xce: {  	[sflag:s0] =	ssyncadd.s32 @!p0 s1  }
0xcf: {  	[bflag:$0x3] =	sbarrier.arrive $0xFFFF  }
0xd0: {  	_ =	shalt  }

// kernel: kernel.16.cloned.1.call-start
scs
__scs_entry_jumppad:
0x0: {  	(pc) =	sbr.rel $0x88, $3  }
0x1: {  	(tag) =	ssettag $0x0;
	lr =	simm.s32 $0x1  }
0x2: {  	[smem:$0x3F99] =	sst lr;
	_ =	strace $0xD0000000  }
0x3: {  	_ = 	snop  }
0x4: {  	_ = 	snop  }
0x5: {  	_ = 	snop  }
0x6: {  	_ = 	snop  }
0x7: {  	_ = 	snop  }
__scs_overlays_trampoline_lowered:
0x8: {  	[smem:$0x3FA8] =	sst s0  }
0x9: {  	[smem:$0x3FA9] =	sst s1  }
0xa: {  	[smem:$0x3FAA] =	sst s2  }
0xb: {  	[smem:$0x3FAB] =	sst s3  }
0xc: {  	[smem:$0x3FAC] =	sst s4  }
0xd: {  	[smem:$0x3FAD] =	sst s5  }
0xe: {  	[smem:$0x3FAE] =	sst s6  }
0xf: {  	[smem:$0x3FAF] =	sst s7  }
0x10: {  	[smem:$0x3FB0] =	sst s8  }
0x11: {  	[smem:$0x3FB1] =	sst s9;
	s0 =	simm.s32 @!p0 $0x0  }
0x12: {  	s1 =	sld [smem:$0x3F97];
	s0 =	simm.s32 @p0 $0x1  }
0x13: {  	[smem:$0x3FB2] =	sst s0;
	s0 =	simm.s32 @!p1 $0x0  }
0x14: {  	s2 =	sld [smem:$0x3F96];
	s0 =	simm.s32 @p1 $0x1  }
0x15: {  	[smem:$0x3FB3] =	sst s0;
	s0 =	simm.s32 @!p2 $0x0  }
0x16: {  	s3 =	sld [smem:$0x3FDB];
	s0 =	simm.s32 @p2 $0x1  }
0x17: {  	s4 =	simm.s32 $0x1BF5;
	[smem:$0x3FB5] =	sst s0  }
0x18: {  	s0 =	sld [smem:$0x3F98];
	_ =	swait.ge [sflag:s4], $0x0  }
0x19: {  	s7 =	sld [smem:$0x3F99]  }
0x1a: {  	s8 =	sadd.s32 $0xFFFFE003, lr  }
0x1b: {  	s9 =	sadd.s32 $0xFFFFFEF7, lr;
	s5 =	simm.s32 $0xFFFFFFFF;
	p2 =	slt.u32 s8, $0xFFFFF086  }
0x1c: {  	p1 =	slt.u32 s9, $0xF7A;
	s5 =	simm.s32 @!p2 $0x0  }
0x1d: {  	s5 =	simm.s32 @p1 $0x1;
	p0 =	seq.s32 s7, s2  }
0x1e: {  	s7 =	smul.u32 @!p0 $0xF7A, s2;
	p2 =	seq.s32 @!p0 s5, $0x0  }
0x1f: {  	s9 =	smul.u32 $0xF7A, s1;
	s8 =	simm.s32 @!p0 $0x1BF5;
	p2 =	por !p2, p0  }
0x20: {  	[sflag:s8] =	ssyncset.s32 @!p0 $0xFFFFF086;
	s6 =	sadd.s32 @!p0 s3, s7;
	s7 =	simm.s32 @!p0 $0x108  }
0x21: {  	s3 =	sadd.s32 s3, s9;
	s6 =	sadd.s32 @!p0 $0x88, s6;
	s7 =	simm.s32 @p2 $0x1082  }
0x22: {  	[simem:s7], [sflag:s8] =	dma.local @!p0 [hbm:s6], $0xF7A  }
0x23: {  	s9 =	sor.u32 $0xD0000000, s2;
	s6 =	simm.s32 $0x108;
	_ =	swait.ge @!p0 [sflag:s8], $0x0  }
0x24: {  	s3 =	sadd.s32 $0x88, s3;
	s6 =	simm.s32 @!p1 $0x1082;
	[sflag:s4] =	ssyncset.s32 $0xFFFFF086  }
0x25: {  	[simem:s6], [sflag:s4] =	dma.local [hbm:s3], $0xF7A  }
0x26: {  	[smem:$0x3F99] =	sst s1;
	(tag) =	ssettag s2;
	_ =	strace s9  }
0x27: {  	s1 =	sld [smem:$0x3FA9]  }
0x28: {  	s2 =	sld [smem:$0x3FAA]  }
0x29: {  	s4 =	sld [smem:$0x3FAC]  }
0x2a: {  	p0 =	seq.s32 s5, $0x0;
	s5 =	sld [smem:$0x3FAD]  }
0x2b: {  	s6 =	sld [smem:$0x3FAE]  }
0x2c: {  	s7 =	sld [smem:$0x3FAF]  }
0x2d: {  	s3 =	simm.s32 $0x108;
	s8 =	sld [smem:$0x3FB0]  }
0x2e: {  	s3 =	simm.s32 @!p0 $0x1082;
	s9 =	sld [smem:$0x3FB1]  }
0x2f: {  	lr =	sadd.s32 s0, s3;
	s0 =	sld [smem:$0x3FA8]  }
0x30: {  	s3 =	sld [smem:$0x3FAB]  }
0x31: {  	[smem:$0x3FB4] =	sst s10  }
0x32: {  	s10 =	sld [smem:$0x3FB2];
	_ =	sdelay $0x3  }
0x33: {  	p0 =	seq.s32 s10, $0x1;
	s10 =	sld [smem:$0x3FB4];
	_ =	sdelay $0x3  }
0x34: {  	[smem:$0x3FB4] =	sst s10  }
0x35: {  	s10 =	sld [smem:$0x3FB3];
	_ =	sdelay $0x3  }
0x36: {  	p1 =	seq.s32 s10, $0x1;
	s10 =	sld [smem:$0x3FB4];
	_ =	sdelay $0x3  }
0x37: {  	[smem:$0x3FB4] =	sst s10  }
0x38: {  	s10 =	sld [smem:$0x3FB5]  }
0x39: {  	_ = 	snop;
	(pc) =	sbr.ind lr, $3  }
0x3a: {  	_ = 	snop  }
0x3b: {  	_ = 	snop  }
0x3c: {  	p2 =	seq.s32 s10, $0x1;
	s10 =	sld [smem:$0x3FB4]  }
0x3d: {  	_ =	shalt  }
0x3e: {  	_ =	shalt  }
0x3f: {  	_ =	shalt  }
0x40: {  	_ =	shalt  }
0x41: {  	_ =	shalt  }
0x42: {  	_ =	shalt  }
0x43: {  	_ =	shalt  }
0x44: {  	_ =	shalt  }
0x45: {  	_ =	shalt  }
0x46: {  	_ =	shalt  }
0x47: {  	_ =	shalt  }
0x48: {  	_ =	shalt  }
0x49: {  	_ =	shalt  }
0x4a: {  	_ =	shalt  }
0x4b: {  	_ =	shalt  }
0x4c: {  	_ =	shalt  }
0x4d: {  	_ =	shalt  }
0x4e: {  	_ =	shalt  }
0x4f: {  	_ =	shalt  }
0x50: {  	_ =	shalt  }
0x51: {  	_ =	shalt  }
0x52: {  	_ =	shalt  }
0x53: {  	_ =	shalt  }
0x54: {  	_ =	shalt  }
0x55: {  	_ =	shalt  }
0x56: {  	_ =	shalt  }
0x57: {  	_ =	shalt  }
0x58: {  	_ =	shalt  }
0x59: {  	_ =	shalt  }
0x5a: {  	_ =	shalt  }
0x5b: {  	_ =	shalt  }
0x5c: {  	_ =	shalt  }
0x5d: {  	_ =	shalt  }
0x5e: {  	_ =	shalt  }
0x5f: {  	_ =	shalt  }
0x60: {  	_ =	shalt  }
0x61: {  	_ =	shalt  }
0x62: {  	_ =	shalt  }
0x63: {  	_ =	shalt  }
0x64: {  	_ =	shalt  }
0x65: {  	_ =	shalt  }
0x66: {  	_ =	shalt  }
0x67: {  	_ =	shalt  }
0x68: {  	_ =	shalt  }
0x69: {  	_ =	shalt  }
0x6a: {  	_ =	shalt  }
0x6b: {  	_ =	shalt  }
0x6c: {  	_ =	shalt  }
0x6d: {  	_ =	shalt  }
0x6e: {  	_ =	shalt  }
0x6f: {  	_ =	shalt  }
0x70: {  	_ =	shalt  }
0x71: {  	_ =	shalt  }
0x72: {  	_ =	shalt  }
0x73: {  	_ =	shalt  }
0x74: {  	_ =	shalt  }
0x75: {  	_ =	shalt  }
0x76: {  	_ =	shalt  }
0x77: {  	_ =	shalt  }
0x78: {  	_ =	shalt  }
0x79: {  	_ =	shalt  }
0x7a: {  	_ =	shalt  }
0x7b: {  	_ =	shalt  }
0x7c: {  	_ =	shalt  }
0x7d: {  	_ =	shalt  }
0x7e: {  	_ =	shalt  }
0x7f: {  	_ =	shalt  }
0x80: {  	_ =	shalt  }
0x81: {  	_ =	shalt  }
0x82: {  	_ =	shalt  }
0x83: {  	_ =	shalt  }
0x84: {  	_ =	shalt  }
0x85: {  	_ =	shalt  }
0x86: {  	_ =	shalt  }
0x87: {  	_ =	shalt  }
.Lfunc_end0:
.L_simem_size_0:
called_computation.2_lowered:
.L_overlay_start_0:
0x88: {  	s2 =	sld [smem:$0x3FD9]  }
0x89: {  	s3 =	sld [smem:$0x3FFE];
	_ =	sdelay $0x1  }
0x8a: {  	s1 =	srdreg.scid  }
0x8b: {  	s0 =	sand.u32 $0x1, s1  }
0x8c: {  	s16 =	sshll.u32 s0, $0xA;
	s2 =	sadd.s32 s3, s2  }
0x8d: {  	s2 =	sadd.s32 s2, s16  }
0x8e: {  	[smem:$0x3FC0] =	sst s2  }
0x8f: {  	_ = 	snop  }
0x90: {  	(tm) =	ssettm $0x1  }
0x91: {  	s17 =	sld [smem:$0x3FFB];
	_ =	sdelay $0x3  }
0x92: {  	_ =	strace s17  }
0x93: {  	s2 =	sld [smem:$0x3FFC];
	_ =	sdelay $0x3  }
0x94: {  	_ =	strace s2  }
0x95: {  	s2 =	sld [smem:$0x3FFD];
	_ =	sdelay $0x3  }
0x96: {  	_ =	strace s2  }
0x97: {  	_ =	strace $0x8FFFFFFF  }
0x98: {  	s18 =	sld [smem:$0x3FDB];
	_ =	sdelay $0x1  }
0x99: {  	s19 =	simm.s32 $_scs_section_size  }
0x9a: {  	s4 =	simm.s32 $_size__tile_overlayer_lowered;
	s5 =	simm.s32 $_tile_overlayer_lowered  }
0x9b: {  	s22 =	simm.s32 $0x1BFF;
	s21 =	sshll.u32 s5, $0x1;
	s2 =	sadd.s32 s19, s18  }
0x9c: {  	s6 =	simm.s32 $0x0;
	s20 =	sshll.u32 s4, $0x1;
	s4 =	sadd.s32 s21, s2  }
0x9d: {  	[timem:s6], [sflag:s22] =	dma.local [hbm:s4], s20  }
0x9e: {  	_ =	swait.ge [sflag:s22], s20  }
0x9f: {  	s3 =	ssub.s32 $0x0, s20;
	[sflag:s22] =	ssyncset.done $0x0  }
0xa0: {  	[sflag:s22] =	ssyncadd.s32 s3;
	_ =	sdelay $0x1  }
0xa1: {  	s23 =	simm.s32 $0x1B8B  }
0xa2: {  	_ =	swait.ge [sflag:s23], $0x1  }
0xa3: {  	[sflag:s23] =	ssyncset.done $0x0  }
0xa4: {  	s25 =	simm.s32 $0x1B8E;
	s24 =	sld [smem:$0x3FFE];
	[sflag:s23] =	ssyncadd.s32 $0xFFFFFFFF  }
0xa5: {  	s26 =	simm.s32 $execute0_lowered;
	[smem:$0x3FD2] =	sst s25  }
0xa6: {  	s4 =	sshll.u32 s26, $0x1;
	_ =	strace $0x8000004C;
	[dreg:$0x1] =	wrdreg $0xFFFFFFFF  }
0xa7: {  	s28 =	simm.s32 $_size_execute0_lowered;
	s2 =	sadd.s32 s2, s4;
	[dreg:$0x0] =	wrdreg $0x0  }
0xa8: {  	s4 =	sshll.u32 s28, $0x1;
	[dreg:$0x2] =	wrdreg s2  }
0xa9: {  	[dreg:$0x3] =	wrdreg s4  }
0xaa: {  	[dreg:$0x4] =	wrdreg $0xC0  }
0xab: {  	_ =	task [dreg:s6], $0x5FFFF  }
0xac: {  	[dreg:$0x1] =	wrdreg $0xFFFFFFFF  }
0xad: {  	[dreg:$0x0] =	wrdreg $0x60  }
0xae: {  	[dreg:$0x2] =	wrdreg s24  }
0xaf: {  	[dreg:$0x3] =	wrdreg $0x0  }
0xb0: {  	[dreg:$0x4] =	wrdreg $0x9C400  }
0xb1: {  	[dreg:$0x5] =	wrdreg $0x9  }
0xb2: {  	_ =	task.clear_ibuf [dreg:s6], $0x6FFFF;
	_ =	strace $0x9000004C  }
0xb3: {  	s29 =	simm.s32 $0x9;
	_ =	strace $0x8000004E  }
0xb4: {  	_ =	swait.ge [sflag:s29], $0x1  }
0xb5: {  	[sflag:s29] =	ssyncadd.s32 $0xFFFFFFFF  }
0xb6: {  	_ =	strace $0x9000004E  }
0xb7: {  	_ =	sfence  }
0xb8: {  	s30 =	sld [smem:$0x0];
	_ =	sdelay $0x2  }
0xb9: {  	s31 =	sshll.u32 s1, $0xD;
	s1 =	sshrl.u32 s1, $0x2  }
0xba: {  	s3 =	sand.u32 $0x4000, s31;
	s1 =	sadd.s32 s1, s30  }
0xbb: {  	s0 =	sor.u32 s3, s0;
	s1 =	sshll.u32 s1, $0x11  }
0xbc: {  	s0 =	sor.u32 s1, s0  }
0xbd: {  	s0 =	sadd.s32 $0x8F2B, s0  }
0xbe: {  	[sflag:s0] =	ssyncadd.remote.s32 $0x1  }
0xbf: {  	_ =	sfence.sel $0xFFFF  }
0xc0: {  	[dreg:$0x0] =	wrdreg $0xFFFFFFFF;
	(pc) =	sbr.abs _section_cstart, $3  }
0xc1: {  	[dreg:$0x1] =	wrdreg $0xFFFFFFFF  }
0xc2: {  	_ =	task.clear_ibuf [dreg:s6], $0x2FFFF;
	_ =	strace $0x9FFFFFFF  }
0xc3: {  	(tm) =	ssettm $0x7FFFFFFF  }
tec
execute0_lowered:
.L_overlay_start_1:
0x0: {  	(tag) =	ssettag $0x1  }
0x1: {  	s0 =	rddreg [dreg:$0x0]  }
0x2: {  	s1 =	rddreg [dreg:$0x1]  }
0x3: {  	s3 =	rddreg [dreg:$0x2];
	s15 =	stileid.u32  }
0x4: {  	s2 =	srdreg.scid;
	s4 =	simm.s32 $0x0;
	s19 =	simm.s32 $0x13880  }
0x5: {  	s20 =	simm.s32 $0x50;
	s24 =	simm.s32 $0x1;
	s25 =	simm.s32 $0x0  }
0x6: {  	s9 =	smul.u32 $0x9C00, s15;
	s2 =	sand.u32 $0x1, s2;
	s5 =	sshll.u32 s15, $0x1  }
0x7: {  	[smem:$0x7FF] =	sst s4;
	s12 =	sadd.s32 $0x34200, s0;
	s29 =	sshll.u32 s15, $0x6  }
0x8: {  	s17 =	sadd.s32 $0x9C000, s1;
	s18 =	sadd.s32 $0x9C000, s3;
	p0 =	sne.s32 s15, $0xF  }
0x9: {  	s15 =	simm.s32 $0x2;
	s5 =	sor.u32 s2, s5;
	_ =	strace $0x8000004D  }
0xa: {  	s28 =	ssub.s32 $0x2, s2;
	s2 =	smul.u32 $0x9C400, s2;
	s17 =	sshrl.u32 @!p0 s17, $0x3  }
0xb: {  	s18 =	sshrl.u32 @!p0 s18, $0x3;
	s6 =	sshrl.u32 s9, $0x3;
	s5 =	smul.u32 $0x4E2, s5  }
0xc: {  	s8 =	sshrl.u32 s28, $0x1;
	s14 =	sadd.s32 s9, s1;
	s16 =	sadd.s32 s9, s3  }
0xd: {  	s7 =	sadd.s32 s6, s0;
	s13 =	ssub.s32 s28, s8;
	s6 =	sor.u32 $0x1C02, s29  }
0xe: {  	s8 =	sadd.s32 $0x15E00, s0;
	s30 =	sadd.s32 s9, s2;
	s2 =	sshrl.u32 s2, $0x3  }
0xf: {  	s14 =	sshrl.u32 s14, $0x3;
	s16 =	sshrl.u32 s16, $0x3;
	s10 =	sadd.s32 s5, s0  }
0x10: {  	s5 =	sadd.s32 $0x16800, s0;
	s7 =	sadd.s32 $0x2600, s7;
	s0 =	sshrl.u32 s30, $0x3  }
0x11: {  	s31 =	sadd.s32 s12, s2;
	s13 =	smax.u32 s13, $0x1;
	s9 =	sadd.s32 $0x20600, s10  }
0x12: {  	s10 =	sadd.s32 $0x2A400, s10;
	s11 =	sadd.s32 s12, s0;
	s12 =	sadd.s32 $0x13800, s31  }
.LBB2_1:
0x13: {  	[spmem:s14], [sflag:s6] =	dma.local [hbm:s5], $0x1380  }
0x14: {  	_ =	swait.ge [sflag:s15], $0x1380  }
0x15: {  	[sflag:s15] =	ssyncset.done $0x0  }
0x16: {  	[sflag:s15] =	ssyncadd.s32 $0xFFFFEC80  }
0x17: {  	[spmem:s16], [sflag:s6] =	dma.local [hbm:s7], $0x1380  }
0x18: {  	_ =	swait.ge [sflag:s15], $0x1380  }
0x19: {  	[sflag:s15] =	ssyncset.done $0x0  }
0x1a: {  	s0 =	simm.s32 @!p0 $0x2;
	[sflag:s15] =	ssyncadd.s32 $0xFFFFEC80  }
0x1b: {  	[spmem:s17], [sflag:s6] =	dma.local @!p0 [hbm:s5], $0x80  }
0x1c: {  	_ =	swait.ge @!p0 [sflag:s0], $0x80  }
0x1d: {  	[sflag:s0] =	ssyncset.done @!p0 $0x0  }
0x1e: {  	[sflag:s0] =	ssyncadd.s32 @!p0 $0xFFFFFF80  }
0x1f: {  	[spmem:s18], [sflag:s6] =	dma.local @!p0 [hbm:s8], $0x80  }
0x20: {  	_ =	swait.ge @!p0 [sflag:s0], $0x80  }
0x21: {  	[sflag:s0] =	ssyncset.done @!p0 $0x0  }
0x22: {  	[sflag:s0] =	ssyncadd.s32 @!p0 $0xFFFFFF80  }
0x23: {  	[tilespmem:s19], [sflag:$0x2] =	stream.linear.gather [hbm4b:s9+s4], $0x2710, $0x38;
	[tilespmem:$0x1C2A0] =	vst v63  }
0x24: {  	_ =	swait.ge [sflag:s15], $0x2710  }
0x25: {  	[sflag:s15] =	ssyncset.done $0x0  }
0x26: {  	s0 =	simm.s32 $0x15F90;
	[sflag:s15] =	ssyncadd.s32 $0xFFFFD8F0  }
0x27: {  	[tilespmem:s0], [sflag:$0x2] =	stream.linear.gather [hbm4b:s10+s4], $0x2710, $0x38;
	[tilespmem:$0x1C2A0] =	vst v63  }
0x28: {  	s26 =	simm.s32 $0x0;
	_ =	swait.ge [sflag:s15], $0x2710  }
0x29: {  	s26 =	smul.u32 $0xAB, s26;
	[sflag:s15] =	ssyncset.done $0x0  }
0x2a: {  	s2 =	simm.s32 $0x186A0;
	[sflag:s15] =	ssyncadd.s32 $0xFFFFD8F0  }
0x2b: {  	p1 =	por $0x0, $0x0;
	s26 =	sshrl.u32 s26, $0x9;
	[bflag:$0x0] =	sbarrier.arrive $0xFFFF  }
0x2c: {  	[tilespmem:s2], [sflag:$0x1] =	stream.indirect.gather [spmem:s3], $0x40, s19, s20, $0xb8;
	[tilespmem:$0x1C2A0] =	vst v63  }
0x2d: {  	s26 =	sand.u32 $0x7F, s26;
	s2 =	smul.u32 @!p1 $0xAB, s15  }
0x2e: {  	s28 =	smul.u32 $0x3, s26  }
0x2f: {  	s22 =	simm.s32 $0x138D0;
	s2 =	sshrl.u32 @!p1 s2, $0x9  }
0x30: {  	s28 =	ssub.s32 $0x0, s28;
	s2 =	sand.u32 @!p1 $0x7F, s2;
	p1 =	por p1, p1  }
0x31: {  	s21 =	simm.s32 $0x19AA0;
	s28 =	sand.u32 $0xFF, s28;
	s2 =	smul.u32 @!p1 $0x3, s2  }
0x32: {  	[tilespmem:s21], [sflag:$0x1] =	stream.indirect.gather [spmem:s3], $0x40, s22, s20, $0xb8;
	[tilespmem:$0x1C2A0] =	vst v63  }
0x33: {  	s30 =	simm.s32 $0x1;
	s28 =	smul.u32 $0x5000, s28;
	s2 =	ssub.s32 @!p1 $0x2, s2  }
0x34: {  	s29 =	simm.s32 $0x13920;
	s23 =	smul.u32 $0xAB, s30;
	s2 =	sand.u32 @!p1 $0xFF, s2  }
0x35: {  	p2 =	por $0x0, $0x0;
	s28 =	sshrl.u32 s28, $0x2;
	s2 =	smul.u32 @!p1 $0x5000, s2  }
0x36: {  	s26 =	simm.s32 $0x3;
	s28 =	sadd.s32 $0x186A0, s28;
	_ =	swait.ge [sflag:s24], $0x1400  }
0x37: {  	s21 =	smul.u32 @!p2 $0xAB, s26;
	[sflag:s24] =	ssyncset.done $0x0;
	s2 =	sshrl.u32 @!p1 s2, $0x2  }
0x38: {  	s31 =	simm.s32 @!p1 $0x50;
	[sflag:s24] =	ssyncadd.s32 $0xFFFFEC00;
	s2 =	sadd.s32 @!p1 $0x186A0, s2  }
0x39: {  	[tilespmem:s2], [sflag:$0x1] =	stream.indirect.gather @!p1 [spmem:s3], $0x40, s29, s31, $0xb8;
	[tilespmem:$0x1C2A0] =	vst v63  }
0x3a: {  	s31 =	simm.s32 $0x4;
	s29 =	simm.s32 $0x13970;
	s2 =	sshrl.u32 s23, $0x9  }
0x3b: {  	[spmem:s1] =	stream.indirect.scatter.add.f32 [tilespmem:s28], [sflag:$0x2], $0x40, s0, s20, $0xb8;
	[tilespmem:$0x1C2A0] =	vst v63  }
0x3c: {  	s28 =	simm.s32 $0x15FE0;
	s0 =	sshrl.u32 @!p2 s21, $0x9;
	_ =	swait.ge [sflag:s15], $0x1400  }
.LBB2_2:
0x3d: {  	s0 =	sand.u32 @!p2 $0x7F, s0;
	[sflag:s15] =	ssyncset.done $0x0;
	s21 =	smov.u32 s31  }
0x3e: {  	s31 =	sadd.s32 $0x1, s31;
	s22 =	smov.u32 s28;
	p3 =	por p2, p2  }
0x3f: {  	p1 =	sne.s32 s31, $0x7F;
	s0 =	smul.u32 @!p3 $0x3, s0;
	[sflag:s15] =	ssyncadd.s32 $0xFFFFEC00  }
0x40: {  	s2 =	sand.u32 $0x7F, s2  }
0x41: {  	s2 =	smul.u32 $0x3, s2;
	s0 =	ssub.s32 @!p3 s26, s0;
	s26 =	smov.u32 s21  }
0x42: {  	s28 =	sadd.s32 $0x50, s28;
	s0 =	sand.u32 @!p3 $0xFF, s0  }
0x43: {  	s2 =	ssub.s32 s30, s2;
	s21 =	simm.s32 @!p3 $0x50;
	s0 =	smul.u32 @!p3 $0x5000, s0  }
0x44: {  	s2 =	sand.u32 $0xFF, s2;
	s30 =	sadd.s32 $0xFFFFFFFE, s26;
	_ =	swait.ge [sflag:s24], $0x1400  }
0x45: {  	s2 =	smul.u32 $0x5000, s2;
	[sflag:s24] =	ssyncset.done $0x0;
	s0 =	sshrl.u32 @!p3 s0, $0x2  }
0x46: {  	s23 =	smul.u32 $0xAB, s30;
	[sflag:s24] =	ssyncadd.s32 $0xFFFFEC00;
	s0 =	sadd.s32 @!p3 $0x186A0, s0  }
.Ltmp0:
0x47: {  	p2 =	sgt.u32 s30, $0x7A;
	s2 =	sshrl.u32 s2, $0x2;
	(pc) =	sbr.rel @p1 .LBB2_2-.Ltmp0, $4  }
0x48: {  	[tilespmem:s0], [sflag:$0x1] =	stream.indirect.gather @!p3 [spmem:s3], $0x40, s29, s21, $0xb8;
	[tilespmem:$0x1C2A0] =	vst v63  }
0x49: {  	s2 =	sadd.s32 $0x186A0, s2;
	s0 =	smul.u32 @!p2 $0xAB, s26;
	s29 =	sadd.s32 $0x50, s29  }
0x4a: {  	[spmem:s1] =	stream.indirect.scatter.add.f32 [tilespmem:s2], [sflag:$0x2], $0x40, s22, s20, $0xb8;
	[tilespmem:$0x1C2A0] =	vst v63  }
0x4b: {  	s2 =	sshrl.u32 s23, $0x9;
	s0 =	sshrl.u32 @!p2 s0, $0x9;
	_ =	swait.ge [sflag:s15], $0x1400  }
0x4c: {  	s0 =	sand.u32 @!p2 $0x7F, s0;
	p1 =	por p2, p2  }
0x4d: {  	s2 =	sand.u32 $0x7F, s2;
	s0 =	smul.u32 @!p1 $0x3, s0  }
0x4e: {  	s2 =	smul.u32 $0x3, s2  }
0x4f: {  	s0 =	ssub.s32 @!p1 s26, s0  }
0x50: {  	[sflag:s15] =	ssyncset.done $0x0;
	s2 =	ssub.s32 s30, s2;
	s0 =	sand.u32 @!p1 $0xFF, s0  }
0x51: {  	[sflag:s15] =	ssyncadd.s32 $0xFFFFEC00;
	s2 =	sand.u32 $0xFF, s2;
	s0 =	smul.u32 @!p1 $0x5000, s0  }
0x52: {  	_ =	swait.ge [sflag:s24], $0x1400;
	s2 =	smul.u32 $0x5000, s2  }
0x53: {  	s21 =	simm.s32 @!p1 $0x50;
	[sflag:s24] =	ssyncset.done $0x0;
	s0 =	sshrl.u32 @!p1 s0, $0x2  }
0x54: {  	[sflag:s24] =	ssyncadd.s32 $0xFFFFEC00;
	s2 =	sshrl.u32 s2, $0x2;
	s0 =	sadd.s32 @!p1 $0x186A0, s0  }
0x55: {  	[tilespmem:s0], [sflag:$0x1] =	stream.indirect.gather @!p1 [spmem:s3], $0x40, s29, s21, $0xb8;
	[tilespmem:$0x1C2A0] =	vst v63  }
0x56: {  	s31 =	sadd.s32 $0x186A0, s2  }
0x57: {  	[spmem:s1] =	stream.indirect.scatter.add.f32 [tilespmem:s31], [sflag:$0x2], $0x40, s28, s20, $0xb8;
	[tilespmem:$0x1C2A0] =	vst v63  }
0x58: {  	_ =	swait.ge [sflag:s15], $0x1400  }
0x59: {  	[sflag:s15] =	ssyncset.done $0x0  }
0x5a: {  	[sflag:s15] =	ssyncadd.s32 $0xFFFFEC00  }
0x5b: {  	[bflag:$0x0] =	sbarrier.arrive $0xFFFF  }
0x5c: {  	[hbm:s11], [sflag:s6] =	dma.local [spmem:s14], $0x1380  }
0x5d: {  	s25 =	sadd.s32 $0x1, s25;
	_ =	swait.ge [sflag:s15], $0x1380  }
0x5e: {  	p1 =	sne.s32 s25, s13;
	[sflag:s15] =	ssyncset.done $0x0  }
.Ltmp1:
0x5f: {  	s0 =	simm.s32 @!p0 $0x2;
	[sflag:s15] =	ssyncadd.s32 $0xFFFFEC80;
	(pc) =	sbr.rel @p1 .LBB2_1-.Ltmp1, $4  }
0x60: {  	[hbm:s12], [sflag:s6] =	dma.local @!p0 [spmem:s17], $0x80  }
0x61: {  	_ =	swait.ge @!p0 [sflag:s0], $0x80  }
0x62: {  	[sflag:s0] =	ssyncset.done @!p0 $0x0  }
0x63: {  	[sflag:s0] =	ssyncadd.s32 @!p0 $0xFFFFFF80  }
0x64: {  	_ =	sfence.sel $0x180000  }
0x65: {  	[bflag:$0x0] =	sbarrier.arrive $0xFFFF  }
0x66: {  	_ =	strace $0x9000004D  }
0x67: {  	s0 =	stileid.u32;
	[bflag:$0x2] =	sbarrier.arrive $0xFFFF  }
0x68: {  	p0 =	sne.s32 s0, $0x0;
	s0 =	rddreg [dreg:$0x3]  }
0x69: {  	s0 =	sadd.s32 @!p0 $0x100000, s0  }
0x6a: {  	[sflag:s0] =	ssyncadd.tile.s32 @!p0 $0x1;
	_ =	shalt  }
.Lfunc_end2:
_tile_overlayer_lowered:
.L_overlay_start_2:
0x6b: {  	(tag) =	ssettag $0x2  }
0x6c: {  	s0 =	rddreg [dreg:$0x0];
	s2 =	stileid.u32  }
0x6d: {  	s1 =	rddreg [dreg:$0x1];
	p0 =	sne.s32 s2, $0x0  }
0x6e: {  	s3 =	rddreg [dreg:$0x2];
	[bflag:$0x3] =	sbarrier.arrive $0xFFFF;
	s2 =	simm.s32 @!p0 $0x1C02  }
0x6f: {  	[timem:s3], [sflag:s2] =	dma.local @!p0 [hbm:s0], s1  }
0x70: {  	s0 =	simm.s32 @!p0 $0x2  }
0x71: {  	_ =	swait.ge @!p0 [sflag:s0], s1  }
0x72: {  	s1 =	ssub.s32 @!p0 $0x0, s1;
	[sflag:s0] =	ssyncset.done @!p0 $0x0  }
0x73: {  	[sflag:s0] =	ssyncadd.s32 @!p0 s1  }
0x74: {  	[bflag:$0x3] =	sbarrier.arrive $0xFFFF  }
0x75: {  	_ =	shalt  }

// kernel: kernel.19.cloned.1.call-start
scs
__scs_entry_jumppad:
0x0: {  	(pc) =	sbr.rel $0x88, $3  }
0x1: {  	(tag) =	ssettag $0x0;
	lr =	simm.s32 $0x1  }
0x2: {  	[smem:$0x3F99] =	sst lr;
	_ =	strace $0xD0000000  }
0x3: {  	_ = 	snop  }
0x4: {  	_ = 	snop  }
0x5: {  	_ = 	snop  }
0x6: {  	_ = 	snop  }
0x7: {  	_ = 	snop  }
__scs_overlays_trampoline_lowered:
0x8: {  	[smem:$0x3FA8] =	sst s0  }
0x9: {  	[smem:$0x3FA9] =	sst s1  }
0xa: {  	[smem:$0x3FAA] =	sst s2  }
0xb: {  	[smem:$0x3FAB] =	sst s3  }
0xc: {  	[smem:$0x3FAC] =	sst s4  }
0xd: {  	[smem:$0x3FAD] =	sst s5  }
0xe: {  	[smem:$0x3FAE] =	sst s6  }
0xf: {  	[smem:$0x3FAF] =	sst s7  }
0x10: {  	[smem:$0x3FB0] =	sst s8  }
0x11: {  	[smem:$0x3FB1] =	sst s9;
	s0 =	simm.s32 @!p0 $0x0  }
0x12: {  	s1 =	sld [smem:$0x3F97];
	s0 =	simm.s32 @p0 $0x1  }
0x13: {  	[smem:$0x3FB2] =	sst s0;
	s0 =	simm.s32 @!p1 $0x0  }
0x14: {  	s2 =	sld [smem:$0x3F96];
	s0 =	simm.s32 @p1 $0x1  }
0x15: {  	[smem:$0x3FB3] =	sst s0;
	s0 =	simm.s32 @!p2 $0x0  }
0x16: {  	s3 =	sld [smem:$0x3FDB];
	s0 =	simm.s32 @p2 $0x1  }
0x17: {  	s4 =	simm.s32 $0x1BF5;
	[smem:$0x3FB5] =	sst s0  }
0x18: {  	s0 =	sld [smem:$0x3F98];
	_ =	swait.ge [sflag:s4], $0x0  }
0x19: {  	s7 =	sld [smem:$0x3F99]  }
0x1a: {  	s8 =	sadd.s32 $0xFFFFE003, lr  }
0x1b: {  	s9 =	sadd.s32 $0xFFFFFEF7, lr;
	s5 =	simm.s32 $0xFFFFFFFF;
	p2 =	slt.u32 s8, $0xFFFFF086  }
0x1c: {  	p1 =	slt.u32 s9, $0xF7A;
	s5 =	simm.s32 @!p2 $0x0  }
0x1d: {  	s5 =	simm.s32 @p1 $0x1;
	p0 =	seq.s32 s7, s2  }
0x1e: {  	s7 =	smul.u32 @!p0 $0xF7A, s2;
	p2 =	seq.s32 @!p0 s5, $0x0  }
0x1f: {  	s9 =	smul.u32 $0xF7A, s1;
	s8 =	simm.s32 @!p0 $0x1BF5;
	p2 =	por !p2, p0  }
0x20: {  	[sflag:s8] =	ssyncset.s32 @!p0 $0xFFFFF086;
	s6 =	sadd.s32 @!p0 s3, s7;
	s7 =	simm.s32 @!p0 $0x108  }
0x21: {  	s3 =	sadd.s32 s3, s9;
	s6 =	sadd.s32 @!p0 $0x88, s6;
	s7 =	simm.s32 @p2 $0x1082  }
0x22: {  	[simem:s7], [sflag:s8] =	dma.local @!p0 [hbm:s6], $0xF7A  }
0x23: {  	s9 =	sor.u32 $0xD0000000, s2;
	s6 =	simm.s32 $0x108;
	_ =	swait.ge @!p0 [sflag:s8], $0x0  }
0x24: {  	s3 =	sadd.s32 $0x88, s3;
	s6 =	simm.s32 @!p1 $0x1082;
	[sflag:s4] =	ssyncset.s32 $0xFFFFF086  }
0x25: {  	[simem:s6], [sflag:s4] =	dma.local [hbm:s3], $0xF7A  }
0x26: {  	[smem:$0x3F99] =	sst s1;
	(tag) =	ssettag s2;
	_ =	strace s9  }
0x27: {  	s1 =	sld [smem:$0x3FA9]  }
0x28: {  	s2 =	sld [smem:$0x3FAA]  }
0x29: {  	s4 =	sld [smem:$0x3FAC]  }
0x2a: {  	p0 =	seq.s32 s5, $0x0;
	s5 =	sld [smem:$0x3FAD]  }
0x2b: {  	s6 =	sld [smem:$0x3FAE]  }
0x2c: {  	s7 =	sld [smem:$0x3FAF]  }
0x2d: {  	s3 =	simm.s32 $0x108;
	s8 =	sld [smem:$0x3FB0]  }
0x2e: {  	s3 =	simm.s32 @!p0 $0x1082;
	s9 =	sld [smem:$0x3FB1]  }
0x2f: {  	lr =	sadd.s32 s0, s3;
	s0 =	sld [smem:$0x3FA8]  }
0x30: {  	s3 =	sld [smem:$0x3FAB]  }
0x31: {  	[smem:$0x3FB4] =	sst s10  }
0x32: {  	s10 =	sld [smem:$0x3FB2];
	_ =	sdelay $0x3  }
0x33: {  	p0 =	seq.s32 s10, $0x1;
	s10 =	sld [smem:$0x3FB4];
	_ =	sdelay $0x3  }
0x34: {  	[smem:$0x3FB4] =	sst s10  }
0x35: {  	s10 =	sld [smem:$0x3FB3];
	_ =	sdelay $0x3  }
0x36: {  	p1 =	seq.s32 s10, $0x1;
	s10 =	sld [smem:$0x3FB4];
	_ =	sdelay $0x3  }
0x37: {  	[smem:$0x3FB4] =	sst s10  }
0x38: {  	s10 =	sld [smem:$0x3FB5]  }
0x39: {  	_ = 	snop;
	(pc) =	sbr.ind lr, $3  }
0x3a: {  	_ = 	snop  }
0x3b: {  	_ = 	snop  }
0x3c: {  	p2 =	seq.s32 s10, $0x1;
	s10 =	sld [smem:$0x3FB4]  }
0x3d: {  	_ =	shalt  }
0x3e: {  	_ =	shalt  }
0x3f: {  	_ =	shalt  }
0x40: {  	_ =	shalt  }
0x41: {  	_ =	shalt  }
0x42: {  	_ =	shalt  }
0x43: {  	_ =	shalt  }
0x44: {  	_ =	shalt  }
0x45: {  	_ =	shalt  }
0x46: {  	_ =	shalt  }
0x47: {  	_ =	shalt  }
0x48: {  	_ =	shalt  }
0x49: {  	_ =	shalt  }
0x4a: {  	_ =	shalt  }
0x4b: {  	_ =	shalt  }
0x4c: {  	_ =	shalt  }
0x4d: {  	_ =	shalt  }
0x4e: {  	_ =	shalt  }
0x4f: {  	_ =	shalt  }
0x50: {  	_ =	shalt  }
0x51: {  	_ =	shalt  }
0x52: {  	_ =	shalt  }
0x53: {  	_ =	shalt  }
0x54: {  	_ =	shalt  }
0x55: {  	_ =	shalt  }
0x56: {  	_ =	shalt  }
0x57: {  	_ =	shalt  }
0x58: {  	_ =	shalt  }
0x59: {  	_ =	shalt  }
0x5a: {  	_ =	shalt  }
0x5b: {  	_ =	shalt  }
0x5c: {  	_ =	shalt  }
0x5d: {  	_ =	shalt  }
0x5e: {  	_ =	shalt  }
0x5f: {  	_ =	shalt  }
0x60: {  	_ =	shalt  }
0x61: {  	_ =	shalt  }
0x62: {  	_ =	shalt  }
0x63: {  	_ =	shalt  }
0x64: {  	_ =	shalt  }
0x65: {  	_ =	shalt  }
0x66: {  	_ =	shalt  }
0x67: {  	_ =	shalt  }
0x68: {  	_ =	shalt  }
0x69: {  	_ =	shalt  }
0x6a: {  	_ =	shalt  }
0x6b: {  	_ =	shalt  }
0x6c: {  	_ =	shalt  }
0x6d: {  	_ =	shalt  }
0x6e: {  	_ =	shalt  }
0x6f: {  	_ =	shalt  }
0x70: {  	_ =	shalt  }
0x71: {  	_ =	shalt  }
0x72: {  	_ =	shalt  }
0x73: {  	_ =	shalt  }
0x74: {  	_ =	shalt  }
0x75: {  	_ =	shalt  }
0x76: {  	_ =	shalt  }
0x77: {  	_ =	shalt  }
0x78: {  	_ =	shalt  }
0x79: {  	_ =	shalt  }
0x7a: {  	_ =	shalt  }
0x7b: {  	_ =	shalt  }
0x7c: {  	_ =	shalt  }
0x7d: {  	_ =	shalt  }
0x7e: {  	_ =	shalt  }
0x7f: {  	_ =	shalt  }
0x80: {  	_ =	shalt  }
0x81: {  	_ =	shalt  }
0x82: {  	_ =	shalt  }
0x83: {  	_ =	shalt  }
0x84: {  	_ =	shalt  }
0x85: {  	_ =	shalt  }
0x86: {  	_ =	shalt  }
0x87: {  	_ =	shalt  }
.Lfunc_end0:
.L_simem_size_0:
called_computation.3_lowered:
.L_overlay_start_0:
0x88: {  	s2 =	sld [smem:$0x3FD9]  }
0x89: {  	s3 =	sld [smem:$0x3FFE];
	_ =	sdelay $0x1  }
0x8a: {  	s1 =	srdreg.scid  }
0x8b: {  	s0 =	sand.u32 $0x1, s1  }
0x8c: {  	s16 =	sshll.u32 s0, $0xA;
	s2 =	sadd.s32 s3, s2  }
0x8d: {  	s2 =	sadd.s32 s2, s16  }
0x8e: {  	[smem:$0x3FC0] =	sst s2  }
0x8f: {  	_ = 	snop  }
0x90: {  	(tm) =	ssettm $0x1  }
0x91: {  	s17 =	sld [smem:$0x3FFB];
	_ =	sdelay $0x3  }
0x92: {  	_ =	strace s17  }
0x93: {  	s2 =	sld [smem:$0x3FFC];
	_ =	sdelay $0x3  }
0x94: {  	_ =	strace s2  }
0x95: {  	s2 =	sld [smem:$0x3FFD];
	_ =	sdelay $0x3  }
0x96: {  	_ =	strace s2  }
0x97: {  	_ =	strace $0x8FFFFFFF  }
0x98: {  	s18 =	sld [smem:$0x3FDB];
	_ =	sdelay $0x1  }
0x99: {  	s19 =	simm.s32 $_scs_section_size  }
0x9a: {  	s4 =	simm.s32 $_size__tile_overlayer_lowered;
	s5 =	simm.s32 $_tile_overlayer_lowered  }
0x9b: {  	s22 =	simm.s32 $0x1BFF;
	s21 =	sshll.u32 s5, $0x1;
	s2 =	sadd.s32 s19, s18  }
0x9c: {  	s6 =	simm.s32 $0x0;
	s20 =	sshll.u32 s4, $0x1;
	s4 =	sadd.s32 s21, s2  }
0x9d: {  	[timem:s6], [sflag:s22] =	dma.local [hbm:s4], s20  }
0x9e: {  	_ =	swait.ge [sflag:s22], s20  }
0x9f: {  	s3 =	ssub.s32 $0x0, s20;
	[sflag:s22] =	ssyncset.done $0x0  }
0xa0: {  	[sflag:s22] =	ssyncadd.s32 s3;
	_ =	sdelay $0x1  }
0xa1: {  	s23 =	simm.s32 $0x1B8B  }
0xa2: {  	_ =	swait.ge [sflag:s23], $0x1  }
0xa3: {  	[sflag:s23] =	ssyncset.done $0x0  }
0xa4: {  	s25 =	simm.s32 $0x1B8E;
	s24 =	sld [smem:$0x3FFE];
	[sflag:s23] =	ssyncadd.s32 $0xFFFFFFFF  }
0xa5: {  	s26 =	simm.s32 $execute0_lowered;
	[smem:$0x3FD2] =	sst s25  }
0xa6: {  	s4 =	sshll.u32 s26, $0x1;
	_ =	strace $0x8000004F;
	[dreg:$0x1] =	wrdreg $0xFFFFFFFF  }
0xa7: {  	s28 =	simm.s32 $_size_execute0_lowered;
	s2 =	sadd.s32 s2, s4;
	[dreg:$0x0] =	wrdreg $0x0  }
0xa8: {  	s4 =	sshll.u32 s28, $0x1;
	[dreg:$0x2] =	wrdreg s2  }
0xa9: {  	[dreg:$0x3] =	wrdreg s4  }
0xaa: {  	[dreg:$0x4] =	wrdreg $0xC0  }
0xab: {  	_ =	task [dreg:s6], $0x5FFFF  }
0xac: {  	[dreg:$0x1] =	wrdreg $0xFFFFFFFF  }
0xad: {  	[dreg:$0x0] =	wrdreg $0x60  }
0xae: {  	[dreg:$0x2] =	wrdreg s24  }
0xaf: {  	[dreg:$0x3] =	wrdreg $0x0  }
0xb0: {  	[dreg:$0x4] =	wrdreg $0x27100  }
0xb1: {  	[dreg:$0x5] =	wrdreg $0x9  }
0xb2: {  	_ =	task.clear_ibuf [dreg:s6], $0x6FFFF;
	_ =	strace $0x9000004F  }
0xb3: {  	s29 =	simm.s32 $0x9;
	_ =	strace $0x80000051  }
0xb4: {  	_ =	swait.ge [sflag:s29], $0x1  }
0xb5: {  	[sflag:s29] =	ssyncadd.s32 $0xFFFFFFFF  }
0xb6: {  	_ =	strace $0x90000051  }
0xb7: {  	_ =	sfence  }
0xb8: {  	s30 =	sld [smem:$0x0];
	_ =	sdelay $0x2  }
0xb9: {  	s31 =	sshll.u32 s1, $0xD;
	s1 =	sshrl.u32 s1, $0x2  }
0xba: {  	s3 =	sand.u32 $0x4000, s31;
	s1 =	sadd.s32 s1, s30  }
0xbb: {  	s0 =	sor.u32 s3, s0;
	s1 =	sshll.u32 s1, $0x11  }
0xbc: {  	s0 =	sor.u32 s1, s0  }
0xbd: {  	s0 =	sadd.s32 $0x8F2B, s0  }
0xbe: {  	[sflag:s0] =	ssyncadd.remote.s32 $0x1  }
0xbf: {  	_ =	sfence.sel $0xFFFF  }
0xc0: {  	[dreg:$0x0] =	wrdreg $0xFFFFFFFF;
	(pc) =	sbr.abs _section_cstart, $3  }
0xc1: {  	[dreg:$0x1] =	wrdreg $0xFFFFFFFF  }
0xc2: {  	_ =	task.clear_ibuf [dreg:s6], $0x2FFFF;
	_ =	strace $0x9FFFFFFF  }
0xc3: {  	(tm) =	ssettm $0x7FFFFFFF  }
tec
execute0_lowered:
.L_overlay_start_1:
0x0: {  	(tag) =	ssettag $0x1  }
0x1: {  	s0 =	rddreg [dreg:$0x0]  }
0x2: {  	s1 =	rddreg [dreg:$0x1]  }
0x3: {  	s3 =	rddreg [dreg:$0x2];
	s15 =	stileid.u32  }
0x4: {  	s2 =	srdreg.scid;
	s4 =	simm.s32 $0x0;
	s19 =	simm.s32 $0x4E20  }
0x5: {  	s20 =	simm.s32 $0x50;
	s24 =	simm.s32 $0x1;
	s25 =	simm.s32 $0x0  }
0x6: {  	s9 =	smul.u32 $0x2700, s15;
	s2 =	sand.u32 $0x1, s2;
	s5 =	sshll.u32 s15, $0x1  }
0x7: {  	[smem:$0x7FF] =	sst s4;
	s12 =	sadd.s32 $0x2600, s0;
	s29 =	sshll.u32 s15, $0x6  }
0x8: {  	s17 =	sadd.s32 $0x27000, s1;
	s18 =	sadd.s32 $0x27000, s3;
	p0 =	sne.s32 s15, $0xF  }
0x9: {  	s15 =	simm.s32 $0x2;
	s5 =	sor.u32 s2, s5;
	_ =	strace $0x80000050  }
0xa: {  	s28 =	ssub.s32 $0x2, s2;
	s2 =	smul.u32 $0x27100, s2;
	s17 =	sshrl.u32 @!p0 s17, $0x3  }
0xb: {  	s18 =	sshrl.u32 @!p0 s18, $0x3;
	s6 =	sshrl.u32 s9, $0x3;
	s5 =	smul.u32 $0x4E2, s5  }
0xc: {  	s8 =	sshrl.u32 s28, $0x1;
	s14 =	sadd.s32 s9, s1;
	s16 =	sadd.s32 s9, s3  }
0xd: {  	s7 =	sadd.s32 s6, s0;
	s13 =	ssub.s32 s28, s8;
	s6 =	sor.u32 $0x1C02, s29  }
0xe: {  	s8 =	sadd.s32 $0x1B600, s0;
	s30 =	sadd.s32 s9, s2;
	s2 =	sshrl.u32 s2, $0x3  }
0xf: {  	s14 =	sshrl.u32 s14, $0x3;
	s16 =	sshrl.u32 s16, $0x3;
	s10 =	sadd.s32 s5, s0  }
0x10: {  	s5 =	sadd.s32 $0x16200, s0;
	s7 =	sadd.s32 $0x16800, s7;
	s0 =	sshrl.u32 s30, $0x3  }
0x11: {  	s31 =	sadd.s32 s12, s2;
	s13 =	smax.u32 s13, $0x1;
	s9 =	sadd.s32 $0x20600, s10  }
0x12: {  	s10 =	sadd.s32 $0x2A400, s10;
	s11 =	sadd.s32 s12, s0;
	s12 =	sadd.s32 $0x4E00, s31  }
.LBB2_1:
0x13: {  	[spmem:s14], [sflag:s6] =	dma.local [hbm:s5], $0x4E0  }
0x14: {  	_ =	swait.ge [sflag:s15], $0x4E0  }
0x15: {  	[sflag:s15] =	ssyncset.done $0x0  }
0x16: {  	[sflag:s15] =	ssyncadd.s32 $0xFFFFFB20  }
0x17: {  	[spmem:s16], [sflag:s6] =	dma.local [hbm:s7], $0x4E0  }
0x18: {  	_ =	swait.ge [sflag:s15], $0x4E0  }
0x19: {  	[sflag:s15] =	ssyncset.done $0x0  }
0x1a: {  	s0 =	simm.s32 @!p0 $0x2;
	[sflag:s15] =	ssyncadd.s32 $0xFFFFFB20  }
0x1b: {  	[spmem:s17], [sflag:s6] =	dma.local @!p0 [hbm:s5], $0x20  }
0x1c: {  	_ =	swait.ge @!p0 [sflag:s0], $0x20  }
0x1d: {  	[sflag:s0] =	ssyncset.done @!p0 $0x0  }
0x1e: {  	[sflag:s0] =	ssyncadd.s32 @!p0 $0xFFFFFFE0  }
0x1f: {  	[spmem:s18], [sflag:s6] =	dma.local @!p0 [hbm:s8], $0x20  }
0x20: {  	_ =	swait.ge @!p0 [sflag:s0], $0x20  }
0x21: {  	[sflag:s0] =	ssyncset.done @!p0 $0x0  }
0x22: {  	[sflag:s0] =	ssyncadd.s32 @!p0 $0xFFFFFFE0  }
0x23: {  	[tilespmem:s19], [sflag:$0x2] =	stream.linear.gather [hbm4b:s9+s4], $0x2710, $0x38;
	[tilespmem:$0xAB40] =	vst v63  }
0x24: {  	_ =	swait.ge [sflag:s15], $0x2710  }
0x25: {  	[sflag:s15] =	ssyncset.done $0x0  }
0x26: {  	s0 =	simm.s32 $0x7530;
	[sflag:s15] =	ssyncadd.s32 $0xFFFFD8F0  }
0x27: {  	[tilespmem:s0], [sflag:$0x2] =	stream.linear.gather [hbm4b:s10+s4], $0x2710, $0x38;
	[tilespmem:$0xAB40] =	vst v63  }
0x28: {  	s26 =	simm.s32 $0x0;
	_ =	swait.ge [sflag:s15], $0x2710  }
0x29: {  	s26 =	smul.u32 $0xAB, s26;
	[sflag:s15] =	ssyncset.done $0x0  }
0x2a: {  	s2 =	simm.s32 $0x9C40;
	[sflag:s15] =	ssyncadd.s32 $0xFFFFD8F0  }
0x2b: {  	p1 =	por $0x0, $0x0;
	s26 =	sshrl.u32 s26, $0x9;
	[bflag:$0x0] =	sbarrier.arrive $0xFFFF  }
0x2c: {  	[tilespmem:s2], [sflag:$0x1] =	stream.indirect.gather [spmem:s3], $0x10, s19, s20, $0xb8;
	[tilespmem:$0xAB40] =	vst v63  }
0x2d: {  	s26 =	sand.u32 $0x7F, s26;
	s2 =	smul.u32 @!p1 $0xAB, s15  }
0x2e: {  	s28 =	smul.u32 $0x3, s26  }
0x2f: {  	s22 =	simm.s32 $0x4E70;
	s2 =	sshrl.u32 @!p1 s2, $0x9  }
0x30: {  	s28 =	ssub.s32 $0x0, s28;
	s2 =	sand.u32 @!p1 $0x7F, s2;
	p1 =	por p1, p1  }
0x31: {  	s21 =	simm.s32 $0xA140;
	s28 =	sand.u32 $0xFF, s28;
	s2 =	smul.u32 @!p1 $0x3, s2  }
0x32: {  	[tilespmem:s21], [sflag:$0x1] =	stream.indirect.gather [spmem:s3], $0x10, s22, s20, $0xb8;
	[tilespmem:$0xAB40] =	vst v63  }
0x33: {  	s30 =	simm.s32 $0x1;
	s28 =	smul.u32 $0x1400, s28;
	s2 =	ssub.s32 @!p1 $0x2, s2  }
0x34: {  	s29 =	simm.s32 $0x4EC0;
	s23 =	smul.u32 $0xAB, s30;
	s2 =	sand.u32 @!p1 $0xFF, s2  }
0x35: {  	p2 =	por $0x0, $0x0;
	s28 =	sshrl.u32 s28, $0x2;
	s2 =	smul.u32 @!p1 $0x1400, s2  }
0x36: {  	s26 =	simm.s32 $0x3;
	s28 =	sadd.s32 $0x9C40, s28;
	_ =	swait.ge [sflag:s24], $0x500  }
0x37: {  	s21 =	smul.u32 @!p2 $0xAB, s26;
	[sflag:s24] =	ssyncset.done $0x0;
	s2 =	sshrl.u32 @!p1 s2, $0x2  }
0x38: {  	s31 =	simm.s32 @!p1 $0x50;
	[sflag:s24] =	ssyncadd.s32 $0xFFFFFB00;
	s2 =	sadd.s32 @!p1 $0x9C40, s2  }
0x39: {  	[tilespmem:s2], [sflag:$0x1] =	stream.indirect.gather @!p1 [spmem:s3], $0x10, s29, s31, $0xb8;
	[tilespmem:$0xAB40] =	vst v63  }
0x3a: {  	s31 =	simm.s32 $0x4;
	s29 =	simm.s32 $0x4F10;
	s2 =	sshrl.u32 s23, $0x9  }
0x3b: {  	[spmem:s1] =	stream.indirect.scatter.add.f32 [tilespmem:s28], [sflag:$0x2], $0x10, s0, s20, $0xb8;
	[tilespmem:$0xAB40] =	vst v63  }
0x3c: {  	s28 =	simm.s32 $0x7580;
	s0 =	sshrl.u32 @!p2 s21, $0x9;
	_ =	swait.ge [sflag:s15], $0x500  }
.LBB2_2:
0x3d: {  	s0 =	sand.u32 @!p2 $0x7F, s0;
	[sflag:s15] =	ssyncset.done $0x0;
	s21 =	smov.u32 s31  }
0x3e: {  	s31 =	sadd.s32 $0x1, s31;
	s22 =	smov.u32 s28;
	p3 =	por p2, p2  }
0x3f: {  	p1 =	sne.s32 s31, $0x7F;
	s0 =	smul.u32 @!p3 $0x3, s0;
	[sflag:s15] =	ssyncadd.s32 $0xFFFFFB00  }
0x40: {  	s2 =	sand.u32 $0x7F, s2  }
0x41: {  	s2 =	smul.u32 $0x3, s2;
	s0 =	ssub.s32 @!p3 s26, s0;
	s26 =	smov.u32 s21  }
0x42: {  	s28 =	sadd.s32 $0x50, s28;
	s0 =	sand.u32 @!p3 $0xFF, s0  }
0x43: {  	s2 =	ssub.s32 s30, s2;
	s21 =	simm.s32 @!p3 $0x50;
	s0 =	smul.u32 @!p3 $0x1400, s0  }
0x44: {  	s2 =	sand.u32 $0xFF, s2;
	s30 =	sadd.s32 $0xFFFFFFFE, s26;
	_ =	swait.ge [sflag:s24], $0x500  }
0x45: {  	s2 =	smul.u32 $0x1400, s2;
	[sflag:s24] =	ssyncset.done $0x0;
	s0 =	sshrl.u32 @!p3 s0, $0x2  }
0x46: {  	s23 =	smul.u32 $0xAB, s30;
	[sflag:s24] =	ssyncadd.s32 $0xFFFFFB00;
	s0 =	sadd.s32 @!p3 $0x9C40, s0  }
.Ltmp0:
0x47: {  	p2 =	sgt.u32 s30, $0x7A;
	s2 =	sshrl.u32 s2, $0x2;
	(pc) =	sbr.rel @p1 .LBB2_2-.Ltmp0, $4  }
0x48: {  	[tilespmem:s0], [sflag:$0x1] =	stream.indirect.gather @!p3 [spmem:s3], $0x10, s29, s21, $0xb8;
	[tilespmem:$0xAB40] =	vst v63  }
0x49: {  	s2 =	sadd.s32 $0x9C40, s2;
	s0 =	smul.u32 @!p2 $0xAB, s26;
	s29 =	sadd.s32 $0x50, s29  }
0x4a: {  	[spmem:s1] =	stream.indirect.scatter.add.f32 [tilespmem:s2], [sflag:$0x2], $0x10, s22, s20, $0xb8;
	[tilespmem:$0xAB40] =	vst v63  }
0x4b: {  	s2 =	sshrl.u32 s23, $0x9;
	s0 =	sshrl.u32 @!p2 s0, $0x9;
	_ =	swait.ge [sflag:s15], $0x500  }
0x4c: {  	s0 =	sand.u32 @!p2 $0x7F, s0;
	p1 =	por p2, p2  }
0x4d: {  	s2 =	sand.u32 $0x7F, s2;
	s0 =	smul.u32 @!p1 $0x3, s0  }
0x4e: {  	s2 =	smul.u32 $0x3, s2  }
0x4f: {  	s0 =	ssub.s32 @!p1 s26, s0  }
0x50: {  	[sflag:s15] =	ssyncset.done $0x0;
	s2 =	ssub.s32 s30, s2;
	s0 =	sand.u32 @!p1 $0xFF, s0  }
0x51: {  	[sflag:s15] =	ssyncadd.s32 $0xFFFFFB00;
	s2 =	sand.u32 $0xFF, s2;
	s0 =	smul.u32 @!p1 $0x1400, s0  }
0x52: {  	_ =	swait.ge [sflag:s24], $0x500;
	s2 =	smul.u32 $0x1400, s2  }
0x53: {  	s21 =	simm.s32 @!p1 $0x50;
	[sflag:s24] =	ssyncset.done $0x0;
	s0 =	sshrl.u32 @!p1 s0, $0x2  }
0x54: {  	[sflag:s24] =	ssyncadd.s32 $0xFFFFFB00;
	s2 =	sshrl.u32 s2, $0x2;
	s0 =	sadd.s32 @!p1 $0x9C40, s0  }
0x55: {  	[tilespmem:s0], [sflag:$0x1] =	stream.indirect.gather @!p1 [spmem:s3], $0x10, s29, s21, $0xb8;
	[tilespmem:$0xAB40] =	vst v63  }
0x56: {  	s31 =	sadd.s32 $0x9C40, s2  }
0x57: {  	[spmem:s1] =	stream.indirect.scatter.add.f32 [tilespmem:s31], [sflag:$0x2], $0x10, s28, s20, $0xb8;
	[tilespmem:$0xAB40] =	vst v63  }
0x58: {  	_ =	swait.ge [sflag:s15], $0x500  }
0x59: {  	[sflag:s15] =	ssyncset.done $0x0  }
0x5a: {  	[sflag:s15] =	ssyncadd.s32 $0xFFFFFB00  }
0x5b: {  	[bflag:$0x0] =	sbarrier.arrive $0xFFFF  }
0x5c: {  	[hbm:s11], [sflag:s6] =	dma.local [spmem:s14], $0x4E0  }
0x5d: {  	s25 =	sadd.s32 $0x1, s25;
	_ =	swait.ge [sflag:s15], $0x4E0  }
0x5e: {  	p1 =	sne.s32 s25, s13;
	[sflag:s15] =	ssyncset.done $0x0  }
.Ltmp1:
0x5f: {  	s0 =	simm.s32 @!p0 $0x2;
	[sflag:s15] =	ssyncadd.s32 $0xFFFFFB20;
	(pc) =	sbr.rel @p1 .LBB2_1-.Ltmp1, $4  }
0x60: {  	[hbm:s12], [sflag:s6] =	dma.local @!p0 [spmem:s17], $0x20  }
0x61: {  	_ =	swait.ge @!p0 [sflag:s0], $0x20  }
0x62: {  	[sflag:s0] =	ssyncset.done @!p0 $0x0  }
0x63: {  	[sflag:s0] =	ssyncadd.s32 @!p0 $0xFFFFFFE0  }
0x64: {  	_ =	sfence.sel $0x180000  }
0x65: {  	[bflag:$0x0] =	sbarrier.arrive $0xFFFF  }
0x66: {  	_ =	strace $0x90000050  }
0x67: {  	s0 =	stileid.u32;
	[bflag:$0x2] =	sbarrier.arrive $0xFFFF  }
0x68: {  	p0 =	sne.s32 s0, $0x0;
	s0 =	rddreg [dreg:$0x3]  }
0x69: {  	s0 =	sadd.s32 @!p0 $0x100000, s0  }
0x6a: {  	[sflag:s0] =	ssyncadd.tile.s32 @!p0 $0x1;
	_ =	shalt  }
.Lfunc_end2:
_tile_overlayer_lowered:
.L_overlay_start_2:
0x6b: {  	(tag) =	ssettag $0x2  }
0x6c: {  	s0 =	rddreg [dreg:$0x0];
	s2 =	stileid.u32  }
0x6d: {  	s1 =	rddreg [dreg:$0x1];
	p0 =	sne.s32 s2, $0x0  }
0x6e: {  	s3 =	rddreg [dreg:$0x2];
	[bflag:$0x3] =	sbarrier.arrive $0xFFFF;
	s2 =	simm.s32 @!p0 $0x1C02  }
0x6f: {  	[timem:s3], [sflag:s2] =	dma.local @!p0 [hbm:s0], s1  }
0x70: {  	s0 =	simm.s32 @!p0 $0x2  }
0x71: {  	_ =	swait.ge @!p0 [sflag:s0], s1  }
0x72: {  	s1 =	ssub.s32 @!p0 $0x0, s1;
	[sflag:s0] =	ssyncset.done @!p0 $0x0  }
0x73: {  	[sflag:s0] =	ssyncadd.s32 @!p0 s1  }
0x74: {  	[bflag:$0x3] =	sbarrier.arrive $0xFFFF  }
0x75: {  	_ =	shalt  }

</sc_bundles>
